<compile_context>
chip_gen: v7x
topology: tpu7x:2x2x1
jax: 0.10.2.dev20260603
libtpu: 0.0.44.dev20260713+nightly
codegen_flags: <defaults>
</compile_context>

<pallas_src>
import jax
import jax.numpy as jnp
from jax import lax
from jax.experimental import pallas as pl
from jax.experimental.pallas import tpu as pltpu
from jax.experimental.pallas import tpu_sc as plsc

N = 10000
E = 320000
F = 128
C = 4
EPS = 1e-5

NC = 2
NS = 16
NW = NC * NS
K = 56
NCHUNK = 184
TCHUNK = NCHUNK // 4
EPT = NCHUNK * K
EPAD = NW * EPT
RPT = 632
NP = RPT * NS
CW = 32


def _sc_agg_body(x_hbm, src_hbm, dst_hbm, zf_hbm, parts_hbm,
                 idx_src_v, idx_dst_v, rows0_v, rows1_v, rows2_v, rows3_v,
                 acc_sh, sem0, sem1, sem2, sem3):
    c = lax.axis_index("c")
    s = lax.axis_index("s")
    wid = c * NS + s
    r0 = s * RPT

    pltpu.sync_copy(zf_hbm.at[pl.ds(r0, RPT)], acc_sh.at[pl.ds(r0, RPT)])
    pltpu.sync_copy(src_hbm.at[wid], idx_src_v)
    pltpu.sync_copy(dst_hbm.at[wid], idx_dst_v)
    plsc.subcore_barrier()

    def gather(j, buf, sem):
        pltpu.async_copy(x_hbm.at[idx_src_v.at[pl.ds(j * K, K)]], buf, sem)

    def drain(buf, sem):
        pltpu.make_async_copy(x_hbm.at[idx_src_v.at[pl.ds(0, K)]], buf,
                              sem).wait()

    def scatter(j, buf):
        pltpu.sync_copy(buf, acc_sh.at[idx_dst_v.at[pl.ds(j * K, K)]],
                        add=True)

    gather(0, rows0_v, sem0)
    gather(1, rows1_v, sem1)
    gather(2, rows2_v, sem2)

    def ring(t, carry):
        a = 4 * t
        gather(a + 3, rows3_v, sem3)
        drain(rows0_v, sem0)
        scatter(a, rows0_v)
        gather(a + 4, rows0_v, sem0)
        drain(rows1_v, sem1)
        scatter(a + 1, rows1_v)
        gather(a + 5, rows1_v, sem1)
        drain(rows2_v, sem2)
        scatter(a + 2, rows2_v)
        gather(a + 6, rows2_v, sem2)
        drain(rows3_v, sem3)
        scatter(a + 3, rows3_v)
        return carry

    lax.fori_loop(0, TCHUNK - 1, ring, 0)
    a = NCHUNK - 4
    gather(a + 3, rows3_v, sem3)
    drain(rows0_v, sem0)
    scatter(a, rows0_v)
    drain(rows1_v, sem1)
    scatter(a + 1, rows1_v)
    drain(rows2_v, sem2)
    scatter(a + 2, rows2_v)
    drain(rows3_v, sem3)
    scatter(a + 3, rows3_v)
    plsc.subcore_barrier()

    pltpu.sync_copy(acc_sh.at[pl.ds(r0, RPT)], parts_hbm.at[c, pl.ds(r0, RPT)])


def _sc_cnt_body(dst_hbm, zf_hbm, ones_hbm, cnt_hbm,
                 idx_dst_v, ones_v, acc_sh, sem):
    c = lax.axis_index("c")
    s = lax.axis_index("s")
    wid = c * NS + s
    r0 = s * RPT

    pltpu.sync_copy(zf_hbm.at[pl.ds(r0, RPT)], acc_sh.at[pl.ds(r0, RPT)])
    pltpu.sync_copy(dst_hbm.at[wid], idx_dst_v)
    pltpu.sync_copy(ones_hbm, ones_v)
    plsc.subcore_barrier()

    def chunk(j, carry):
        pltpu.sync_copy(ones_v, acc_sh.at[idx_dst_v.at[pl.ds(j * K, K)]],
                        add=True)
        return carry

    lax.fori_loop(0, NCHUNK, chunk, 0)
    plsc.subcore_barrier()
    pltpu.sync_copy(acc_sh.at[pl.ds(r0, RPT)], cnt_hbm.at[c, pl.ds(r0, RPT)])


def _sc_mesh():
    return plsc.VectorSubcoreMesh(
        core_axis_name="c", subcore_axis_name="s", num_cores=NC, num_subcores=NS
    )


def _make_sc_agg():
    return pl.kernel(
        _sc_agg_body,
        out_type=[jax.ShapeDtypeStruct((NC, NP, F), jnp.float32)],
        mesh=_sc_mesh(),
        scratch_types=(
            [pltpu.VMEM((EPT,), jnp.int32),
             pltpu.VMEM((EPT,), jnp.int32)]
            + [pltpu.VMEM((K, F), jnp.float32)] * 4
            + [pltpu.VMEM_SHARED((NP, F), jnp.float32)]
            + [pltpu.SemaphoreType.DMA] * 4
        ),
    )


def _make_sc_cnt():
    return pl.kernel(
        _sc_cnt_body,
        out_type=[jax.ShapeDtypeStruct((NC, NP, F), jnp.float32)],
        mesh=_sc_mesh(),
        scratch_types=[
            pltpu.VMEM((EPT,), jnp.int32),
            pltpu.VMEM((K, F), jnp.float32),
            pltpu.VMEM_SHARED((NP, F), jnp.float32),
            pltpu.SemaphoreType.DMA,
        ],
    )


def _tc_layer1(parts_ref, cntp_ref, h_ref, wlt_ref, bl_ref, wrt_ref, g_ref,
               be_ref, out_ref, inv_ref):
    cnt = cntp_ref[0, :N, 0:1] + cntp_ref[1, :N, 0:1]
    inv = 1.0 / jnp.maximum(cnt, 1.0)
    inv_ref[...] = inv
    agg = parts_ref[0, :N] + parts_ref[1, :N]
    mean = agg * inv
    z = (jnp.dot(mean, wlt_ref[...], preferred_element_type=jnp.float32)
         + jnp.dot(h_ref[...], wrt_ref[...], preferred_element_type=jnp.float32)
         + bl_ref[...])
    mu = jnp.mean(z, axis=0, keepdims=True)
    var = jnp.mean((z - mu) ** 2, axis=0, keepdims=True)
    out_ref[...] = jnp.maximum((z - mu) / jnp.sqrt(var + EPS) * g_ref[...]
                               + be_ref[...], 0.0)


def _tc_layer2(parts_ref, inv_ref, h_ref, wlt_ref, bl_ref, wrt_ref, g_ref,
               be_ref, out_ref):
    agg = parts_ref[0, :N] + parts_ref[1, :N]
    mean = agg * inv_ref[...]
    z = (jnp.dot(mean, wlt_ref[...], preferred_element_type=jnp.float32)
         + jnp.dot(h_ref[...], wrt_ref[...], preferred_element_type=jnp.float32)
         + bl_ref[...])
    mu = jnp.mean(z, axis=0, keepdims=True)
    var = jnp.mean((z - mu) ** 2, axis=0, keepdims=True)
    out_ref[...] = jnp.maximum((z - mu) / jnp.sqrt(var + EPS) * g_ref[...]
                               + be_ref[...], 0.0)


def _tc_layer3(parts_ref, inv_ref, h_ref, wlt_ref, bl_ref, wrt_ref, g_ref,
               be_ref, wft_ref, bf_ref, wct_ref, bc_ref, out_ref):
    agg = parts_ref[0, :N] + parts_ref[1, :N]
    mean = agg * inv_ref[...]
    z = (jnp.dot(mean, wlt_ref[...], preferred_element_type=jnp.float32)
         + jnp.dot(h_ref[...], wrt_ref[...], preferred_element_type=jnp.float32)
         + bl_ref[...])
    mu = jnp.mean(z, axis=0, keepdims=True)
    var = jnp.mean((z - mu) ** 2, axis=0, keepdims=True)
    h3 = jnp.maximum((z - mu) / jnp.sqrt(var + EPS) * g_ref[...]
                     + be_ref[...], 0.0)
    hf = jnp.maximum(
        jnp.dot(h3, wft_ref[...], preferred_element_type=jnp.float32)
        + bf_ref[...], 0.0)
    out_ref[...] = (jnp.dot(hf, wct_ref[...], preferred_element_type=jnp.float32)
                    + bc_ref[...])


def kernel(x, edge_index, Wl1, bl1, Wr1, g1, be1, Wl2, bl2, Wr2, g2, be2,
           Wl3, bl3, Wr3, g3, be3, Wf, bf, Wc, bc):
    pad = EPAD - E
    pad_src = (jnp.arange(pad, dtype=jnp.int32) * 61) % N
    pad_dst = N + (jnp.arange(pad, dtype=jnp.int32) % (NP - N))
    src3 = jnp.concatenate([edge_index[0], pad_src]).reshape(NW, EPT)
    dst3 = jnp.concatenate([edge_index[1], pad_dst]).reshape(NW, EPT)
    zf = jnp.zeros((NP, F), jnp.float32)
    ones = jnp.ones((K, F), jnp.float32)

    agg = _make_sc_agg()
    cnt_kernel = _make_sc_cnt()

    row = lambda v: v.reshape(1, -1)

    cntp, = cnt_kernel(dst3, zf, ones)
    parts1, = agg(x, src3, dst3, zf)
    h1, inv = pl.pallas_call(
        _tc_layer1,
        out_shape=[jax.ShapeDtypeStruct((N, F), jnp.float32),
                   jax.ShapeDtypeStruct((N, 1), jnp.float32)],
    )(parts1, cntp, x, Wl1.T, row(bl1), Wr1.T, row(g1), row(be1))

    parts2, = agg(h1, src3, dst3, zf)
    h2, = pl.pallas_call(
        _tc_layer2,
        out_shape=[jax.ShapeDtypeStruct((N, F), jnp.float32)],
    )(parts2, inv, h1, Wl2.T, row(bl2), Wr2.T, row(g2), row(be2))

    parts3, = agg(h2, src3, dst3, zf)
    out, = pl.pallas_call(
        _tc_layer3,
        out_shape=[jax.ShapeDtypeStruct((N, C), jnp.float32)],
    )(parts3, inv, h2, Wl3.T, row(bl3), Wr3.T, row(g3), row(be3),
      Wf.T, row(bf), Wc.T, row(bc))
    return out

# --- scband reference (transcript-rebuilt; emitter-appended) ---
"""Pipeline reference for scband-legacy-facebook-gnn-16853451669719 (READ-ONLY COPY).

The authoritative reference and input builder live on the scoring server;
editing this copy changes nothing except your own understanding.
"""

import jax, jax.numpy as jnp
import numpy as np

N = 10000
E = 320000
IN = 128
HID = 128
C = 4
EPS = 1e-5


def setup_inputs(seed: int = 0) -> dict:
    key = jax.random.key(seed)
    ks = jax.random.split(key, 24)
    inp = {}
    inp["x"] = jax.random.normal(ks[0], (N, IN), dtype=jnp.float32)
    inp["edge_index"] = jax.random.randint(ks[1], (2, E), 0, N, dtype=jnp.int32)
    # SAGEConv params: lin_l (neighbor agg, with bias), lin_r (root, no bias)
    def lin(k, fo, fi):
        s = 1.0 / np.sqrt(fi)
        return jax.random.uniform(k, (fo, fi), minval=-s, maxval=s, dtype=jnp.float32)
    inp["Wl1"] = lin(ks[2], HID, IN); inp["bl1"] = jnp.zeros((HID,), jnp.float32)
    inp["Wr1"] = lin(ks[3], HID, IN)
    inp["g1"] = jnp.ones((HID,), jnp.float32); inp["be1"] = jnp.zeros((HID,), jnp.float32)
    inp["Wl2"] = lin(ks[4], HID, HID); inp["bl2"] = jnp.zeros((HID,), jnp.float32)
    inp["Wr2"] = lin(ks[5], HID, HID)
    inp["g2"] = jnp.ones((HID,), jnp.float32); inp["be2"] = jnp.zeros((HID,), jnp.float32)
    inp["Wl3"] = lin(ks[6], HID, HID); inp["bl3"] = jnp.zeros((HID,), jnp.float32)
    inp["Wr3"] = lin(ks[7], HID, HID)
    inp["g3"] = jnp.ones((HID,), jnp.float32); inp["be3"] = jnp.zeros((HID,), jnp.float32)
    inp["Wf"] = lin(ks[8], HID, HID); inp["bf"] = jax.random.uniform(ks[9], (HID,), minval=-1/np.sqrt(HID), maxval=1/np.sqrt(HID), dtype=jnp.float32)
    inp["Wc"] = lin(ks[10], C, HID); inp["bc"] = jax.random.uniform(ks[11], (C,), minval=-1/np.sqrt(HID), maxval=1/np.sqrt(HID), dtype=jnp.float32)
    return inp


def _sage(x, src, dst, Wl, bl, Wr):
    # PyG SAGEConv (mean aggr): out = lin_l(mean_{j->i} x_j) + lin_r(x_i)
    msg = jnp.take(x, src, axis=0)
    agg = jax.ops.segment_sum(msg, dst, num_segments=N)
    cnt = jax.ops.segment_sum(jnp.ones((src.shape[0],), jnp.float32), dst, num_segments=N)
    mean = agg / jnp.maximum(cnt, 1.0)[:, None]
    return mean @ Wl.T + bl + x @ Wr.T


def _bn(h, g, b):
    mu = jnp.mean(h, axis=0, keepdims=True)
    var = jnp.var(h, axis=0, keepdims=True)
    return (h - mu) / jnp.sqrt(var + EPS) * g + b


def reference(x, edge_index, Wl1, bl1, Wr1, g1, be1, Wl2, bl2, Wr2, g2, be2, Wl3, bl3, Wr3, g3, be3, Wf, bf, Wc, bc):
    src = edge_index[0]
    dst = edge_index[1]
    h = jax.nn.relu(_bn(_sage(x, src, dst, Wl1, bl1, Wr1), g1, be1))
    h = jax.nn.relu(_bn(_sage(h, src, dst, Wl2, bl2, Wr2), g2, be2))
    h = jax.nn.relu(_bn(_sage(h, src, dst, Wl3, bl3, Wr3), g3, be3))
    h = jax.nn.relu(h @ Wf.T + bf)
    return h @ Wc.T + bc

if __name__ == "__main__":
    import jax
    _d = setup_inputs()
    print(jax.jit(kernel)(*tuple(_d.values())))

</pallas_src>

<mosaic_0001>
#map = affine_map<(d0, d1) -> (0, 0)>
#map1 = affine_map<(d0, d1) -> (0, 0, 0)>
module attributes {stable_mosaic.version = 14 : i64} {
  func.func @_sc_agg_body(%arg0: i32, %arg1: i32, %arg2: memref<10000x128xf32, #tpu.memory_space<hbm>>, %arg3: memref<32x10304xi32, #tpu.memory_space<hbm>>, %arg4: memref<32x10304xi32, #tpu.memory_space<hbm>>, %arg5: memref<10112x128xf32, #tpu.memory_space<hbm>>, %arg6: memref<2x10112x128xf32, #tpu.memory_space<hbm>>, %arg7: memref<10304xi32, #tpu.memory_space<vmem>>, %arg8: memref<10304xi32, #tpu.memory_space<vmem>>, %arg9: memref<56x128xf32, #tpu.memory_space<vmem>>, %arg10: memref<56x128xf32, #tpu.memory_space<vmem>>, %arg11: memref<56x128xf32, #tpu.memory_space<vmem>>, %arg12: memref<56x128xf32, #tpu.memory_space<vmem>>, %arg13: memref<10112x128xf32, #tpu.memory_space<vmem_shared>>, %arg14: memref<!tpu.dma_semaphore, #tpu.memory_space<semaphore_mem>>, %arg15: memref<!tpu.dma_semaphore, #tpu.memory_space<semaphore_mem>>, %arg16: memref<!tpu.dma_semaphore, #tpu.memory_space<semaphore_mem>>, %arg17: memref<!tpu.dma_semaphore, #tpu.memory_space<semaphore_mem>>) attributes {dimension_semantics = [#tpu.dimension_semantics<core_parallel>, #tpu.dimension_semantics<subcore_parallel>], iteration_bounds = array<i64: 2, 16>, scalar_prefetch = 0 : i64, scratch_operands = 11 : i64, tpu.core_type = #tpu.core_type<sc_vector_subcore>, window_params = [{transform_indices = #map}, {transform_indices = #map}, {transform_indices = #map}, {transform_indices = #map}, {transform_indices = #map1}]} {
    %mul3A = arith.constant 16 : i32
    %mul3A_0 = arith.muli %arg0, %mul3A : i32
    %add3A = arith.addi %mul3A_0, %arg1 : i32
    %mul3A_1 = arith.constant 632 : i32
    %mul3A_2 = arith.muli %arg1, %mul3A_1 : i32
    "tpu.region"() ({
      %run_scoped3A = tpu.sem_alloc : memref<!tpu.dma_semaphore, #tpu.memory_space<semaphore_mem>>
      %dma_start3A_47 = arith.constant 0 : i32
      %dma_start3A_48 = tpu.memref_slice %arg13[%mul3A_2, %dma_start3A_47] : memref<10112x128xf32, #tpu.memory_space<vmem_shared>> -> memref<632x128xf32, #tpu.memory_space<vmem_shared>>
      %dma_start3A_49 = arith.constant 0 : i32
      %dma_start3A_50 = tpu.memref_slice %arg5[%mul3A_2, %dma_start3A_49] : memref<10112x128xf32, #tpu.memory_space<hbm>> -> memref<632x128xf32, #tpu.memory_space<hbm>>
      tpu.enqueue_dma source(%dma_start3A_50 : memref<632x128xf32, #tpu.memory_space<hbm>>) target(%dma_start3A_48 : memref<632x128xf32, #tpu.memory_space<vmem_shared>>) target_semaphore(%run_scoped3A : memref<!tpu.dma_semaphore, #tpu.memory_space<semaphore_mem>>)
      %dma_wait3A_51 = arith.constant 0 : i32
      %dma_wait3A_52 = tpu.memref_slice %arg13[%mul3A_2, %dma_wait3A_51] : memref<10112x128xf32, #tpu.memory_space<vmem_shared>> -> memref<632x128xf32, #tpu.memory_space<vmem_shared>>
      %dma_wait3A_53 = arith.constant 0 : i32
      %dma_wait3A_54 = tpu.memref_slice %arg5[%mul3A_2, %dma_wait3A_53] : memref<10112x128xf32, #tpu.memory_space<hbm>> -> memref<632x128xf32, #tpu.memory_space<hbm>>
      tpu.wait_dma2 semaphore(%run_scoped3A : memref<!tpu.dma_semaphore, #tpu.memory_space<semaphore_mem>>) src(%dma_wait3A_54 : memref<632x128xf32, #tpu.memory_space<hbm>>) dst(%dma_wait3A_52 : memref<632x128xf32, #tpu.memory_space<vmem_shared>>)
      tpu.yield
    }) : () -> ()
    "tpu.region"() ({
      %run_scoped3A = tpu.sem_alloc : memref<!tpu.dma_semaphore, #tpu.memory_space<semaphore_mem>>
      %dma_start3A_47 = arith.constant 0 : i32
      %dma_start3A_48 = tpu.memref_slice %arg3[%add3A, %dma_start3A_47] : memref<32x10304xi32, #tpu.memory_space<hbm>> -> memref<1x10304xi32, #tpu.memory_space<hbm>>
      %dma_start3A_49 = tpu.memref_squeeze %dma_start3A_48 : memref<1x10304xi32, #tpu.memory_space<hbm>> -> memref<10304xi32, #tpu.memory_space<hbm>>
      %dma_start3A_50 = arith.constant 0 : i32
      %dma_start3A_51 = tpu.memref_slice %arg3[%add3A, %dma_start3A_50] : memref<32x10304xi32, #tpu.memory_space<hbm>> -> memref<1x10304xi32, #tpu.memory_space<hbm>>
      %dma_start3A_52 = tpu.memref_squeeze %dma_start3A_51 : memref<1x10304xi32, #tpu.memory_space<hbm>> -> memref<10304xi32, #tpu.memory_space<hbm>>
      tpu.enqueue_dma source(%dma_start3A_52 : memref<10304xi32, #tpu.memory_space<hbm>>) target(%arg7 : memref<10304xi32, #tpu.memory_space<vmem>>) target_semaphore(%run_scoped3A : memref<!tpu.dma_semaphore, #tpu.memory_space<semaphore_mem>>)
      %dma_wait3A_53 = arith.constant 0 : i32
      %dma_wait3A_54 = tpu.memref_slice %arg3[%add3A, %dma_wait3A_53] : memref<32x10304xi32, #tpu.memory_space<hbm>> -> memref<1x10304xi32, #tpu.memory_space<hbm>>
      %dma_wait3A_55 = tpu.memref_squeeze %dma_wait3A_54 : memref<1x10304xi32, #tpu.memory_space<hbm>> -> memref<10304xi32, #tpu.memory_space<hbm>>
      %dma_wait3A_56 = arith.constant 0 : i32
      %dma_wait3A_57 = tpu.memref_slice %arg3[%add3A, %dma_wait3A_56] : memref<32x10304xi32, #tpu.memory_space<hbm>> -> memref<1x10304xi32, #tpu.memory_space<hbm>>
      %dma_wait3A_58 = tpu.memref_squeeze %dma_wait3A_57 : memref<1x10304xi32, #tpu.memory_space<hbm>> -> memref<10304xi32, #tpu.memory_space<hbm>>
      tpu.wait_dma2 semaphore(%run_scoped3A : memref<!tpu.dma_semaphore, #tpu.memory_space<semaphore_mem>>) src(%dma_wait3A_58 : memref<10304xi32, #tpu.memory_space<hbm>>) dst(%arg7 : memref<10304xi32, #tpu.memory_space<vmem>>)
      tpu.yield
    }) : () -> ()
    "tpu.region"() ({
      %run_scoped3A = tpu.sem_alloc : memref<!tpu.dma_semaphore, #tpu.memory_space<semaphore_mem>>
      %dma_start3A_47 = arith.constant 0 : i32
      %dma_start3A_48 = tpu.memref_slice %arg4[%add3A, %dma_start3A_47] : memref<32x10304xi32, #tpu.memory_space<hbm>> -> memref<1x10304xi32, #tpu.memory_space<hbm>>
      %dma_start3A_49 = tpu.memref_squeeze %dma_start3A_48 : memref<1x10304xi32, #tpu.memory_space<hbm>> -> memref<10304xi32, #tpu.memory_space<hbm>>
      %dma_start3A_50 = arith.constant 0 : i32
      %dma_start3A_51 = tpu.memref_slice %arg4[%add3A, %dma_start3A_50] : memref<32x10304xi32, #tpu.memory_space<hbm>> -> memref<1x10304xi32, #tpu.memory_space<hbm>>
      %dma_start3A_52 = tpu.memref_squeeze %dma_start3A_51 : memref<1x10304xi32, #tpu.memory_space<hbm>> -> memref<10304xi32, #tpu.memory_space<hbm>>
      tpu.enqueue_dma source(%dma_start3A_52 : memref<10304xi32, #tpu.memory_space<hbm>>) target(%arg8 : memref<10304xi32, #tpu.memory_space<vmem>>) target_semaphore(%run_scoped3A : memref<!tpu.dma_semaphore, #tpu.memory_space<semaphore_mem>>)
      %dma_wait3A_53 = arith.constant 0 : i32
      %dma_wait3A_54 = tpu.memref_slice %arg4[%add3A, %dma_wait3A_53] : memref<32x10304xi32, #tpu.memory_space<hbm>> -> memref<1x10304xi32, #tpu.memory_space<hbm>>
      %dma_wait3A_55 = tpu.memref_squeeze %dma_wait3A_54 : memref<1x10304xi32, #tpu.memory_space<hbm>> -> memref<10304xi32, #tpu.memory_space<hbm>>
      %dma_wait3A_56 = arith.constant 0 : i32
      %dma_wait3A_57 = tpu.memref_slice %arg4[%add3A, %dma_wait3A_56] : memref<32x10304xi32, #tpu.memory_space<hbm>> -> memref<1x10304xi32, #tpu.memory_space<hbm>>
      %dma_wait3A_58 = tpu.memref_squeeze %dma_wait3A_57 : memref<1x10304xi32, #tpu.memory_space<hbm>> -> memref<10304xi32, #tpu.memory_space<hbm>>
      tpu.wait_dma2 semaphore(%run_scoped3A : memref<!tpu.dma_semaphore, #tpu.memory_space<semaphore_mem>>) src(%dma_wait3A_58 : memref<10304xi32, #tpu.memory_space<hbm>>) dst(%arg8 : memref<10304xi32, #tpu.memory_space<vmem>>)
      tpu.yield
    }) : () -> ()
    %barrier3A = arith.constant 0 : index
    tpu.barrier barrier_id(%barrier3A)
    %dma_start3A = arith.constant 0 : i32
    %dma_start3A_3 = tpu.memref_slice %arg7[%dma_start3A] : memref<10304xi32, #tpu.memory_space<vmem>> -> memref<56xi32, #tpu.memory_space<vmem>>
    %dma_start3A_4 = arith.constant 0 : i32
    %dma_start3A_5 = arith.constant 0 : i32
    %dma_start3A_6 = tpu.memref_slice %arg2[%dma_start3A_4, %dma_start3A_5] : memref<10000x128xf32, #tpu.memory_space<hbm>> -> memref<10000x128xf32, #tpu.memory_space<hbm>>
    tpu.enqueue_indirect_dma source(%dma_start3A_6 : memref<10000x128xf32, #tpu.memory_space<hbm>>) target(%arg9 : memref<56x128xf32, #tpu.memory_space<vmem>>) offsets(%dma_start3A_3 : memref<56xi32, #tpu.memory_space<vmem>>) semaphore(%arg14 : memref<!tpu.dma_semaphore, #tpu.memory_space<semaphore_mem>>)
    %dma_start3A_7 = arith.constant 56 : i32
    %dma_start3A_8 = tpu.memref_slice %arg7[%dma_start3A_7] : memref<10304xi32, #tpu.memory_space<vmem>> -> memref<56xi32, #tpu.memory_space<vmem>>
    %dma_start3A_9 = arith.constant 0 : i32
    %dma_start3A_10 = arith.constant 0 : i32
    %dma_start3A_11 = tpu.memref_slice %arg2[%dma_start3A_9, %dma_start3A_10] : memref<10000x128xf32, #tpu.memory_space<hbm>> -> memref<10000x128xf32, #tpu.memory_space<hbm>>
    tpu.enqueue_indirect_dma source(%dma_start3A_11 : memref<10000x128xf32, #tpu.memory_space<hbm>>) target(%arg10 : memref<56x128xf32, #tpu.memory_space<vmem>>) offsets(%dma_start3A_8 : memref<56xi32, #tpu.memory_space<vmem>>) semaphore(%arg15 : memref<!tpu.dma_semaphore, #tpu.memory_space<semaphore_mem>>)
    %dma_start3A_12 = arith.constant 112 : i32
    %dma_start3A_13 = tpu.memref_slice %arg7[%dma_start3A_12] : memref<10304xi32, #tpu.memory_space<vmem>> -> memref<56xi32, #tpu.memory_space<vmem>>
    %dma_start3A_14 = arith.constant 0 : i32
    %dma_start3A_15 = arith.constant 0 : i32
    %dma_start3A_16 = tpu.memref_slice %arg2[%dma_start3A_14, %dma_start3A_15] : memref<10000x128xf32, #tpu.memory_space<hbm>> -> memref<10000x128xf32, #tpu.memory_space<hbm>>
    tpu.enqueue_indirect_dma source(%dma_start3A_16 : memref<10000x128xf32, #tpu.memory_space<hbm>>) target(%arg11 : memref<56x128xf32, #tpu.memory_space<vmem>>) offsets(%dma_start3A_13 : memref<56xi32, #tpu.memory_space<vmem>>) semaphore(%arg16 : memref<!tpu.dma_semaphore, #tpu.memory_space<semaphore_mem>>)
    %scan3A = arith.constant 0 : i32
    %scan3A_17 = arith.constant 0 : i32
    %scan3A_18 = arith.constant 45 : i32
    %scan3A_19 = arith.addi %scan3A_17, %scan3A_18 : i32
    %scan3A_20 = arith.constant 1 : i32
    scf.for %scan3A_47 = %scan3A_17 to %scan3A_19 step %scan3A_20  : i32 {
      %mul3A_48 = arith.constant 4 : i32
      %mul3A_49 = arith.muli %mul3A_48, %scan3A_47 : i32
      %add3A_50 = arith.constant 3 : i32
      %add3A_51 = arith.addi %mul3A_49, %add3A_50 : i32
      %mul3A_52 = arith.constant 56 : i32
      %mul3A_53 = arith.muli %add3A_51, %mul3A_52 : i32
      %dma_start3A_54 = tpu.memref_slice %arg7[%mul3A_53] : memref<10304xi32, #tpu.memory_space<vmem>> -> memref<56xi32, #tpu.memory_space<vmem>>
      %dma_start3A_55 = arith.constant 0 : i32
      %dma_start3A_56 = arith.constant 0 : i32
      %dma_start3A_57 = tpu.memref_slice %arg2[%dma_start3A_55, %dma_start3A_56] : memref<10000x128xf32, #tpu.memory_space<hbm>> -> memref<10000x128xf32, #tpu.memory_space<hbm>>
      tpu.enqueue_indirect_dma source(%dma_start3A_57 : memref<10000x128xf32, #tpu.memory_space<hbm>>) target(%arg12 : memref<56x128xf32, #tpu.memory_space<vmem>>) offsets(%dma_start3A_54 : memref<56xi32, #tpu.memory_space<vmem>>) semaphore(%arg17 : memref<!tpu.dma_semaphore, #tpu.memory_space<semaphore_mem>>)
      %dma_wait3A_58 = arith.constant 0 : i32
      %dma_wait3A_59 = tpu.memref_slice %arg7[%dma_wait3A_58] : memref<10304xi32, #tpu.memory_space<vmem>> -> memref<56xi32, #tpu.memory_space<vmem>>
      %dma_wait3A_60 = arith.constant 0 : i32
      %dma_wait3A_61 = arith.constant 0 : i32
      %dma_wait3A_62 = tpu.memref_slice %arg2[%dma_wait3A_60, %dma_wait3A_61] : memref<10000x128xf32, #tpu.memory_space<hbm>> -> memref<10000x128xf32, #tpu.memory_space<hbm>>
      tpu.wait_indirect_dma semaphore(%arg14 : memref<!tpu.dma_semaphore, #tpu.memory_space<semaphore_mem>>) src(%dma_wait3A_62 : memref<10000x128xf32, #tpu.memory_space<hbm>>) dst(%arg9 : memref<56x128xf32, #tpu.memory_space<vmem>>)
      %mul3A_63 = arith.constant 56 : i32
      %mul3A_64 = arith.muli %mul3A_49, %mul3A_63 : i32
      "tpu.region"() ({
        %run_scoped3A = tpu.sem_alloc : memref<!tpu.dma_semaphore, #tpu.memory_space<semaphore_mem>>
        %dma_start3A_116 = tpu.memref_slice %arg8[%mul3A_64] : memref<10304xi32, #tpu.memory_space<vmem>> -> memref<56xi32, #tpu.memory_space<vmem>>
        %dma_start3A_117 = arith.constant 0 : i32
        %dma_start3A_118 = arith.constant 0 : i32
        %dma_start3A_119 = tpu.memref_slice %arg13[%dma_start3A_117, %dma_start3A_118] : memref<10112x128xf32, #tpu.memory_space<vmem_shared>> -> memref<10112x128xf32, #tpu.memory_space<vmem_shared>>
        tpu.enqueue_indirect_dma source(%arg9 : memref<56x128xf32, #tpu.memory_space<vmem>>) target(%dma_start3A_119 : memref<10112x128xf32, #tpu.memory_space<vmem_shared>>) offsets(%dma_start3A_116 : memref<56xi32, #tpu.memory_space<vmem>>) semaphore(%run_scoped3A : memref<!tpu.dma_semaphore, #tpu.memory_space<semaphore_mem>>) {add = true}
        %dma_wait3A_120 = tpu.memref_slice %arg8[%mul3A_64] : memref<10304xi32, #tpu.memory_space<vmem>> -> memref<56xi32, #tpu.memory_space<vmem>>
        %dma_wait3A_121 = arith.constant 0 : i32
        %dma_wait3A_122 = arith.constant 0 : i32
        %dma_wait3A_123 = tpu.memref_slice %arg13[%dma_wait3A_121, %dma_wait3A_122] : memref<10112x128xf32, #tpu.memory_space<vmem_shared>> -> memref<10112x128xf32, #tpu.memory_space<vmem_shared>>
        tpu.wait_indirect_dma semaphore(%run_scoped3A : memref<!tpu.dma_semaphore, #tpu.memory_space<semaphore_mem>>) src(%arg9 : memref<56x128xf32, #tpu.memory_space<vmem>>) dst(%dma_wait3A_123 : memref<10112x128xf32, #tpu.memory_space<vmem_shared>>)
        tpu.yield
      }) : () -> ()
      %add3A_65 = arith.constant 4 : i32
      %add3A_66 = arith.addi %mul3A_49, %add3A_65 : i32
      %mul3A_67 = arith.constant 56 : i32
      %mul3A_68 = arith.muli %add3A_66, %mul3A_67 : i32
      %dma_start3A_69 = tpu.memref_slice %arg7[%mul3A_68] : memref<10304xi32, #tpu.memory_space<vmem>> -> memref<56xi32, #tpu.memory_space<vmem>>
      %dma_start3A_70 = arith.constant 0 : i32
      %dma_start3A_71 = arith.constant 0 : i32
      %dma_start3A_72 = tpu.memref_slice %arg2[%dma_start3A_70, %dma_start3A_71] : memref<10000x128xf32, #tpu.memory_space<hbm>> -> memref<10000x128xf32, #tpu.memory_space<hbm>>
      tpu.enqueue_indirect_dma source(%dma_start3A_72 : memref<10000x128xf32, #tpu.memory_space<hbm>>) target(%arg9 : memref<56x128xf32, #tpu.memory_space<vmem>>) offsets(%dma_start3A_69 : memref<56xi32, #tpu.memory_space<vmem>>) semaphore(%arg14 : memref<!tpu.dma_semaphore, #tpu.memory_space<semaphore_mem>>)
      %dma_wait3A_73 = arith.constant 0 : i32
      %dma_wait3A_74 = tpu.memref_slice %arg7[%dma_wait3A_73] : memref<10304xi32, #tpu.memory_space<vmem>> -> memref<56xi32, #tpu.memory_space<vmem>>
      %dma_wait3A_75 = arith.constant 0 : i32
      %dma_wait3A_76 = arith.constant 0 : i32
      %dma_wait3A_77 = tpu.memref_slice %arg2[%dma_wait3A_75, %dma_wait3A_76] : memref<10000x128xf32, #tpu.memory_space<hbm>> -> memref<10000x128xf32, #tpu.memory_space<hbm>>
      tpu.wait_indirect_dma semaphore(%arg15 : memref<!tpu.dma_semaphore, #tpu.memory_space<semaphore_mem>>) src(%dma_wait3A_77 : memref<10000x128xf32, #tpu.memory_space<hbm>>) dst(%arg10 : memref<56x128xf32, #tpu.memory_space<vmem>>)
      %add3A_78 = arith.constant 1 : i32
      %add3A_79 = arith.addi %mul3A_49, %add3A_78 : i32
      %mul3A_80 = arith.constant 56 : i32
      %mul3A_81 = arith.muli %add3A_79, %mul3A_80 : i32
      "tpu.region"() ({
        %run_scoped3A = tpu.sem_alloc : memref<!tpu.dma_semaphore, #tpu.memory_space<semaphore_mem>>
        %dma_start3A_116 = tpu.memref_slice %arg8[%mul3A_81] : memref<10304xi32, #tpu.memory_space<vmem>> -> memref<56xi32, #tpu.memory_space<vmem>>
        %dma_start3A_117 = arith.constant 0 : i32
        %dma_start3A_118 = arith.constant 0 : i32
        %dma_start3A_119 = tpu.memref_slice %arg13[%dma_start3A_117, %dma_start3A_118] : memref<10112x128xf32, #tpu.memory_space<vmem_shared>> -> memref<10112x128xf32, #tpu.memory_space<vmem_shared>>
        tpu.enqueue_indirect_dma source(%arg10 : memref<56x128xf32, #tpu.memory_space<vmem>>) target(%dma_start3A_119 : memref<10112x128xf32, #tpu.memory_space<vmem_shared>>) offsets(%dma_start3A_116 : memref<56xi32, #tpu.memory_space<vmem>>) semaphore(%run_scoped3A : memref<!tpu.dma_semaphore, #tpu.memory_space<semaphore_mem>>) {add = true}
        %dma_wait3A_120 = tpu.memref_slice %arg8[%mul3A_81] : memref<10304xi32, #tpu.memory_space<vmem>> -> memref<56xi32, #tpu.memory_space<vmem>>
        %dma_wait3A_121 = arith.constant 0 : i32
        %dma_wait3A_122 = arith.constant 0 : i32
        %dma_wait3A_123 = tpu.memref_slice %arg13[%dma_wait3A_121, %dma_wait3A_122] : memref<10112x128xf32, #tpu.memory_space<vmem_shared>> -> memref<10112x128xf32, #tpu.memory_space<vmem_shared>>
        tpu.wait_indirect_dma semaphore(%run_scoped3A : memref<!tpu.dma_semaphore, #tpu.memory_space<semaphore_mem>>) src(%arg10 : memref<56x128xf32, #tpu.memory_space<vmem>>) dst(%dma_wait3A_123 : memref<10112x128xf32, #tpu.memory_space<vmem_shared>>)
        tpu.yield
      }) : () -> ()
      %add3A_82 = arith.constant 5 : i32
      %add3A_83 = arith.addi %mul3A_49, %add3A_82 : i32
      %mul3A_84 = arith.constant 56 : i32
      %mul3A_85 = arith.muli %add3A_83, %mul3A_84 : i32
      %dma_start3A_86 = tpu.memref_slice %arg7[%mul3A_85] : memref<10304xi32, #tpu.memory_space<vmem>> -> memref<56xi32, #tpu.memory_space<vmem>>
      %dma_start3A_87 = arith.constant 0 : i32
      %dma_start3A_88 = arith.constant 0 : i32
      %dma_start3A_89 = tpu.memref_slice %arg2[%dma_start3A_87, %dma_start3A_88] : memref<10000x128xf32, #tpu.memory_space<hbm>> -> memref<10000x128xf32, #tpu.memory_space<hbm>>
      tpu.enqueue_indirect_dma source(%dma_start3A_89 : memref<10000x128xf32, #tpu.memory_space<hbm>>) target(%arg10 : memref<56x128xf32, #tpu.memory_space<vmem>>) offsets(%dma_start3A_86 : memref<56xi32, #tpu.memory_space<vmem>>) semaphore(%arg15 : memref<!tpu.dma_semaphore, #tpu.memory_space<semaphore_mem>>)
      %dma_wait3A_90 = arith.constant 0 : i32
      %dma_wait3A_91 = tpu.memref_slice %arg7[%dma_wait3A_90] : memref<10304xi32, #tpu.memory_space<vmem>> -> memref<56xi32, #tpu.memory_space<vmem>>
      %dma_wait3A_92 = arith.constant 0 : i32
      %dma_wait3A_93 = arith.constant 0 : i32
      %dma_wait3A_94 = tpu.memref_slice %arg2[%dma_wait3A_92, %dma_wait3A_93] : memref<10000x128xf32, #tpu.memory_space<hbm>> -> memref<10000x128xf32, #tpu.memory_space<hbm>>
      tpu.wait_indirect_dma semaphore(%arg16 : memref<!tpu.dma_semaphore, #tpu.memory_space<semaphore_mem>>) src(%dma_wait3A_94 : memref<10000x128xf32, #tpu.memory_space<hbm>>) dst(%arg11 : memref<56x128xf32, #tpu.memory_space<vmem>>)
      %add3A_95 = arith.constant 2 : i32
      %add3A_96 = arith.addi %mul3A_49, %add3A_95 : i32
      %mul3A_97 = arith.constant 56 : i32
      %mul3A_98 = arith.muli %add3A_96, %mul3A_97 : i32
      "tpu.region"() ({
        %run_scoped3A = tpu.sem_alloc : memref<!tpu.dma_semaphore, #tpu.memory_space<semaphore_mem>>
        %dma_start3A_116 = tpu.memref_slice %arg8[%mul3A_98] : memref<10304xi32, #tpu.memory_space<vmem>> -> memref<56xi32, #tpu.memory_space<vmem>>
        %dma_start3A_117 = arith.constant 0 : i32
        %dma_start3A_118 = arith.constant 0 : i32
        %dma_start3A_119 = tpu.memref_slice %arg13[%dma_start3A_117, %dma_start3A_118] : memref<10112x128xf32, #tpu.memory_space<vmem_shared>> -> memref<10112x128xf32, #tpu.memory_space<vmem_shared>>
        tpu.enqueue_indirect_dma source(%arg11 : memref<56x128xf32, #tpu.memory_space<vmem>>) target(%dma_start3A_119 : memref<10112x128xf32, #tpu.memory_space<vmem_shared>>) offsets(%dma_start3A_116 : memref<56xi32, #tpu.memory_space<vmem>>) semaphore(%run_scoped3A : memref<!tpu.dma_semaphore, #tpu.memory_space<semaphore_mem>>) {add = true}
        %dma_wait3A_120 = tpu.memref_slice %arg8[%mul3A_98] : memref<10304xi32, #tpu.memory_space<vmem>> -> memref<56xi32, #tpu.memory_space<vmem>>
        %dma_wait3A_121 = arith.constant 0 : i32
        %dma_wait3A_122 = arith.constant 0 : i32
        %dma_wait3A_123 = tpu.memref_slice %arg13[%dma_wait3A_121, %dma_wait3A_122] : memref<10112x128xf32, #tpu.memory_space<vmem_shared>> -> memref<10112x128xf32, #tpu.memory_space<vmem_shared>>
        tpu.wait_indirect_dma semaphore(%run_scoped3A : memref<!tpu.dma_semaphore, #tpu.memory_space<semaphore_mem>>) src(%arg11 : memref<56x128xf32, #tpu.memory_space<vmem>>) dst(%dma_wait3A_123 : memref<10112x128xf32, #tpu.memory_space<vmem_shared>>)
        tpu.yield
      }) : () -> ()
      %add3A_99 = arith.constant 6 : i32
      %add3A_100 = arith.addi %mul3A_49, %add3A_99 : i32
      %mul3A_101 = arith.constant 56 : i32
      %mul3A_102 = arith.muli %add3A_100, %mul3A_101 : i32
      %dma_start3A_103 = tpu.memref_slice %arg7[%mul3A_102] : memref<10304xi32, #tpu.memory_space<vmem>> -> memref<56xi32, #tpu.memory_space<vmem>>
      %dma_start3A_104 = arith.constant 0 : i32
      %dma_start3A_105 = arith.constant 0 : i32
      %dma_start3A_106 = tpu.memref_slice %arg2[%dma_start3A_104, %dma_start3A_105] : memref<10000x128xf32, #tpu.memory_space<hbm>> -> memref<10000x128xf32, #tpu.memory_space<hbm>>
      tpu.enqueue_indirect_dma source(%dma_start3A_106 : memref<10000x128xf32, #tpu.memory_space<hbm>>) target(%arg11 : memref<56x128xf32, #tpu.memory_space<vmem>>) offsets(%dma_start3A_103 : memref<56xi32, #tpu.memory_space<vmem>>) semaphore(%arg16 : memref<!tpu.dma_semaphore, #tpu.memory_space<semaphore_mem>>)
      %dma_wait3A_107 = arith.constant 0 : i32
      %dma_wait3A_108 = tpu.memref_slice %arg7[%dma_wait3A_107] : memref<10304xi32, #tpu.memory_space<vmem>> -> memref<56xi32, #tpu.memory_space<vmem>>
      %dma_wait3A_109 = arith.constant 0 : i32
      %dma_wait3A_110 = arith.constant 0 : i32
      %dma_wait3A_111 = tpu.memref_slice %arg2[%dma_wait3A_109, %dma_wait3A_110] : memref<10000x128xf32, #tpu.memory_space<hbm>> -> memref<10000x128xf32, #tpu.memory_space<hbm>>
      tpu.wait_indirect_dma semaphore(%arg17 : memref<!tpu.dma_semaphore, #tpu.memory_space<semaphore_mem>>) src(%dma_wait3A_111 : memref<10000x128xf32, #tpu.memory_space<hbm>>) dst(%arg12 : memref<56x128xf32, #tpu.memory_space<vmem>>)
      %add3A_112 = arith.constant 3 : i32
      %add3A_113 = arith.addi %mul3A_49, %add3A_112 : i32
      %mul3A_114 = arith.constant 56 : i32
      %mul3A_115 = arith.muli %add3A_113, %mul3A_114 : i32
      "tpu.region"() ({
        %run_scoped3A = tpu.sem_alloc : memref<!tpu.dma_semaphore, #tpu.memory_space<semaphore_mem>>
        %dma_start3A_116 = tpu.memref_slice %arg8[%mul3A_115] : memref<10304xi32, #tpu.memory_space<vmem>> -> memref<56xi32, #tpu.memory_space<vmem>>
        %dma_start3A_117 = arith.constant 0 : i32
        %dma_start3A_118 = arith.constant 0 : i32
        %dma_start3A_119 = tpu.memref_slice %arg13[%dma_start3A_117, %dma_start3A_118] : memref<10112x128xf32, #tpu.memory_space<vmem_shared>> -> memref<10112x128xf32, #tpu.memory_space<vmem_shared>>
        tpu.enqueue_indirect_dma source(%arg12 : memref<56x128xf32, #tpu.memory_space<vmem>>) target(%dma_start3A_119 : memref<10112x128xf32, #tpu.memory_space<vmem_shared>>) offsets(%dma_start3A_116 : memref<56xi32, #tpu.memory_space<vmem>>) semaphore(%run_scoped3A : memref<!tpu.dma_semaphore, #tpu.memory_space<semaphore_mem>>) {add = true}
        %dma_wait3A_120 = tpu.memref_slice %arg8[%mul3A_115] : memref<10304xi32, #tpu.memory_space<vmem>> -> memref<56xi32, #tpu.memory_space<vmem>>
        %dma_wait3A_121 = arith.constant 0 : i32
        %dma_wait3A_122 = arith.constant 0 : i32
        %dma_wait3A_123 = tpu.memref_slice %arg13[%dma_wait3A_121, %dma_wait3A_122] : memref<10112x128xf32, #tpu.memory_space<vmem_shared>> -> memref<10112x128xf32, #tpu.memory_space<vmem_shared>>
        tpu.wait_indirect_dma semaphore(%run_scoped3A : memref<!tpu.dma_semaphore, #tpu.memory_space<semaphore_mem>>) src(%arg12 : memref<56x128xf32, #tpu.memory_space<vmem>>) dst(%dma_wait3A_123 : memref<10112x128xf32, #tpu.memory_space<vmem_shared>>)
        tpu.yield
      }) : () -> ()
    }
    %scan3A_21 = arith.constant 45 : i32
    %dma_start3A_22 = arith.constant 10248 : i32
    %dma_start3A_23 = tpu.memref_slice %arg7[%dma_start3A_22] : memref<10304xi32, #tpu.memory_space<vmem>> -> memref<56xi32, #tpu.memory_space<vmem>>
    %dma_start3A_24 = arith.constant 0 : i32
    %dma_start3A_25 = arith.constant 0 : i32
    %dma_start3A_26 = tpu.memref_slice %arg2[%dma_start3A_24, %dma_start3A_25] : memref<10000x128xf32, #tpu.memory_space<hbm>> -> memref<10000x128xf32, #tpu.memory_space<hbm>>
    tpu.enqueue_indirect_dma source(%dma_start3A_26 : memref<10000x128xf32, #tpu.memory_space<hbm>>) target(%arg12 : memref<56x128xf32, #tpu.memory_space<vmem>>) offsets(%dma_start3A_23 : memref<56xi32, #tpu.memory_space<vmem>>) semaphore(%arg17 : memref<!tpu.dma_semaphore, #tpu.memory_space<semaphore_mem>>)
    %dma_wait3A = arith.constant 0 : i32
    %dma_wait3A_27 = tpu.memref_slice %arg7[%dma_wait3A] : memref<10304xi32, #tpu.memory_space<vmem>> -> memref<56xi32, #tpu.memory_space<vmem>>
    %dma_wait3A_28 = arith.constant 0 : i32
    %dma_wait3A_29 = arith.constant 0 : i32
    %dma_wait3A_30 = tpu.memref_slice %arg2[%dma_wait3A_28, %dma_wait3A_29] : memref<10000x128xf32, #tpu.memory_space<hbm>> -> memref<10000x128xf32, #tpu.memory_space<hbm>>
    tpu.wait_indirect_dma semaphore(%arg14 : memref<!tpu.dma_semaphore, #tpu.memory_space<semaphore_mem>>) src(%dma_wait3A_30 : memref<10000x128xf32, #tpu.memory_space<hbm>>) dst(%arg9 : memref<56x128xf32, #tpu.memory_space<vmem>>)
    "tpu.region"() ({
      %run_scoped3A = tpu.sem_alloc : memref<!tpu.dma_semaphore, #tpu.memory_space<semaphore_mem>>
      %dma_start3A_47 = arith.constant 10080 : i32
      %dma_start3A_48 = tpu.memref_slice %arg8[%dma_start3A_47] : memref<10304xi32, #tpu.memory_space<vmem>> -> memref<56xi32, #tpu.memory_space<vmem>>
      %dma_start3A_49 = arith.constant 0 : i32
      %dma_start3A_50 = arith.constant 0 : i32
      %dma_start3A_51 = tpu.memref_slice %arg13[%dma_start3A_49, %dma_start3A_50] : memref<10112x128xf32, #tpu.memory_space<vmem_shared>> -> memref<10112x128xf32, #tpu.memory_space<vmem_shared>>
      tpu.enqueue_indirect_dma source(%arg9 : memref<56x128xf32, #tpu.memory_space<vmem>>) target(%dma_start3A_51 : memref<10112x128xf32, #tpu.memory_space<vmem_shared>>) offsets(%dma_start3A_48 : memref<56xi32, #tpu.memory_space<vmem>>) semaphore(%run_scoped3A : memref<!tpu.dma_semaphore, #tpu.memory_space<semaphore_mem>>) {add = true}
      %dma_wait3A_52 = arith.constant 10080 : i32
      %dma_wait3A_53 = tpu.memref_slice %arg8[%dma_wait3A_52] : memref<10304xi32, #tpu.memory_space<vmem>> -> memref<56xi32, #tpu.memory_space<vmem>>
      %dma_wait3A_54 = arith.constant 0 : i32
      %dma_wait3A_55 = arith.constant 0 : i32
      %dma_wait3A_56 = tpu.memref_slice %arg13[%dma_wait3A_54, %dma_wait3A_55] : memref<10112x128xf32, #tpu.memory_space<vmem_shared>> -> memref<10112x128xf32, #tpu.memory_space<vmem_shared>>
      tpu.wait_indirect_dma semaphore(%run_scoped3A : memref<!tpu.dma_semaphore, #tpu.memory_space<semaphore_mem>>) src(%arg9 : memref<56x128xf32, #tpu.memory_space<vmem>>) dst(%dma_wait3A_56 : memref<10112x128xf32, #tpu.memory_space<vmem_shared>>)
      tpu.yield
    }) : () -> ()
    %dma_wait3A_31 = arith.constant 0 : i32
    %dma_wait3A_32 = tpu.memref_slice %arg7[%dma_wait3A_31] : memref<10304xi32, #tpu.memory_space<vmem>> -> memref<56xi32, #tpu.memory_space<vmem>>
    %dma_wait3A_33 = arith.constant 0 : i32
    %dma_wait3A_34 = arith.constant 0 : i32
    %dma_wait3A_35 = tpu.memref_slice %arg2[%dma_wait3A_33, %dma_wait3A_34] : memref<10000x128xf32, #tpu.memory_space<hbm>> -> memref<10000x128xf32, #tpu.memory_space<hbm>>
    tpu.wait_indirect_dma semaphore(%arg15 : memref<!tpu.dma_semaphore, #tpu.memory_space<semaphore_mem>>) src(%dma_wait3A_35 : memref<10000x128xf32, #tpu.memory_space<hbm>>) dst(%arg10 : memref<56x128xf32, #tpu.memory_space<vmem>>)
    "tpu.region"() ({
      %run_scoped3A = tpu.sem_alloc : memref<!tpu.dma_semaphore, #tpu.memory_space<semaphore_mem>>
      %dma_start3A_47 = arith.constant 10136 : i32
      %dma_start3A_48 = tpu.memref_slice %arg8[%dma_start3A_47] : memref<10304xi32, #tpu.memory_space<vmem>> -> memref<56xi32, #tpu.memory_space<vmem>>
      %dma_start3A_49 = arith.constant 0 : i32
      %dma_start3A_50 = arith.constant 0 : i32
      %dma_start3A_51 = tpu.memref_slice %arg13[%dma_start3A_49, %dma_start3A_50] : memref<10112x128xf32, #tpu.memory_space<vmem_shared>> -> memref<10112x128xf32, #tpu.memory_space<vmem_shared>>
      tpu.enqueue_indirect_dma source(%arg10 : memref<56x128xf32, #tpu.memory_space<vmem>>) target(%dma_start3A_51 : memref<10112x128xf32, #tpu.memory_space<vmem_shared>>) offsets(%dma_start3A_48 : memref<56xi32, #tpu.memory_space<vmem>>) semaphore(%run_scoped3A : memref<!tpu.dma_semaphore, #tpu.memory_space<semaphore_mem>>) {add = true}
      %dma_wait3A_52 = arith.constant 10136 : i32
      %dma_wait3A_53 = tpu.memref_slice %arg8[%dma_wait3A_52] : memref<10304xi32, #tpu.memory_space<vmem>> -> memref<56xi32, #tpu.memory_space<vmem>>
      %dma_wait3A_54 = arith.constant 0 : i32
      %dma_wait3A_55 = arith.constant 0 : i32
      %dma_wait3A_56 = tpu.memref_slice %arg13[%dma_wait3A_54, %dma_wait3A_55] : memref<10112x128xf32, #tpu.memory_space<vmem_shared>> -> memref<10112x128xf32, #tpu.memory_space<vmem_shared>>
      tpu.wait_indirect_dma semaphore(%run_scoped3A : memref<!tpu.dma_semaphore, #tpu.memory_space<semaphore_mem>>) src(%arg10 : memref<56x128xf32, #tpu.memory_space<vmem>>) dst(%dma_wait3A_56 : memref<10112x128xf32, #tpu.memory_space<vmem_shared>>)
      tpu.yield
    }) : () -> ()
    %dma_wait3A_36 = arith.constant 0 : i32
    %dma_wait3A_37 = tpu.memref_slice %arg7[%dma_wait3A_36] : memref<10304xi32, #tpu.memory_space<vmem>> -> memref<56xi32, #tpu.memory_space<vmem>>
    %dma_wait3A_38 = arith.constant 0 : i32
    %dma_wait3A_39 = arith.constant 0 : i32
    %dma_wait3A_40 = tpu.memref_slice %arg2[%dma_wait3A_38, %dma_wait3A_39] : memref<10000x128xf32, #tpu.memory_space<hbm>> -> memref<10000x128xf32, #tpu.memory_space<hbm>>
    tpu.wait_indirect_dma semaphore(%arg16 : memref<!tpu.dma_semaphore, #tpu.memory_space<semaphore_mem>>) src(%dma_wait3A_40 : memref<10000x128xf32, #tpu.memory_space<hbm>>) dst(%arg11 : memref<56x128xf32, #tpu.memory_space<vmem>>)
    "tpu.region"() ({
      %run_scoped3A = tpu.sem_alloc : memref<!tpu.dma_semaphore, #tpu.memory_space<semaphore_mem>>
      %dma_start3A_47 = arith.constant 10192 : i32
      %dma_start3A_48 = tpu.memref_slice %arg8[%dma_start3A_47] : memref<10304xi32, #tpu.memory_space<vmem>> -> memref<56xi32, #tpu.memory_space<vmem>>
      %dma_start3A_49 = arith.constant 0 : i32
      %dma_start3A_50 = arith.constant 0 : i32
      %dma_start3A_51 = tpu.memref_slice %arg13[%dma_start3A_49, %dma_start3A_50] : memref<10112x128xf32, #tpu.memory_space<vmem_shared>> -> memref<10112x128xf32, #tpu.memory_space<vmem_shared>>
      tpu.enqueue_indirect_dma source(%arg11 : memref<56x128xf32, #tpu.memory_space<vmem>>) target(%dma_start3A_51 : memref<10112x128xf32, #tpu.memory_space<vmem_shared>>) offsets(%dma_start3A_48 : memref<56xi32, #tpu.memory_space<vmem>>) semaphore(%run_scoped3A : memref<!tpu.dma_semaphore, #tpu.memory_space<semaphore_mem>>) {add = true}
      %dma_wait3A_52 = arith.constant 10192 : i32
      %dma_wait3A_53 = tpu.memref_slice %arg8[%dma_wait3A_52] : memref<10304xi32, #tpu.memory_space<vmem>> -> memref<56xi32, #tpu.memory_space<vmem>>
      %dma_wait3A_54 = arith.constant 0 : i32
      %dma_wait3A_55 = arith.constant 0 : i32
      %dma_wait3A_56 = tpu.memref_slice %arg13[%dma_wait3A_54, %dma_wait3A_55] : memref<10112x128xf32, #tpu.memory_space<vmem_shared>> -> memref<10112x128xf32, #tpu.memory_space<vmem_shared>>
      tpu.wait_indirect_dma semaphore(%run_scoped3A : memref<!tpu.dma_semaphore, #tpu.memory_space<semaphore_mem>>) src(%arg11 : memref<56x128xf32, #tpu.memory_space<vmem>>) dst(%dma_wait3A_56 : memref<10112x128xf32, #tpu.memory_space<vmem_shared>>)
      tpu.yield
    }) : () -> ()
    %dma_wait3A_41 = arith.constant 0 : i32
    %dma_wait3A_42 = tpu.memref_slice %arg7[%dma_wait3A_41] : memref<10304xi32, #tpu.memory_space<vmem>> -> memref<56xi32, #tpu.memory_space<vmem>>
    %dma_wait3A_43 = arith.constant 0 : i32
    %dma_wait3A_44 = arith.constant 0 : i32
    %dma_wait3A_45 = tpu.memref_slice %arg2[%dma_wait3A_43, %dma_wait3A_44] : memref<10000x128xf32, #tpu.memory_space<hbm>> -> memref<10000x128xf32, #tpu.memory_space<hbm>>
    tpu.wait_indirect_dma semaphore(%arg17 : memref<!tpu.dma_semaphore, #tpu.memory_space<semaphore_mem>>) src(%dma_wait3A_45 : memref<10000x128xf32, #tpu.memory_space<hbm>>) dst(%arg12 : memref<56x128xf32, #tpu.memory_space<vmem>>)
    "tpu.region"() ({
      %run_scoped3A = tpu.sem_alloc : memref<!tpu.dma_semaphore, #tpu.memory_space<semaphore_mem>>
      %dma_start3A_47 = arith.constant 10248 : i32
      %dma_start3A_48 = tpu.memref_slice %arg8[%dma_start3A_47] : memref<10304xi32, #tpu.memory_space<vmem>> -> memref<56xi32, #tpu.memory_space<vmem>>
      %dma_start3A_49 = arith.constant 0 : i32
      %dma_start3A_50 = arith.constant 0 : i32
      %dma_start3A_51 = tpu.memref_slice %arg13[%dma_start3A_49, %dma_start3A_50] : memref<10112x128xf32, #tpu.memory_space<vmem_shared>> -> memref<10112x128xf32, #tpu.memory_space<vmem_shared>>
      tpu.enqueue_indirect_dma source(%arg12 : memref<56x128xf32, #tpu.memory_space<vmem>>) target(%dma_start3A_51 : memref<10112x128xf32, #tpu.memory_space<vmem_shared>>) offsets(%dma_start3A_48 : memref<56xi32, #tpu.memory_space<vmem>>) semaphore(%run_scoped3A : memref<!tpu.dma_semaphore, #tpu.memory_space<semaphore_mem>>) {add = true}
      %dma_wait3A_52 = arith.constant 10248 : i32
      %dma_wait3A_53 = tpu.memref_slice %arg8[%dma_wait3A_52] : memref<10304xi32, #tpu.memory_space<vmem>> -> memref<56xi32, #tpu.memory_space<vmem>>
      %dma_wait3A_54 = arith.constant 0 : i32
      %dma_wait3A_55 = arith.constant 0 : i32
      %dma_wait3A_56 = tpu.memref_slice %arg13[%dma_wait3A_54, %dma_wait3A_55] : memref<10112x128xf32, #tpu.memory_space<vmem_shared>> -> memref<10112x128xf32, #tpu.memory_space<vmem_shared>>
      tpu.wait_indirect_dma semaphore(%run_scoped3A : memref<!tpu.dma_semaphore, #tpu.memory_space<semaphore_mem>>) src(%arg12 : memref<56x128xf32, #tpu.memory_space<vmem>>) dst(%dma_wait3A_56 : memref<10112x128xf32, #tpu.memory_space<vmem_shared>>)
      tpu.yield
    }) : () -> ()
    %barrier3A_46 = arith.constant 0 : index
    tpu.barrier barrier_id(%barrier3A_46)
    "tpu.region"() ({
      %run_scoped3A = tpu.sem_alloc : memref<!tpu.dma_semaphore, #tpu.memory_space<semaphore_mem>>
      %dma_start3A_47 = arith.constant 0 : i32
      %dma_start3A_48 = tpu.memref_slice %arg6[%arg0, %mul3A_2, %dma_start3A_47] : memref<2x10112x128xf32, #tpu.memory_space<hbm>> -> memref<1x632x128xf32, #tpu.memory_space<hbm>>
      %dma_start3A_49 = tpu.memref_squeeze %dma_start3A_48 : memref<1x632x128xf32, #tpu.memory_space<hbm>> -> memref<632x128xf32, #tpu.memory_space<hbm>>
      %dma_start3A_50 = arith.constant 0 : i32
      %dma_start3A_51 = tpu.memref_slice %arg13[%mul3A_2, %dma_start3A_50] : memref<10112x128xf32, #tpu.memory_space<vmem_shared>> -> memref<632x128xf32, #tpu.memory_space<vmem_shared>>
      tpu.enqueue_dma source(%dma_start3A_51 : memref<632x128xf32, #tpu.memory_space<vmem_shared>>) target(%dma_start3A_49 : memref<632x128xf32, #tpu.memory_space<hbm>>) target_semaphore(%run_scoped3A : memref<!tpu.dma_semaphore, #tpu.memory_space<semaphore_mem>>)
      %dma_wait3A_52 = arith.constant 0 : i32
      %dma_wait3A_53 = tpu.memref_slice %arg6[%arg0, %mul3A_2, %dma_wait3A_52] : memref<2x10112x128xf32, #tpu.memory_space<hbm>> -> memref<1x632x128xf32, #tpu.memory_space<hbm>>
      %dma_wait3A_54 = tpu.memref_squeeze %dma_wait3A_53 : memref<1x632x128xf32, #tpu.memory_space<hbm>> -> memref<632x128xf32, #tpu.memory_space<hbm>>
      %dma_wait3A_55 = arith.constant 0 : i32
      %dma_wait3A_56 = tpu.memref_slice %arg13[%mul3A_2, %dma_wait3A_55] : memref<10112x128xf32, #tpu.memory_space<vmem_shared>> -> memref<632x128xf32, #tpu.memory_space<vmem_shared>>
      tpu.wait_dma2 semaphore(%run_scoped3A : memref<!tpu.dma_semaphore, #tpu.memory_space<semaphore_mem>>) src(%dma_wait3A_56 : memref<632x128xf32, #tpu.memory_space<vmem_shared>>) dst(%dma_wait3A_54 : memref<632x128xf32, #tpu.memory_space<hbm>>)
      tpu.yield
    }) : () -> ()
    return
  }
}

#map = affine_map<(d0, d1) -> (0, 0)>
#map1 = affine_map<(d0, d1) -> (0, 0, 0)>
module attributes {stable_mosaic.version = 14 : i64} {
  func.func @_sc_agg_body(%arg0: i32, %arg1: i32, %arg2: memref<10000x128xf32, #tpu.memory_space<hbm>>, %arg3: memref<32x10304xi32, #tpu.memory_space<hbm>>, %arg4: memref<32x10304xi32, #tpu.memory_space<hbm>>, %arg5: memref<10112x128xf32, #tpu.memory_space<hbm>>, %arg6: memref<2x10112x128xf32, #tpu.memory_space<hbm>>, %arg7: memref<10304xi32, #tpu.memory_space<vmem>>, %arg8: memref<10304xi32, #tpu.memory_space<vmem>>, %arg9: memref<56x128xf32, #tpu.memory_space<vmem>>, %arg10: memref<56x128xf32, #tpu.memory_space<vmem>>, %arg11: memref<56x128xf32, #tpu.memory_space<vmem>>, %arg12: memref<56x128xf32, #tpu.memory_space<vmem>>, %arg13: memref<10112x128xf32, #tpu.memory_space<vmem_shared>>, %arg14: memref<!tpu.dma_semaphore, #tpu.memory_space<semaphore_mem>>, %arg15: memref<!tpu.dma_semaphore, #tpu.memory_space<semaphore_mem>>, %arg16: memref<!tpu.dma_semaphore, #tpu.memory_space<semaphore_mem>>, %arg17: memref<!tpu.dma_semaphore, #tpu.memory_space<semaphore_mem>>) attributes {dimension_semantics = [#tpu.dimension_semantics<core_parallel>, #tpu.dimension_semantics<subcore_parallel>], iteration_bounds = array<i64: 2, 16>, scalar_prefetch = 0 : i64, scratch_operands = 11 : i64, tpu.core_type = #tpu.core_type<sc_vector_subcore>, window_params = [{transform_indices = #map}, {transform_indices = #map}, {transform_indices = #map}, {transform_indices = #map}, {transform_indices = #map1}]} {
    %mul3A = arith.constant 16 : i32
    %mul3A_0 = arith.muli %arg0, %mul3A : i32
    %add3A = arith.addi %mul3A_0, %arg1 : i32
    %mul3A_1 = arith.constant 632 : i32
    %mul3A_2 = arith.muli %arg1, %mul3A_1 : i32
    "tpu.region"() ({
      %run_scoped3A = tpu.sem_alloc : memref<!tpu.dma_semaphore, #tpu.memory_space<semaphore_mem>>
      %dma_start3A_47 = arith.constant 0 : i32
      %dma_start3A_48 = tpu.memref_slice %arg13[%mul3A_2, %dma_start3A_47] : memref<10112x128xf32, #tpu.memory_space<vmem_shared>> -> memref<632x128xf32, #tpu.memory_space<vmem_shared>>
      %dma_start3A_49 = arith.constant 0 : i32
      %dma_start3A_50 = tpu.memref_slice %arg5[%mul3A_2, %dma_start3A_49] : memref<10112x128xf32, #tpu.memory_space<hbm>> -> memref<632x128xf32, #tpu.memory_space<hbm>>
      tpu.enqueue_dma source(%dma_start3A_50 : memref<632x128xf32, #tpu.memory_space<hbm>>) target(%dma_start3A_48 : memref<632x128xf32, #tpu.memory_space<vmem_shared>>) target_semaphore(%run_scoped3A : memref<!tpu.dma_semaphore, #tpu.memory_space<semaphore_mem>>)
      %dma_wait3A_51 = arith.constant 0 : i32
      %dma_wait3A_52 = tpu.memref_slice %arg13[%mul3A_2, %dma_wait3A_51] : memref<10112x128xf32, #tpu.memory_space<vmem_shared>> -> memref<632x128xf32, #tpu.memory_space<vmem_shared>>
      %dma_wait3A_53 = arith.constant 0 : i32
      %dma_wait3A_54 = tpu.memref_slice %arg5[%mul3A_2, %dma_wait3A_53] : memref<10112x128xf32, #tpu.memory_space<hbm>> -> memref<632x128xf32, #tpu.memory_space<hbm>>
      tpu.wait_dma2 semaphore(%run_scoped3A : memref<!tpu.dma_semaphore, #tpu.memory_space<semaphore_mem>>) src(%dma_wait3A_54 : memref<632x128xf32, #tpu.memory_space<hbm>>) dst(%dma_wait3A_52 : memref<632x128xf32, #tpu.memory_space<vmem_shared>>)
      tpu.yield
    }) : () -> ()
    "tpu.region"() ({
      %run_scoped3A = tpu.sem_alloc : memref<!tpu.dma_semaphore, #tpu.memory_space<semaphore_mem>>
      %dma_start3A_47 = arith.constant 0 : i32
      %dma_start3A_48 = tpu.memref_slice %arg3[%add3A, %dma_start3A_47] : memref<32x10304xi32, #tpu.memory_space<hbm>> -> memref<1x10304xi32, #tpu.memory_space<hbm>>
      %dma_start3A_49 = tpu.memref_squeeze %dma_start3A_48 : memref<1x10304xi32, #tpu.memory_space<hbm>> -> memref<10304xi32, #tpu.memory_space<hbm>>
      %dma_start3A_50 = arith.constant 0 : i32
      %dma_start3A_51 = tpu.memref_slice %arg3[%add3A, %dma_start3A_50] : memref<32x10304xi32, #tpu.memory_space<hbm>> -> memref<1x10304xi32, #tpu.memory_space<hbm>>
      %dma_start3A_52 = tpu.memref_squeeze %dma_start3A_51 : memref<1x10304xi32, #tpu.memory_space<hbm>> -> memref<10304xi32, #tpu.memory_space<hbm>>
      tpu.enqueue_dma source(%dma_start3A_52 : memref<10304xi32, #tpu.memory_space<hbm>>) target(%arg7 : memref<10304xi32, #tpu.memory_space<vmem>>) target_semaphore(%run_scoped3A : memref<!tpu.dma_semaphore, #tpu.memory_space<semaphore_mem>>)
      %dma_wait3A_53 = arith.constant 0 : i32
      %dma_wait3A_54 = tpu.memref_slice %arg3[%add3A, %dma_wait3A_53] : memref<32x10304xi32, #tpu.memory_space<hbm>> -> memref<1x10304xi32, #tpu.memory_space<hbm>>
      %dma_wait3A_55 = tpu.memref_squeeze %dma_wait3A_54 : memref<1x10304xi32, #tpu.memory_space<hbm>> -> memref<10304xi32, #tpu.memory_space<hbm>>
      %dma_wait3A_56 = arith.constant 0 : i32
      %dma_wait3A_57 = tpu.memref_slice %arg3[%add3A, %dma_wait3A_56] : memref<32x10304xi32, #tpu.memory_space<hbm>> -> memref<1x10304xi32, #tpu.memory_space<hbm>>
      %dma_wait3A_58 = tpu.memref_squeeze %dma_wait3A_57 : memref<1x10304xi32, #tpu.memory_space<hbm>> -> memref<10304xi32, #tpu.memory_space<hbm>>
      tpu.wait_dma2 semaphore(%run_scoped3A : memref<!tpu.dma_semaphore, #tpu.memory_space<semaphore_mem>>) src(%dma_wait3A_58 : memref<10304xi32, #tpu.memory_space<hbm>>) dst(%arg7 : memref<10304xi32, #tpu.memory_space<vmem>>)
      tpu.yield
    }) : () -> ()
    "tpu.region"() ({
      %run_scoped3A = tpu.sem_alloc : memref<!tpu.dma_semaphore, #tpu.memory_space<semaphore_mem>>
      %dma_start3A_47 = arith.constant 0 : i32
      %dma_start3A_48 = tpu.memref_slice %arg4[%add3A, %dma_start3A_47] : memref<32x10304xi32, #tpu.memory_space<hbm>> -> memref<1x10304xi32, #tpu.memory_space<hbm>>
      %dma_start3A_49 = tpu.memref_squeeze %dma_start3A_48 : memref<1x10304xi32, #tpu.memory_space<hbm>> -> memref<10304xi32, #tpu.memory_space<hbm>>
      %dma_start3A_50 = arith.constant 0 : i32
      %dma_start3A_51 = tpu.memref_slice %arg4[%add3A, %dma_start3A_50] : memref<32x10304xi32, #tpu.memory_space<hbm>> -> memref<1x10304xi32, #tpu.memory_space<hbm>>
      %dma_start3A_52 = tpu.memref_squeeze %dma_start3A_51 : memref<1x10304xi32, #tpu.memory_space<hbm>> -> memref<10304xi32, #tpu.memory_space<hbm>>
      tpu.enqueue_dma source(%dma_start3A_52 : memref<10304xi32, #tpu.memory_space<hbm>>) target(%arg8 : memref<10304xi32, #tpu.memory_space<vmem>>) target_semaphore(%run_scoped3A : memref<!tpu.dma_semaphore, #tpu.memory_space<semaphore_mem>>)
      %dma_wait3A_53 = arith.constant 0 : i32
      %dma_wait3A_54 = tpu.memref_slice %arg4[%add3A, %dma_wait3A_53] : memref<32x10304xi32, #tpu.memory_space<hbm>> -> memref<1x10304xi32, #tpu.memory_space<hbm>>
      %dma_wait3A_55 = tpu.memref_squeeze %dma_wait3A_54 : memref<1x10304xi32, #tpu.memory_space<hbm>> -> memref<10304xi32, #tpu.memory_space<hbm>>
      %dma_wait3A_56 = arith.constant 0 : i32
      %dma_wait3A_57 = tpu.memref_slice %arg4[%add3A, %dma_wait3A_56] : memref<32x10304xi32, #tpu.memory_space<hbm>> -> memref<1x10304xi32, #tpu.memory_space<hbm>>
      %dma_wait3A_58 = tpu.memref_squeeze %dma_wait3A_57 : memref<1x10304xi32, #tpu.memory_space<hbm>> -> memref<10304xi32, #tpu.memory_space<hbm>>
      tpu.wait_dma2 semaphore(%run_scoped3A : memref<!tpu.dma_semaphore, #tpu.memory_space<semaphore_mem>>) src(%dma_wait3A_58 : memref<10304xi32, #tpu.memory_space<hbm>>) dst(%arg8 : memref<10304xi32, #tpu.memory_space<vmem>>)
      tpu.yield
    }) : () -> ()
    %barrier3A = arith.constant 0 : index
    tpu.barrier barrier_id(%barrier3A)
    %dma_start3A = arith.constant 0 : i32
    %dma_start3A_3 = tpu.memref_slice %arg7[%dma_start3A] : memref<10304xi32, #tpu.memory_space<vmem>> -> memref<56xi32, #tpu.memory_space<vmem>>
    %dma_start3A_4 = arith.constant 0 : i32
    %dma_start3A_5 = arith.constant 0 : i32
    %dma_start3A_6 = tpu.memref_slice %arg2[%dma_start3A_4, %dma_start3A_5] : memref<10000x128xf32, #tpu.memory_space<hbm>> -> memref<10000x128xf32, #tpu.memory_space<hbm>>
    tpu.enqueue_indirect_dma source(%dma_start3A_6 : memref<10000x128xf32, #tpu.memory_space<hbm>>) target(%arg9 : memref<56x128xf32, #tpu.memory_space<vmem>>) offsets(%dma_start3A_3 : memref<56xi32, #tpu.memory_space<vmem>>) semaphore(%arg14 : memref<!tpu.dma_semaphore, #tpu.memory_space<semaphore_mem>>)
    %dma_start3A_7 = arith.constant 56 : i32
    %dma_start3A_8 = tpu.memref_slice %arg7[%dma_start3A_7] : memref<10304xi32, #tpu.memory_space<vmem>> -> memref<56xi32, #tpu.memory_space<vmem>>
    %dma_start3A_9 = arith.constant 0 : i32
    %dma_start3A_10 = arith.constant 0 : i32
    %dma_start3A_11 = tpu.memref_slice %arg2[%dma_start3A_9, %dma_start3A_10] : memref<10000x128xf32, #tpu.memory_space<hbm>> -> memref<10000x128xf32, #tpu.memory_space<hbm>>
    tpu.enqueue_indirect_dma source(%dma_start3A_11 : memref<10000x128xf32, #tpu.memory_space<hbm>>) target(%arg10 : memref<56x128xf32, #tpu.memory_space<vmem>>) offsets(%dma_start3A_8 : memref<56xi32, #tpu.memory_space<vmem>>) semaphore(%arg15 : memref<!tpu.dma_semaphore, #tpu.memory_space<semaphore_mem>>)
    %dma_start3A_12 = arith.constant 112 : i32
    %dma_start3A_13 = tpu.memref_slice %arg7[%dma_start3A_12] : memref<10304xi32, #tpu.memory_space<vmem>> -> memref<56xi32, #tpu.memory_space<vmem>>
    %dma_start3A_14 = arith.constant 0 : i32
    %dma_start3A_15 = arith.constant 0 : i32
    %dma_start3A_16 = tpu.memref_slice %arg2[%dma_start3A_14, %dma_start3A_15] : memref<10000x128xf32, #tpu.memory_space<hbm>> -> memref<10000x128xf32, #tpu.memory_space<hbm>>
    tpu.enqueue_indirect_dma source(%dma_start3A_16 : memref<10000x128xf32, #tpu.memory_space<hbm>>) target(%arg11 : memref<56x128xf32, #tpu.memory_space<vmem>>) offsets(%dma_start3A_13 : memref<56xi32, #tpu.memory_space<vmem>>) semaphore(%arg16 : memref<!tpu.dma_semaphore, #tpu.memory_space<semaphore_mem>>)
    %scan3A = arith.constant 0 : i32
    %scan3A_17 = arith.constant 0 : i32
    %scan3A_18 = arith.constant 45 : i32
    %scan3A_19 = arith.addi %scan3A_17, %scan3A_18 : i32
    %scan3A_20 = arith.constant 1 : i32
    scf.for %scan3A_47 = %scan3A_17 to %scan3A_19 step %scan3A_20  : i32 {
      %mul3A_48 = arith.constant 4 : i32
      %mul3A_49 = arith.muli %mul3A_48, %scan3A_47 : i32
      %add3A_50 = arith.constant 3 : i32
      %add3A_51 = arith.addi %mul3A_49, %add3A_50 : i32
      %mul3A_52 = arith.constant 56 : i32
      %mul3A_53 = arith.muli %add3A_51, %mul3A_52 : i32
      %dma_start3A_54 = tpu.memref_slice %arg7[%mul3A_53] : memref<10304xi32, #tpu.memory_space<vmem>> -> memref<56xi32, #tpu.memory_space<vmem>>
      %dma_start3A_55 = arith.constant 0 : i32
      %dma_start3A_56 = arith.constant 0 : i32
      %dma_start3A_57 = tpu.memref_slice %arg2[%dma_start3A_55, %dma_start3A_56] : memref<10000x128xf32, #tpu.memory_space<hbm>> -> memref<10000x128xf32, #tpu.memory_space<hbm>>
      tpu.enqueue_indirect_dma source(%dma_start3A_57 : memref<10000x128xf32, #tpu.memory_space<hbm>>) target(%arg12 : memref<56x128xf32, #tpu.memory_space<vmem>>) offsets(%dma_start3A_54 : memref<56xi32, #tpu.memory_space<vmem>>) semaphore(%arg17 : memref<!tpu.dma_semaphore, #tpu.memory_space<semaphore_mem>>)
      %dma_wait3A_58 = arith.constant 0 : i32
      %dma_wait3A_59 = tpu.memref_slice %arg7[%dma_wait3A_58] : memref<10304xi32, #tpu.memory_space<vmem>> -> memref<56xi32, #tpu.memory_space<vmem>>
      %dma_wait3A_60 = arith.constant 0 : i32
      %dma_wait3A_61 = arith.constant 0 : i32
      %dma_wait3A_62 = tpu.memref_slice %arg2[%dma_wait3A_60, %dma_wait3A_61] : memref<10000x128xf32, #tpu.memory_space<hbm>> -> memref<10000x128xf32, #tpu.memory_space<hbm>>
      tpu.wait_indirect_dma semaphore(%arg14 : memref<!tpu.dma_semaphore, #tpu.memory_space<semaphore_mem>>) src(%dma_wait3A_62 : memref<10000x128xf32, #tpu.memory_space<hbm>>) dst(%arg9 : memref<56x128xf32, #tpu.memory_space<vmem>>)
      %mul3A_63 = arith.constant 56 : i32
      %mul3A_64 = arith.muli %mul3A_49, %mul3A_63 : i32
      "tpu.region"() ({
        %run_scoped3A = tpu.sem_alloc : memref<!tpu.dma_semaphore, #tpu.memory_space<semaphore_mem>>
        %dma_start3A_116 = tpu.memref_slice %arg8[%mul3A_64] : memref<10304xi32, #tpu.memory_space<vmem>> -> memref<56xi32, #tpu.memory_space<vmem>>
        %dma_start3A_117 = arith.constant 0 : i32
        %dma_start3A_118 = arith.constant 0 : i32
        %dma_start3A_119 = tpu.memref_slice %arg13[%dma_start3A_117, %dma_start3A_118] : memref<10112x128xf32, #tpu.memory_space<vmem_shared>> -> memref<10112x128xf32, #tpu.memory_space<vmem_shared>>
        tpu.enqueue_indirect_dma source(%arg9 : memref<56x128xf32, #tpu.memory_space<vmem>>) target(%dma_start3A_119 : memref<10112x128xf32, #tpu.memory_space<vmem_shared>>) offsets(%dma_start3A_116 : memref<56xi32, #tpu.memory_space<vmem>>) semaphore(%run_scoped3A : memref<!tpu.dma_semaphore, #tpu.memory_space<semaphore_mem>>) {add = true}
        %dma_wait3A_120 = tpu.memref_slice %arg8[%mul3A_64] : memref<10304xi32, #tpu.memory_space<vmem>> -> memref<56xi32, #tpu.memory_space<vmem>>
        %dma_wait3A_121 = arith.constant 0 : i32
        %dma_wait3A_122 = arith.constant 0 : i32
        %dma_wait3A_123 = tpu.memref_slice %arg13[%dma_wait3A_121, %dma_wait3A_122] : memref<10112x128xf32, #tpu.memory_space<vmem_shared>> -> memref<10112x128xf32, #tpu.memory_space<vmem_shared>>
        tpu.wait_indirect_dma semaphore(%run_scoped3A : memref<!tpu.dma_semaphore, #tpu.memory_space<semaphore_mem>>) src(%arg9 : memref<56x128xf32, #tpu.memory_space<vmem>>) dst(%dma_wait3A_123 : memref<10112x128xf32, #tpu.memory_space<vmem_shared>>)
        tpu.yield
      }) : () -> ()
      %add3A_65 = arith.constant 4 : i32
      %add3A_66 = arith.addi %mul3A_49, %add3A_65 : i32
      %mul3A_67 = arith.constant 56 : i32
      %mul3A_68 = arith.muli %add3A_66, %mul3A_67 : i32
      %dma_start3A_69 = tpu.memref_slice %arg7[%mul3A_68] : memref<10304xi32, #tpu.memory_space<vmem>> -> memref<56xi32, #tpu.memory_space<vmem>>
      %dma_start3A_70 = arith.constant 0 : i32
      %dma_start3A_71 = arith.constant 0 : i32
      %dma_start3A_72 = tpu.memref_slice %arg2[%dma_start3A_70, %dma_start3A_71] : memref<10000x128xf32, #tpu.memory_space<hbm>> -> memref<10000x128xf32, #tpu.memory_space<hbm>>
      tpu.enqueue_indirect_dma source(%dma_start3A_72 : memref<10000x128xf32, #tpu.memory_space<hbm>>) target(%arg9 : memref<56x128xf32, #tpu.memory_space<vmem>>) offsets(%dma_start3A_69 : memref<56xi32, #tpu.memory_space<vmem>>) semaphore(%arg14 : memref<!tpu.dma_semaphore, #tpu.memory_space<semaphore_mem>>)
      %dma_wait3A_73 = arith.constant 0 : i32
      %dma_wait3A_74 = tpu.memref_slice %arg7[%dma_wait3A_73] : memref<10304xi32, #tpu.memory_space<vmem>> -> memref<56xi32, #tpu.memory_space<vmem>>
      %dma_wait3A_75 = arith.constant 0 : i32
      %dma_wait3A_76 = arith.constant 0 : i32
      %dma_wait3A_77 = tpu.memref_slice %arg2[%dma_wait3A_75, %dma_wait3A_76] : memref<10000x128xf32, #tpu.memory_space<hbm>> -> memref<10000x128xf32, #tpu.memory_space<hbm>>
      tpu.wait_indirect_dma semaphore(%arg15 : memref<!tpu.dma_semaphore, #tpu.memory_space<semaphore_mem>>) src(%dma_wait3A_77 : memref<10000x128xf32, #tpu.memory_space<hbm>>) dst(%arg10 : memref<56x128xf32, #tpu.memory_space<vmem>>)
      %add3A_78 = arith.constant 1 : i32
      %add3A_79 = arith.addi %mul3A_49, %add3A_78 : i32
      %mul3A_80 = arith.constant 56 : i32
      %mul3A_81 = arith.muli %add3A_79, %mul3A_80 : i32
      "tpu.region"() ({
        %run_scoped3A = tpu.sem_alloc : memref<!tpu.dma_semaphore, #tpu.memory_space<semaphore_mem>>
        %dma_start3A_116 = tpu.memref_slice %arg8[%mul3A_81] : memref<10304xi32, #tpu.memory_space<vmem>> -> memref<56xi32, #tpu.memory_space<vmem>>
        %dma_start3A_117 = arith.constant 0 : i32
        %dma_start3A_118 = arith.constant 0 : i32
        %dma_start3A_119 = tpu.memref_slice %arg13[%dma_start3A_117, %dma_start3A_118] : memref<10112x128xf32, #tpu.memory_space<vmem_shared>> -> memref<10112x128xf32, #tpu.memory_space<vmem_shared>>
        tpu.enqueue_indirect_dma source(%arg10 : memref<56x128xf32, #tpu.memory_space<vmem>>) target(%dma_start3A_119 : memref<10112x128xf32, #tpu.memory_space<vmem_shared>>) offsets(%dma_start3A_116 : memref<56xi32, #tpu.memory_space<vmem>>) semaphore(%run_scoped3A : memref<!tpu.dma_semaphore, #tpu.memory_space<semaphore_mem>>) {add = true}
        %dma_wait3A_120 = tpu.memref_slice %arg8[%mul3A_81] : memref<10304xi32, #tpu.memory_space<vmem>> -> memref<56xi32, #tpu.memory_space<vmem>>
        %dma_wait3A_121 = arith.constant 0 : i32
        %dma_wait3A_122 = arith.constant 0 : i32
        %dma_wait3A_123 = tpu.memref_slice %arg13[%dma_wait3A_121, %dma_wait3A_122] : memref<10112x128xf32, #tpu.memory_space<vmem_shared>> -> memref<10112x128xf32, #tpu.memory_space<vmem_shared>>
        tpu.wait_indirect_dma semaphore(%run_scoped3A : memref<!tpu.dma_semaphore, #tpu.memory_space<semaphore_mem>>) src(%arg10 : memref<56x128xf32, #tpu.memory_space<vmem>>) dst(%dma_wait3A_123 : memref<10112x128xf32, #tpu.memory_space<vmem_shared>>)
        tpu.yield
      }) : () -> ()
      %add3A_82 = arith.constant 5 : i32
      %add3A_83 = arith.addi %mul3A_49, %add3A_82 : i32
      %mul3A_84 = arith.constant 56 : i32
      %mul3A_85 = arith.muli %add3A_83, %mul3A_84 : i32
      %dma_start3A_86 = tpu.memref_slice %arg7[%mul3A_85] : memref<10304xi32, #tpu.memory_space<vmem>> -> memref<56xi32, #tpu.memory_space<vmem>>
      %dma_start3A_87 = arith.constant 0 : i32
      %dma_start3A_88 = arith.constant 0 : i32
      %dma_start3A_89 = tpu.memref_slice %arg2[%dma_start3A_87, %dma_start3A_88] : memref<10000x128xf32, #tpu.memory_space<hbm>> -> memref<10000x128xf32, #tpu.memory_space<hbm>>
      tpu.enqueue_indirect_dma source(%dma_start3A_89 : memref<10000x128xf32, #tpu.memory_space<hbm>>) target(%arg10 : memref<56x128xf32, #tpu.memory_space<vmem>>) offsets(%dma_start3A_86 : memref<56xi32, #tpu.memory_space<vmem>>) semaphore(%arg15 : memref<!tpu.dma_semaphore, #tpu.memory_space<semaphore_mem>>)
      %dma_wait3A_90 = arith.constant 0 : i32
      %dma_wait3A_91 = tpu.memref_slice %arg7[%dma_wait3A_90] : memref<10304xi32, #tpu.memory_space<vmem>> -> memref<56xi32, #tpu.memory_space<vmem>>
      %dma_wait3A_92 = arith.constant 0 : i32
      %dma_wait3A_93 = arith.constant 0 : i32
      %dma_wait3A_94 = tpu.memref_slice %arg2[%dma_wait3A_92, %dma_wait3A_93] : memref<10000x128xf32, #tpu.memory_space<hbm>> -> memref<10000x128xf32, #tpu.memory_space<hbm>>
      tpu.wait_indirect_dma semaphore(%arg16 : memref<!tpu.dma_semaphore, #tpu.memory_space<semaphore_mem>>) src(%dma_wait3A_94 : memref<10000x128xf32, #tpu.memory_space<hbm>>) dst(%arg11 : memref<56x128xf32, #tpu.memory_space<vmem>>)
      %add3A_95 = arith.constant 2 : i32
      %add3A_96 = arith.addi %mul3A_49, %add3A_95 : i32
      %mul3A_97 = arith.constant 56 : i32
      %mul3A_98 = arith.muli %add3A_96, %mul3A_97 : i32
      "tpu.region"() ({
        %run_scoped3A = tpu.sem_alloc : memref<!tpu.dma_semaphore, #tpu.memory_space<semaphore_mem>>
        %dma_start3A_116 = tpu.memref_slice %arg8[%mul3A_98] : memref<10304xi32, #tpu.memory_space<vmem>> -> memref<56xi32, #tpu.memory_space<vmem>>
        %dma_start3A_117 = arith.constant 0 : i32
        %dma_start3A_118 = arith.constant 0 : i32
        %dma_start3A_119 = tpu.memref_slice %arg13[%dma_start3A_117, %dma_start3A_118] : memref<10112x128xf32, #tpu.memory_space<vmem_shared>> -> memref<10112x128xf32, #tpu.memory_space<vmem_shared>>
        tpu.enqueue_indirect_dma source(%arg11 : memref<56x128xf32, #tpu.memory_space<vmem>>) target(%dma_start3A_119 : memref<10112x128xf32, #tpu.memory_space<vmem_shared>>) offsets(%dma_start3A_116 : memref<56xi32, #tpu.memory_space<vmem>>) semaphore(%run_scoped3A : memref<!tpu.dma_semaphore, #tpu.memory_space<semaphore_mem>>) {add = true}
        %dma_wait3A_120 = tpu.memref_slice %arg8[%mul3A_98] : memref<10304xi32, #tpu.memory_space<vmem>> -> memref<56xi32, #tpu.memory_space<vmem>>
        %dma_wait3A_121 = arith.constant 0 : i32
        %dma_wait3A_122 = arith.constant 0 : i32
        %dma_wait3A_123 = tpu.memref_slice %arg13[%dma_wait3A_121, %dma_wait3A_122] : memref<10112x128xf32, #tpu.memory_space<vmem_shared>> -> memref<10112x128xf32, #tpu.memory_space<vmem_shared>>
        tpu.wait_indirect_dma semaphore(%run_scoped3A : memref<!tpu.dma_semaphore, #tpu.memory_space<semaphore_mem>>) src(%arg11 : memref<56x128xf32, #tpu.memory_space<vmem>>) dst(%dma_wait3A_123 : memref<10112x128xf32, #tpu.memory_space<vmem_shared>>)
        tpu.yield
      }) : () -> ()
      %add3A_99 = arith.constant 6 : i32
      %add3A_100 = arith.addi %mul3A_49, %add3A_99 : i32
      %mul3A_101 = arith.constant 56 : i32
      %mul3A_102 = arith.muli %add3A_100, %mul3A_101 : i32
      %dma_start3A_103 = tpu.memref_slice %arg7[%mul3A_102] : memref<10304xi32, #tpu.memory_space<vmem>> -> memref<56xi32, #tpu.memory_space<vmem>>
      %dma_start3A_104 = arith.constant 0 : i32
      %dma_start3A_105 = arith.constant 0 : i32
      %dma_start3A_106 = tpu.memref_slice %arg2[%dma_start3A_104, %dma_start3A_105] : memref<10000x128xf32, #tpu.memory_space<hbm>> -> memref<10000x128xf32, #tpu.memory_space<hbm>>
      tpu.enqueue_indirect_dma source(%dma_start3A_106 : memref<10000x128xf32, #tpu.memory_space<hbm>>) target(%arg11 : memref<56x128xf32, #tpu.memory_space<vmem>>) offsets(%dma_start3A_103 : memref<56xi32, #tpu.memory_space<vmem>>) semaphore(%arg16 : memref<!tpu.dma_semaphore, #tpu.memory_space<semaphore_mem>>)
      %dma_wait3A_107 = arith.constant 0 : i32
      %dma_wait3A_108 = tpu.memref_slice %arg7[%dma_wait3A_107] : memref<10304xi32, #tpu.memory_space<vmem>> -> memref<56xi32, #tpu.memory_space<vmem>>
      %dma_wait3A_109 = arith.constant 0 : i32
      %dma_wait3A_110 = arith.constant 0 : i32
      %dma_wait3A_111 = tpu.memref_slice %arg2[%dma_wait3A_109, %dma_wait3A_110] : memref<10000x128xf32, #tpu.memory_space<hbm>> -> memref<10000x128xf32, #tpu.memory_space<hbm>>
      tpu.wait_indirect_dma semaphore(%arg17 : memref<!tpu.dma_semaphore, #tpu.memory_space<semaphore_mem>>) src(%dma_wait3A_111 : memref<10000x128xf32, #tpu.memory_space<hbm>>) dst(%arg12 : memref<56x128xf32, #tpu.memory_space<vmem>>)
      %add3A_112 = arith.constant 3 : i32
      %add3A_113 = arith.addi %mul3A_49, %add3A_112 : i32
      %mul3A_114 = arith.constant 56 : i32
      %mul3A_115 = arith.muli %add3A_113, %mul3A_114 : i32
      "tpu.region"() ({
        %run_scoped3A = tpu.sem_alloc : memref<!tpu.dma_semaphore, #tpu.memory_space<semaphore_mem>>
        %dma_start3A_116 = tpu.memref_slice %arg8[%mul3A_115] : memref<10304xi32, #tpu.memory_space<vmem>> -> memref<56xi32, #tpu.memory_space<vmem>>
        %dma_start3A_117 = arith.constant 0 : i32
        %dma_start3A_118 = arith.constant 0 : i32
        %dma_start3A_119 = tpu.memref_slice %arg13[%dma_start3A_117, %dma_start3A_118] : memref<10112x128xf32, #tpu.memory_space<vmem_shared>> -> memref<10112x128xf32, #tpu.memory_space<vmem_shared>>
        tpu.enqueue_indirect_dma source(%arg12 : memref<56x128xf32, #tpu.memory_space<vmem>>) target(%dma_start3A_119 : memref<10112x128xf32, #tpu.memory_space<vmem_shared>>) offsets(%dma_start3A_116 : memref<56xi32, #tpu.memory_space<vmem>>) semaphore(%run_scoped3A : memref<!tpu.dma_semaphore, #tpu.memory_space<semaphore_mem>>) {add = true}
        %dma_wait3A_120 = tpu.memref_slice %arg8[%mul3A_115] : memref<10304xi32, #tpu.memory_space<vmem>> -> memref<56xi32, #tpu.memory_space<vmem>>
        %dma_wait3A_121 = arith.constant 0 : i32
        %dma_wait3A_122 = arith.constant 0 : i32
        %dma_wait3A_123 = tpu.memref_slice %arg13[%dma_wait3A_121, %dma_wait3A_122] : memref<10112x128xf32, #tpu.memory_space<vmem_shared>> -> memref<10112x128xf32, #tpu.memory_space<vmem_shared>>
        tpu.wait_indirect_dma semaphore(%run_scoped3A : memref<!tpu.dma_semaphore, #tpu.memory_space<semaphore_mem>>) src(%arg12 : memref<56x128xf32, #tpu.memory_space<vmem>>) dst(%dma_wait3A_123 : memref<10112x128xf32, #tpu.memory_space<vmem_shared>>)
        tpu.yield
      }) : () -> ()
    }
    %scan3A_21 = arith.constant 45 : i32
    %dma_start3A_22 = arith.constant 10248 : i32
    %dma_start3A_23 = tpu.memref_slice %arg7[%dma_start3A_22] : memref<10304xi32, #tpu.memory_space<vmem>> -> memref<56xi32, #tpu.memory_space<vmem>>
    %dma_start3A_24 = arith.constant 0 : i32
    %dma_start3A_25 = arith.constant 0 : i32
    %dma_start3A_26 = tpu.memref_slice %arg2[%dma_start3A_24, %dma_start3A_25] : memref<10000x128xf32, #tpu.memory_space<hbm>> -> memref<10000x128xf32, #tpu.memory_space<hbm>>
    tpu.enqueue_indirect_dma source(%dma_start3A_26 : memref<10000x128xf32, #tpu.memory_space<hbm>>) target(%arg12 : memref<56x128xf32, #tpu.memory_space<vmem>>) offsets(%dma_start3A_23 : memref<56xi32, #tpu.memory_space<vmem>>) semaphore(%arg17 : memref<!tpu.dma_semaphore, #tpu.memory_space<semaphore_mem>>)
    %dma_wait3A = arith.constant 0 : i32
    %dma_wait3A_27 = tpu.memref_slice %arg7[%dma_wait3A] : memref<10304xi32, #tpu.memory_space<vmem>> -> memref<56xi32, #tpu.memory_space<vmem>>
    %dma_wait3A_28 = arith.constant 0 : i32
    %dma_wait3A_29 = arith.constant 0 : i32
    %dma_wait3A_30 = tpu.memref_slice %arg2[%dma_wait3A_28, %dma_wait3A_29] : memref<10000x128xf32, #tpu.memory_space<hbm>> -> memref<10000x128xf32, #tpu.memory_space<hbm>>
    tpu.wait_indirect_dma semaphore(%arg14 : memref<!tpu.dma_semaphore, #tpu.memory_space<semaphore_mem>>) src(%dma_wait3A_30 : memref<10000x128xf32, #tpu.memory_space<hbm>>) dst(%arg9 : memref<56x128xf32, #tpu.memory_space<vmem>>)
    "tpu.region"() ({
      %run_scoped3A = tpu.sem_alloc : memref<!tpu.dma_semaphore, #tpu.memory_space<semaphore_mem>>
      %dma_start3A_47 = arith.constant 10080 : i32
      %dma_start3A_48 = tpu.memref_slice %arg8[%dma_start3A_47] : memref<10304xi32, #tpu.memory_space<vmem>> -> memref<56xi32, #tpu.memory_space<vmem>>
      %dma_start3A_49 = arith.constant 0 : i32
      %dma_start3A_50 = arith.constant 0 : i32
      %dma_start3A_51 = tpu.memref_slice %arg13[%dma_start3A_49, %dma_start3A_50] : memref<10112x128xf32, #tpu.memory_space<vmem_shared>> -> memref<10112x128xf32, #tpu.memory_space<vmem_shared>>
      tpu.enqueue_indirect_dma source(%arg9 : memref<56x128xf32, #tpu.memory_space<vmem>>) target(%dma_start3A_51 : memref<10112x128xf32, #tpu.memory_space<vmem_shared>>) offsets(%dma_start3A_48 : memref<56xi32, #tpu.memory_space<vmem>>) semaphore(%run_scoped3A : memref<!tpu.dma_semaphore, #tpu.memory_space<semaphore_mem>>) {add = true}
      %dma_wait3A_52 = arith.constant 10080 : i32
      %dma_wait3A_53 = tpu.memref_slice %arg8[%dma_wait3A_52] : memref<10304xi32, #tpu.memory_space<vmem>> -> memref<56xi32, #tpu.memory_space<vmem>>
      %dma_wait3A_54 = arith.constant 0 : i32
      %dma_wait3A_55 = arith.constant 0 : i32
      %dma_wait3A_56 = tpu.memref_slice %arg13[%dma_wait3A_54, %dma_wait3A_55] : memref<10112x128xf32, #tpu.memory_space<vmem_shared>> -> memref<10112x128xf32, #tpu.memory_space<vmem_shared>>
      tpu.wait_indirect_dma semaphore(%run_scoped3A : memref<!tpu.dma_semaphore, #tpu.memory_space<semaphore_mem>>) src(%arg9 : memref<56x128xf32, #tpu.memory_space<vmem>>) dst(%dma_wait3A_56 : memref<10112x128xf32, #tpu.memory_space<vmem_shared>>)
      tpu.yield
    }) : () -> ()
    %dma_wait3A_31 = arith.constant 0 : i32
    %dma_wait3A_32 = tpu.memref_slice %arg7[%dma_wait3A_31] : memref<10304xi32, #tpu.memory_space<vmem>> -> memref<56xi32, #tpu.memory_space<vmem>>
    %dma_wait3A_33 = arith.constant 0 : i32
    %dma_wait3A_34 = arith.constant 0 : i32
    %dma_wait3A_35 = tpu.memref_slice %arg2[%dma_wait3A_33, %dma_wait3A_34] : memref<10000x128xf32, #tpu.memory_space<hbm>> -> memref<10000x128xf32, #tpu.memory_space<hbm>>
    tpu.wait_indirect_dma semaphore(%arg15 : memref<!tpu.dma_semaphore, #tpu.memory_space<semaphore_mem>>) src(%dma_wait3A_35 : memref<10000x128xf32, #tpu.memory_space<hbm>>) dst(%arg10 : memref<56x128xf32, #tpu.memory_space<vmem>>)
    "tpu.region"() ({
      %run_scoped3A = tpu.sem_alloc : memref<!tpu.dma_semaphore, #tpu.memory_space<semaphore_mem>>
      %dma_start3A_47 = arith.constant 10136 : i32
      %dma_start3A_48 = tpu.memref_slice %arg8[%dma_start3A_47] : memref<10304xi32, #tpu.memory_space<vmem>> -> memref<56xi32, #tpu.memory_space<vmem>>
      %dma_start3A_49 = arith.constant 0 : i32
      %dma_start3A_50 = arith.constant 0 : i32
      %dma_start3A_51 = tpu.memref_slice %arg13[%dma_start3A_49, %dma_start3A_50] : memref<10112x128xf32, #tpu.memory_space<vmem_shared>> -> memref<10112x128xf32, #tpu.memory_space<vmem_shared>>
      tpu.enqueue_indirect_dma source(%arg10 : memref<56x128xf32, #tpu.memory_space<vmem>>) target(%dma_start3A_51 : memref<10112x128xf32, #tpu.memory_space<vmem_shared>>) offsets(%dma_start3A_48 : memref<56xi32, #tpu.memory_space<vmem>>) semaphore(%run_scoped3A : memref<!tpu.dma_semaphore, #tpu.memory_space<semaphore_mem>>) {add = true}
      %dma_wait3A_52 = arith.constant 10136 : i32
      %dma_wait3A_53 = tpu.memref_slice %arg8[%dma_wait3A_52] : memref<10304xi32, #tpu.memory_space<vmem>> -> memref<56xi32, #tpu.memory_space<vmem>>
      %dma_wait3A_54 = arith.constant 0 : i32
      %dma_wait3A_55 = arith.constant 0 : i32
      %dma_wait3A_56 = tpu.memref_slice %arg13[%dma_wait3A_54, %dma_wait3A_55] : memref<10112x128xf32, #tpu.memory_space<vmem_shared>> -> memref<10112x128xf32, #tpu.memory_space<vmem_shared>>
      tpu.wait_indirect_dma semaphore(%run_scoped3A : memref<!tpu.dma_semaphore, #tpu.memory_space<semaphore_mem>>) src(%arg10 : memref<56x128xf32, #tpu.memory_space<vmem>>) dst(%dma_wait3A_56 : memref<10112x128xf32, #tpu.memory_space<vmem_shared>>)
      tpu.yield
    }) : () -> ()
    %dma_wait3A_36 = arith.constant 0 : i32
    %dma_wait3A_37 = tpu.memref_slice %arg7[%dma_wait3A_36] : memref<10304xi32, #tpu.memory_space<vmem>> -> memref<56xi32, #tpu.memory_space<vmem>>
    %dma_wait3A_38 = arith.constant 0 : i32
    %dma_wait3A_39 = arith.constant 0 : i32
    %dma_wait3A_40 = tpu.memref_slice %arg2[%dma_wait3A_38, %dma_wait3A_39] : memref<10000x128xf32, #tpu.memory_space<hbm>> -> memref<10000x128xf32, #tpu.memory_space<hbm>>
    tpu.wait_indirect_dma semaphore(%arg16 : memref<!tpu.dma_semaphore, #tpu.memory_space<semaphore_mem>>) src(%dma_wait3A_40 : memref<10000x128xf32, #tpu.memory_space<hbm>>) dst(%arg11 : memref<56x128xf32, #tpu.memory_space<vmem>>)
    "tpu.region"() ({
      %run_scoped3A = tpu.sem_alloc : memref<!tpu.dma_semaphore, #tpu.memory_space<semaphore_mem>>
      %dma_start3A_47 = arith.constant 10192 : i32
      %dma_start3A_48 = tpu.memref_slice %arg8[%dma_start3A_47] : memref<10304xi32, #tpu.memory_space<vmem>> -> memref<56xi32, #tpu.memory_space<vmem>>
      %dma_start3A_49 = arith.constant 0 : i32
      %dma_start3A_50 = arith.constant 0 : i32
      %dma_start3A_51 = tpu.memref_slice %arg13[%dma_start3A_49, %dma_start3A_50] : memref<10112x128xf32, #tpu.memory_space<vmem_shared>> -> memref<10112x128xf32, #tpu.memory_space<vmem_shared>>
      tpu.enqueue_indirect_dma source(%arg11 : memref<56x128xf32, #tpu.memory_space<vmem>>) target(%dma_start3A_51 : memref<10112x128xf32, #tpu.memory_space<vmem_shared>>) offsets(%dma_start3A_48 : memref<56xi32, #tpu.memory_space<vmem>>) semaphore(%run_scoped3A : memref<!tpu.dma_semaphore, #tpu.memory_space<semaphore_mem>>) {add = true}
      %dma_wait3A_52 = arith.constant 10192 : i32
      %dma_wait3A_53 = tpu.memref_slice %arg8[%dma_wait3A_52] : memref<10304xi32, #tpu.memory_space<vmem>> -> memref<56xi32, #tpu.memory_space<vmem>>
      %dma_wait3A_54 = arith.constant 0 : i32
      %dma_wait3A_55 = arith.constant 0 : i32
      %dma_wait3A_56 = tpu.memref_slice %arg13[%dma_wait3A_54, %dma_wait3A_55] : memref<10112x128xf32, #tpu.memory_space<vmem_shared>> -> memref<10112x128xf32, #tpu.memory_space<vmem_shared>>
      tpu.wait_indirect_dma semaphore(%run_scoped3A : memref<!tpu.dma_semaphore, #tpu.memory_space<semaphore_mem>>) src(%arg11 : memref<56x128xf32, #tpu.memory_space<vmem>>) dst(%dma_wait3A_56 : memref<10112x128xf32, #tpu.memory_space<vmem_shared>>)
      tpu.yield
    }) : () -> ()
    %dma_wait3A_41 = arith.constant 0 : i32
    %dma_wait3A_42 = tpu.memref_slice %arg7[%dma_wait3A_41] : memref<10304xi32, #tpu.memory_space<vmem>> -> memref<56xi32, #tpu.memory_space<vmem>>
    %dma_wait3A_43 = arith.constant 0 : i32
    %dma_wait3A_44 = arith.constant 0 : i32
    %dma_wait3A_45 = tpu.memref_slice %arg2[%dma_wait3A_43, %dma_wait3A_44] : memref<10000x128xf32, #tpu.memory_space<hbm>> -> memref<10000x128xf32, #tpu.memory_space<hbm>>
    tpu.wait_indirect_dma semaphore(%arg17 : memref<!tpu.dma_semaphore, #tpu.memory_space<semaphore_mem>>) src(%dma_wait3A_45 : memref<10000x128xf32, #tpu.memory_space<hbm>>) dst(%arg12 : memref<56x128xf32, #tpu.memory_space<vmem>>)
    "tpu.region"() ({
      %run_scoped3A = tpu.sem_alloc : memref<!tpu.dma_semaphore, #tpu.memory_space<semaphore_mem>>
      %dma_start3A_47 = arith.constant 10248 : i32
      %dma_start3A_48 = tpu.memref_slice %arg8[%dma_start3A_47] : memref<10304xi32, #tpu.memory_space<vmem>> -> memref<56xi32, #tpu.memory_space<vmem>>
      %dma_start3A_49 = arith.constant 0 : i32
      %dma_start3A_50 = arith.constant 0 : i32
      %dma_start3A_51 = tpu.memref_slice %arg13[%dma_start3A_49, %dma_start3A_50] : memref<10112x128xf32, #tpu.memory_space<vmem_shared>> -> memref<10112x128xf32, #tpu.memory_space<vmem_shared>>
      tpu.enqueue_indirect_dma source(%arg12 : memref<56x128xf32, #tpu.memory_space<vmem>>) target(%dma_start3A_51 : memref<10112x128xf32, #tpu.memory_space<vmem_shared>>) offsets(%dma_start3A_48 : memref<56xi32, #tpu.memory_space<vmem>>) semaphore(%run_scoped3A : memref<!tpu.dma_semaphore, #tpu.memory_space<semaphore_mem>>) {add = true}
      %dma_wait3A_52 = arith.constant 10248 : i32
      %dma_wait3A_53 = tpu.memref_slice %arg8[%dma_wait3A_52] : memref<10304xi32, #tpu.memory_space<vmem>> -> memref<56xi32, #tpu.memory_space<vmem>>
      %dma_wait3A_54 = arith.constant 0 : i32
      %dma_wait3A_55 = arith.constant 0 : i32
      %dma_wait3A_56 = tpu.memref_slice %arg13[%dma_wait3A_54, %dma_wait3A_55] : memref<10112x128xf32, #tpu.memory_space<vmem_shared>> -> memref<10112x128xf32, #tpu.memory_space<vmem_shared>>
      tpu.wait_indirect_dma semaphore(%run_scoped3A : memref<!tpu.dma_semaphore, #tpu.memory_space<semaphore_mem>>) src(%arg12 : memref<56x128xf32, #tpu.memory_space<vmem>>) dst(%dma_wait3A_56 : memref<10112x128xf32, #tpu.memory_space<vmem_shared>>)
      tpu.yield
    }) : () -> ()
    %barrier3A_46 = arith.constant 0 : index
    tpu.barrier barrier_id(%barrier3A_46)
    "tpu.region"() ({
      %run_scoped3A = tpu.sem_alloc : memref<!tpu.dma_semaphore, #tpu.memory_space<semaphore_mem>>
      %dma_start3A_47 = arith.constant 0 : i32
      %dma_start3A_48 = tpu.memref_slice %arg6[%arg0, %mul3A_2, %dma_start3A_47] : memref<2x10112x128xf32, #tpu.memory_space<hbm>> -> memref<1x632x128xf32, #tpu.memory_space<hbm>>
      %dma_start3A_49 = tpu.memref_squeeze %dma_start3A_48 : memref<1x632x128xf32, #tpu.memory_space<hbm>> -> memref<632x128xf32, #tpu.memory_space<hbm>>
      %dma_start3A_50 = arith.constant 0 : i32
      %dma_start3A_51 = tpu.memref_slice %arg13[%mul3A_2, %dma_start3A_50] : memref<10112x128xf32, #tpu.memory_space<vmem_shared>> -> memref<632x128xf32, #tpu.memory_space<vmem_shared>>
      tpu.enqueue_dma source(%dma_start3A_51 : memref<632x128xf32, #tpu.memory_space<vmem_shared>>) target(%dma_start3A_49 : memref<632x128xf32, #tpu.memory_space<hbm>>) target_semaphore(%run_scoped3A : memref<!tpu.dma_semaphore, #tpu.memory_space<semaphore_mem>>)
      %dma_wait3A_52 = arith.constant 0 : i32
      %dma_wait3A_53 = tpu.memref_slice %arg6[%arg0, %mul3A_2, %dma_wait3A_52] : memref<2x10112x128xf32, #tpu.memory_space<hbm>> -> memref<1x632x128xf32, #tpu.memory_space<hbm>>
      %dma_wait3A_54 = tpu.memref_squeeze %dma_wait3A_53 : memref<1x632x128xf32, #tpu.memory_space<hbm>> -> memref<632x128xf32, #tpu.memory_space<hbm>>
      %dma_wait3A_55 = arith.constant 0 : i32
      %dma_wait3A_56 = tpu.memref_slice %arg13[%mul3A_2, %dma_wait3A_55] : memref<10112x128xf32, #tpu.memory_space<vmem_shared>> -> memref<632x128xf32, #tpu.memory_space<vmem_shared>>
      tpu.wait_dma2 semaphore(%run_scoped3A : memref<!tpu.dma_semaphore, #tpu.memory_space<semaphore_mem>>) src(%dma_wait3A_56 : memref<632x128xf32, #tpu.memory_space<vmem_shared>>) dst(%dma_wait3A_54 : memref<632x128xf32, #tpu.memory_space<hbm>>)
      tpu.yield
    }) : () -> ()
    return
  }
}

#map = affine_map<(d0, d1) -> (0, 0)>
#map1 = affine_map<(d0, d1) -> (0, 0, 0)>
module attributes {stable_mosaic.version = 14 : i64} {
  func.func @_sc_agg_body(%arg0: i32, %arg1: i32, %arg2: memref<10000x128xf32, #tpu.memory_space<hbm>>, %arg3: memref<32x10304xi32, #tpu.memory_space<hbm>>, %arg4: memref<32x10304xi32, #tpu.memory_space<hbm>>, %arg5: memref<10112x128xf32, #tpu.memory_space<hbm>>, %arg6: memref<2x10112x128xf32, #tpu.memory_space<hbm>>, %arg7: memref<10304xi32, #tpu.memory_space<vmem>>, %arg8: memref<10304xi32, #tpu.memory_space<vmem>>, %arg9: memref<56x128xf32, #tpu.memory_space<vmem>>, %arg10: memref<56x128xf32, #tpu.memory_space<vmem>>, %arg11: memref<56x128xf32, #tpu.memory_space<vmem>>, %arg12: memref<56x128xf32, #tpu.memory_space<vmem>>, %arg13: memref<10112x128xf32, #tpu.memory_space<vmem_shared>>, %arg14: memref<!tpu.dma_semaphore, #tpu.memory_space<semaphore_mem>>, %arg15: memref<!tpu.dma_semaphore, #tpu.memory_space<semaphore_mem>>, %arg16: memref<!tpu.dma_semaphore, #tpu.memory_space<semaphore_mem>>, %arg17: memref<!tpu.dma_semaphore, #tpu.memory_space<semaphore_mem>>) attributes {dimension_semantics = [#tpu.dimension_semantics<core_parallel>, #tpu.dimension_semantics<subcore_parallel>], iteration_bounds = array<i64: 2, 16>, scalar_prefetch = 0 : i64, scratch_operands = 11 : i64, tpu.core_type = #tpu.core_type<sc_vector_subcore>, window_params = [{transform_indices = #map}, {transform_indices = #map}, {transform_indices = #map}, {transform_indices = #map}, {transform_indices = #map1}]} {
    %mul3A = arith.constant 16 : i32
    %mul3A_0 = arith.muli %arg0, %mul3A : i32
    %add3A = arith.addi %mul3A_0, %arg1 : i32
    %mul3A_1 = arith.constant 632 : i32
    %mul3A_2 = arith.muli %arg1, %mul3A_1 : i32
    "tpu.region"() ({
      %run_scoped3A = tpu.sem_alloc : memref<!tpu.dma_semaphore, #tpu.memory_space<semaphore_mem>>
      %dma_start3A_47 = arith.constant 0 : i32
      %dma_start3A_48 = tpu.memref_slice %arg13[%mul3A_2, %dma_start3A_47] : memref<10112x128xf32, #tpu.memory_space<vmem_shared>> -> memref<632x128xf32, #tpu.memory_space<vmem_shared>>
      %dma_start3A_49 = arith.constant 0 : i32
      %dma_start3A_50 = tpu.memref_slice %arg5[%mul3A_2, %dma_start3A_49] : memref<10112x128xf32, #tpu.memory_space<hbm>> -> memref<632x128xf32, #tpu.memory_space<hbm>>
      tpu.enqueue_dma source(%dma_start3A_50 : memref<632x128xf32, #tpu.memory_space<hbm>>) target(%dma_start3A_48 : memref<632x128xf32, #tpu.memory_space<vmem_shared>>) target_semaphore(%run_scoped3A : memref<!tpu.dma_semaphore, #tpu.memory_space<semaphore_mem>>)
      %dma_wait3A_51 = arith.constant 0 : i32
      %dma_wait3A_52 = tpu.memref_slice %arg13[%mul3A_2, %dma_wait3A_51] : memref<10112x128xf32, #tpu.memory_space<vmem_shared>> -> memref<632x128xf32, #tpu.memory_space<vmem_shared>>
      %dma_wait3A_53 = arith.constant 0 : i32
      %dma_wait3A_54 = tpu.memref_slice %arg5[%mul3A_2, %dma_wait3A_53] : memref<10112x128xf32, #tpu.memory_space<hbm>> -> memref<632x128xf32, #tpu.memory_space<hbm>>
      tpu.wait_dma2 semaphore(%run_scoped3A : memref<!tpu.dma_semaphore, #tpu.memory_space<semaphore_mem>>) src(%dma_wait3A_54 : memref<632x128xf32, #tpu.memory_space<hbm>>) dst(%dma_wait3A_52 : memref<632x128xf32, #tpu.memory_space<vmem_shared>>)
      tpu.yield
    }) : () -> ()
    "tpu.region"() ({
      %run_scoped3A = tpu.sem_alloc : memref<!tpu.dma_semaphore, #tpu.memory_space<semaphore_mem>>
      %dma_start3A_47 = arith.constant 0 : i32
      %dma_start3A_48 = tpu.memref_slice %arg3[%add3A, %dma_start3A_47] : memref<32x10304xi32, #tpu.memory_space<hbm>> -> memref<1x10304xi32, #tpu.memory_space<hbm>>
      %dma_start3A_49 = tpu.memref_squeeze %dma_start3A_48 : memref<1x10304xi32, #tpu.memory_space<hbm>> -> memref<10304xi32, #tpu.memory_space<hbm>>
      %dma_start3A_50 = arith.constant 0 : i32
      %dma_start3A_51 = tpu.memref_slice %arg3[%add3A, %dma_start3A_50] : memref<32x10304xi32, #tpu.memory_space<hbm>> -> memref<1x10304xi32, #tpu.memory_space<hbm>>
      %dma_start3A_52 = tpu.memref_squeeze %dma_start3A_51 : memref<1x10304xi32, #tpu.memory_space<hbm>> -> memref<10304xi32, #tpu.memory_space<hbm>>
      tpu.enqueue_dma source(%dma_start3A_52 : memref<10304xi32, #tpu.memory_space<hbm>>) target(%arg7 : memref<10304xi32, #tpu.memory_space<vmem>>) target_semaphore(%run_scoped3A : memref<!tpu.dma_semaphore, #tpu.memory_space<semaphore_mem>>)
      %dma_wait3A_53 = arith.constant 0 : i32
      %dma_wait3A_54 = tpu.memref_slice %arg3[%add3A, %dma_wait3A_53] : memref<32x10304xi32, #tpu.memory_space<hbm>> -> memref<1x10304xi32, #tpu.memory_space<hbm>>
      %dma_wait3A_55 = tpu.memref_squeeze %dma_wait3A_54 : memref<1x10304xi32, #tpu.memory_space<hbm>> -> memref<10304xi32, #tpu.memory_space<hbm>>
      %dma_wait3A_56 = arith.constant 0 : i32
      %dma_wait3A_57 = tpu.memref_slice %arg3[%add3A, %dma_wait3A_56] : memref<32x10304xi32, #tpu.memory_space<hbm>> -> memref<1x10304xi32, #tpu.memory_space<hbm>>
      %dma_wait3A_58 = tpu.memref_squeeze %dma_wait3A_57 : memref<1x10304xi32, #tpu.memory_space<hbm>> -> memref<10304xi32, #tpu.memory_space<hbm>>
      tpu.wait_dma2 semaphore(%run_scoped3A : memref<!tpu.dma_semaphore, #tpu.memory_space<semaphore_mem>>) src(%dma_wait3A_58 : memref<10304xi32, #tpu.memory_space<hbm>>) dst(%arg7 : memref<10304xi32, #tpu.memory_space<vmem>>)
      tpu.yield
    }) : () -> ()
    "tpu.region"() ({
      %run_scoped3A = tpu.sem_alloc : memref<!tpu.dma_semaphore, #tpu.memory_space<semaphore_mem>>
      %dma_start3A_47 = arith.constant 0 : i32
      %dma_start3A_48 = tpu.memref_slice %arg4[%add3A, %dma_start3A_47] : memref<32x10304xi32, #tpu.memory_space<hbm>> -> memref<1x10304xi32, #tpu.memory_space<hbm>>
      %dma_start3A_49 = tpu.memref_squeeze %dma_start3A_48 : memref<1x10304xi32, #tpu.memory_space<hbm>> -> memref<10304xi32, #tpu.memory_space<hbm>>
      %dma_start3A_50 = arith.constant 0 : i32
      %dma_start3A_51 = tpu.memref_slice %arg4[%add3A, %dma_start3A_50] : memref<32x10304xi32, #tpu.memory_space<hbm>> -> memref<1x10304xi32, #tpu.memory_space<hbm>>
      %dma_start3A_52 = tpu.memref_squeeze %dma_start3A_51 : memref<1x10304xi32, #tpu.memory_space<hbm>> -> memref<10304xi32, #tpu.memory_space<hbm>>
      tpu.enqueue_dma source(%dma_start3A_52 : memref<10304xi32, #tpu.memory_space<hbm>>) target(%arg8 : memref<10304xi32, #tpu.memory_space<vmem>>) target_semaphore(%run_scoped3A : memref<!tpu.dma_semaphore, #tpu.memory_space<semaphore_mem>>)
      %dma_wait3A_53 = arith.constant 0 : i32
      %dma_wait3A_54 = tpu.memref_slice %arg4[%add3A, %dma_wait3A_53] : memref<32x10304xi32, #tpu.memory_space<hbm>> -> memref<1x10304xi32, #tpu.memory_space<hbm>>
      %dma_wait3A_55 = tpu.memref_squeeze %dma_wait3A_54 : memref<1x10304xi32, #tpu.memory_space<hbm>> -> memref<10304xi32, #tpu.memory_space<hbm>>
      %dma_wait3A_56 = arith.constant 0 : i32
      %dma_wait3A_57 = tpu.memref_slice %arg4[%add3A, %dma_wait3A_56] : memref<32x10304xi32, #tpu.memory_space<hbm>> -> memref<1x10304xi32, #tpu.memory_space<hbm>>
      %dma_wait3A_58 = tpu.memref_squeeze %dma_wait3A_57 : memref<1x10304xi32, #tpu.memory_space<hbm>> -> memref<10304xi32, #tpu.memory_space<hbm>>
      tpu.wait_dma2 semaphore(%run_scoped3A : memref<!tpu.dma_semaphore, #tpu.memory_space<semaphore_mem>>) src(%dma_wait3A_58 : memref<10304xi32, #tpu.memory_space<hbm>>) dst(%arg8 : memref<10304xi32, #tpu.memory_space<vmem>>)
      tpu.yield
    }) : () -> ()
    %barrier3A = arith.constant 0 : index
    tpu.barrier barrier_id(%barrier3A)
    %dma_start3A = arith.constant 0 : i32
    %dma_start3A_3 = tpu.memref_slice %arg7[%dma_start3A] : memref<10304xi32, #tpu.memory_space<vmem>> -> memref<56xi32, #tpu.memory_space<vmem>>
    %dma_start3A_4 = arith.constant 0 : i32
    %dma_start3A_5 = arith.constant 0 : i32
    %dma_start3A_6 = tpu.memref_slice %arg2[%dma_start3A_4, %dma_start3A_5] : memref<10000x128xf32, #tpu.memory_space<hbm>> -> memref<10000x128xf32, #tpu.memory_space<hbm>>
    tpu.enqueue_indirect_dma source(%dma_start3A_6 : memref<10000x128xf32, #tpu.memory_space<hbm>>) target(%arg9 : memref<56x128xf32, #tpu.memory_space<vmem>>) offsets(%dma_start3A_3 : memref<56xi32, #tpu.memory_space<vmem>>) semaphore(%arg14 : memref<!tpu.dma_semaphore, #tpu.memory_space<semaphore_mem>>)
    %dma_start3A_7 = arith.constant 56 : i32
    %dma_start3A_8 = tpu.memref_slice %arg7[%dma_start3A_7] : memref<10304xi32, #tpu.memory_space<vmem>> -> memref<56xi32, #tpu.memory_space<vmem>>
    %dma_start3A_9 = arith.constant 0 : i32
    %dma_start3A_10 = arith.constant 0 : i32
    %dma_start3A_11 = tpu.memref_slice %arg2[%dma_start3A_9, %dma_start3A_10] : memref<10000x128xf32, #tpu.memory_space<hbm>> -> memref<10000x128xf32, #tpu.memory_space<hbm>>
    tpu.enqueue_indirect_dma source(%dma_start3A_11 : memref<10000x128xf32, #tpu.memory_space<hbm>>) target(%arg10 : memref<56x128xf32, #tpu.memory_space<vmem>>) offsets(%dma_start3A_8 : memref<56xi32, #tpu.memory_space<vmem>>) semaphore(%arg15 : memref<!tpu.dma_semaphore, #tpu.memory_space<semaphore_mem>>)
    %dma_start3A_12 = arith.constant 112 : i32
    %dma_start3A_13 = tpu.memref_slice %arg7[%dma_start3A_12] : memref<10304xi32, #tpu.memory_space<vmem>> -> memref<56xi32, #tpu.memory_space<vmem>>
    %dma_start3A_14 = arith.constant 0 : i32
    %dma_start3A_15 = arith.constant 0 : i32
    %dma_start3A_16 = tpu.memref_slice %arg2[%dma_start3A_14, %dma_start3A_15] : memref<10000x128xf32, #tpu.memory_space<hbm>> -> memref<10000x128xf32, #tpu.memory_space<hbm>>
    tpu.enqueue_indirect_dma source(%dma_start3A_16 : memref<10000x128xf32, #tpu.memory_space<hbm>>) target(%arg11 : memref<56x128xf32, #tpu.memory_space<vmem>>) offsets(%dma_start3A_13 : memref<56xi32, #tpu.memory_space<vmem>>) semaphore(%arg16 : memref<!tpu.dma_semaphore, #tpu.memory_space<semaphore_mem>>)
    %scan3A = arith.constant 0 : i32
    %scan3A_17 = arith.constant 0 : i32
    %scan3A_18 = arith.constant 45 : i32
    %scan3A_19 = arith.addi %scan3A_17, %scan3A_18 : i32
    %scan3A_20 = arith.constant 1 : i32
    scf.for %scan3A_47 = %scan3A_17 to %scan3A_19 step %scan3A_20  : i32 {
      %mul3A_48 = arith.constant 4 : i32
      %mul3A_49 = arith.muli %mul3A_48, %scan3A_47 : i32
      %add3A_50 = arith.constant 3 : i32
      %add3A_51 = arith.addi %mul3A_49, %add3A_50 : i32
      %mul3A_52 = arith.constant 56 : i32
      %mul3A_53 = arith.muli %add3A_51, %mul3A_52 : i32
      %dma_start3A_54 = tpu.memref_slice %arg7[%mul3A_53] : memref<10304xi32, #tpu.memory_space<vmem>> -> memref<56xi32, #tpu.memory_space<vmem>>
      %dma_start3A_55 = arith.constant 0 : i32
      %dma_start3A_56 = arith.constant 0 : i32
      %dma_start3A_57 = tpu.memref_slice %arg2[%dma_start3A_55, %dma_start3A_56] : memref<10000x128xf32, #tpu.memory_space<hbm>> -> memref<10000x128xf32, #tpu.memory_space<hbm>>
      tpu.enqueue_indirect_dma source(%dma_start3A_57 : memref<10000x128xf32, #tpu.memory_space<hbm>>) target(%arg12 : memref<56x128xf32, #tpu.memory_space<vmem>>) offsets(%dma_start3A_54 : memref<56xi32, #tpu.memory_space<vmem>>) semaphore(%arg17 : memref<!tpu.dma_semaphore, #tpu.memory_space<semaphore_mem>>)
      %dma_wait3A_58 = arith.constant 0 : i32
      %dma_wait3A_59 = tpu.memref_slice %arg7[%dma_wait3A_58] : memref<10304xi32, #tpu.memory_space<vmem>> -> memref<56xi32, #tpu.memory_space<vmem>>
      %dma_wait3A_60 = arith.constant 0 : i32
      %dma_wait3A_61 = arith.constant 0 : i32
      %dma_wait3A_62 = tpu.memref_slice %arg2[%dma_wait3A_60, %dma_wait3A_61] : memref<10000x128xf32, #tpu.memory_space<hbm>> -> memref<10000x128xf32, #tpu.memory_space<hbm>>
      tpu.wait_indirect_dma semaphore(%arg14 : memref<!tpu.dma_semaphore, #tpu.memory_space<semaphore_mem>>) src(%dma_wait3A_62 : memref<10000x128xf32, #tpu.memory_space<hbm>>) dst(%arg9 : memref<56x128xf32, #tpu.memory_space<vmem>>)
      %mul3A_63 = arith.constant 56 : i32
      %mul3A_64 = arith.muli %mul3A_49, %mul3A_63 : i32
      "tpu.region"() ({
        %run_scoped3A = tpu.sem_alloc : memref<!tpu.dma_semaphore, #tpu.memory_space<semaphore_mem>>
        %dma_start3A_116 = tpu.memref_slice %arg8[%mul3A_64] : memref<10304xi32, #tpu.memory_space<vmem>> -> memref<56xi32, #tpu.memory_space<vmem>>
        %dma_start3A_117 = arith.constant 0 : i32
        %dma_start3A_118 = arith.constant 0 : i32
        %dma_start3A_119 = tpu.memref_slice %arg13[%dma_start3A_117, %dma_start3A_118] : memref<10112x128xf32, #tpu.memory_space<vmem_shared>> -> memref<10112x128xf32, #tpu.memory_space<vmem_shared>>
        tpu.enqueue_indirect_dma source(%arg9 : memref<56x128xf32, #tpu.memory_space<vmem>>) target(%dma_start3A_119 : memref<10112x128xf32, #tpu.memory_space<vmem_shared>>) offsets(%dma_start3A_116 : memref<56xi32, #tpu.memory_space<vmem>>) semaphore(%run_scoped3A : memref<!tpu.dma_semaphore, #tpu.memory_space<semaphore_mem>>) {add = true}
        %dma_wait3A_120 = tpu.memref_slice %arg8[%mul3A_64] : memref<10304xi32, #tpu.memory_space<vmem>> -> memref<56xi32, #tpu.memory_space<vmem>>
        %dma_wait3A_121 = arith.constant 0 : i32
        %dma_wait3A_122 = arith.constant 0 : i32
        %dma_wait3A_123 = tpu.memref_slice %arg13[%dma_wait3A_121, %dma_wait3A_122] : memref<10112x128xf32, #tpu.memory_space<vmem_shared>> -> memref<10112x128xf32, #tpu.memory_space<vmem_shared>>
        tpu.wait_indirect_dma semaphore(%run_scoped3A : memref<!tpu.dma_semaphore, #tpu.memory_space<semaphore_mem>>) src(%arg9 : memref<56x128xf32, #tpu.memory_space<vmem>>) dst(%dma_wait3A_123 : memref<10112x128xf32, #tpu.memory_space<vmem_shared>>)
        tpu.yield
      }) : () -> ()
      %add3A_65 = arith.constant 4 : i32
      %add3A_66 = arith.addi %mul3A_49, %add3A_65 : i32
      %mul3A_67 = arith.constant 56 : i32
      %mul3A_68 = arith.muli %add3A_66, %mul3A_67 : i32
      %dma_start3A_69 = tpu.memref_slice %arg7[%mul3A_68] : memref<10304xi32, #tpu.memory_space<vmem>> -> memref<56xi32, #tpu.memory_space<vmem>>
      %dma_start3A_70 = arith.constant 0 : i32
      %dma_start3A_71 = arith.constant 0 : i32
      %dma_start3A_72 = tpu.memref_slice %arg2[%dma_start3A_70, %dma_start3A_71] : memref<10000x128xf32, #tpu.memory_space<hbm>> -> memref<10000x128xf32, #tpu.memory_space<hbm>>
      tpu.enqueue_indirect_dma source(%dma_start3A_72 : memref<10000x128xf32, #tpu.memory_space<hbm>>) target(%arg9 : memref<56x128xf32, #tpu.memory_space<vmem>>) offsets(%dma_start3A_69 : memref<56xi32, #tpu.memory_space<vmem>>) semaphore(%arg14 : memref<!tpu.dma_semaphore, #tpu.memory_space<semaphore_mem>>)
      %dma_wait3A_73 = arith.constant 0 : i32
      %dma_wait3A_74 = tpu.memref_slice %arg7[%dma_wait3A_73] : memref<10304xi32, #tpu.memory_space<vmem>> -> memref<56xi32, #tpu.memory_space<vmem>>
      %dma_wait3A_75 = arith.constant 0 : i32
      %dma_wait3A_76 = arith.constant 0 : i32
      %dma_wait3A_77 = tpu.memref_slice %arg2[%dma_wait3A_75, %dma_wait3A_76] : memref<10000x128xf32, #tpu.memory_space<hbm>> -> memref<10000x128xf32, #tpu.memory_space<hbm>>
      tpu.wait_indirect_dma semaphore(%arg15 : memref<!tpu.dma_semaphore, #tpu.memory_space<semaphore_mem>>) src(%dma_wait3A_77 : memref<10000x128xf32, #tpu.memory_space<hbm>>) dst(%arg10 : memref<56x128xf32, #tpu.memory_space<vmem>>)
      %add3A_78 = arith.constant 1 : i32
      %add3A_79 = arith.addi %mul3A_49, %add3A_78 : i32
      %mul3A_80 = arith.constant 56 : i32
      %mul3A_81 = arith.muli %add3A_79, %mul3A_80 : i32
      "tpu.region"() ({
        %run_scoped3A = tpu.sem_alloc : memref<!tpu.dma_semaphore, #tpu.memory_space<semaphore_mem>>
        %dma_start3A_116 = tpu.memref_slice %arg8[%mul3A_81] : memref<10304xi32, #tpu.memory_space<vmem>> -> memref<56xi32, #tpu.memory_space<vmem>>
        %dma_start3A_117 = arith.constant 0 : i32
        %dma_start3A_118 = arith.constant 0 : i32
        %dma_start3A_119 = tpu.memref_slice %arg13[%dma_start3A_117, %dma_start3A_118] : memref<10112x128xf32, #tpu.memory_space<vmem_shared>> -> memref<10112x128xf32, #tpu.memory_space<vmem_shared>>
        tpu.enqueue_indirect_dma source(%arg10 : memref<56x128xf32, #tpu.memory_space<vmem>>) target(%dma_start3A_119 : memref<10112x128xf32, #tpu.memory_space<vmem_shared>>) offsets(%dma_start3A_116 : memref<56xi32, #tpu.memory_space<vmem>>) semaphore(%run_scoped3A : memref<!tpu.dma_semaphore, #tpu.memory_space<semaphore_mem>>) {add = true}
        %dma_wait3A_120 = tpu.memref_slice %arg8[%mul3A_81] : memref<10304xi32, #tpu.memory_space<vmem>> -> memref<56xi32, #tpu.memory_space<vmem>>
        %dma_wait3A_121 = arith.constant 0 : i32
        %dma_wait3A_122 = arith.constant 0 : i32
        %dma_wait3A_123 = tpu.memref_slice %arg13[%dma_wait3A_121, %dma_wait3A_122] : memref<10112x128xf32, #tpu.memory_space<vmem_shared>> -> memref<10112x128xf32, #tpu.memory_space<vmem_shared>>
        tpu.wait_indirect_dma semaphore(%run_scoped3A : memref<!tpu.dma_semaphore, #tpu.memory_space<semaphore_mem>>) src(%arg10 : memref<56x128xf32, #tpu.memory_space<vmem>>) dst(%dma_wait3A_123 : memref<10112x128xf32, #tpu.memory_space<vmem_shared>>)
        tpu.yield
      }) : () -> ()
      %add3A_82 = arith.constant 5 : i32
      %add3A_83 = arith.addi %mul3A_49, %add3A_82 : i32
      %mul3A_84 = arith.constant 56 : i32
      %mul3A_85 = arith.muli %add3A_83, %mul3A_84 : i32
      %dma_start3A_86 = tpu.memref_slice %arg7[%mul3A_85] : memref<10304xi32, #tpu.memory_space<vmem>> -> memref<56xi32, #tpu.memory_space<vmem>>
      %dma_start3A_87 = arith.constant 0 : i32
      %dma_start3A_88 = arith.constant 0 : i32
      %dma_start3A_89 = tpu.memref_slice %arg2[%dma_start3A_87, %dma_start3A_88] : memref<10000x128xf32, #tpu.memory_space<hbm>> -> memref<10000x128xf32, #tpu.memory_space<hbm>>
      tpu.enqueue_indirect_dma source(%dma_start3A_89 : memref<10000x128xf32, #tpu.memory_space<hbm>>) target(%arg10 : memref<56x128xf32, #tpu.memory_space<vmem>>) offsets(%dma_start3A_86 : memref<56xi32, #tpu.memory_space<vmem>>) semaphore(%arg15 : memref<!tpu.dma_semaphore, #tpu.memory_space<semaphore_mem>>)
      %dma_wait3A_90 = arith.constant 0 : i32
      %dma_wait3A_91 = tpu.memref_slice %arg7[%dma_wait3A_90] : memref<10304xi32, #tpu.memory_space<vmem>> -> memref<56xi32, #tpu.memory_space<vmem>>
      %dma_wait3A_92 = arith.constant 0 : i32
      %dma_wait3A_93 = arith.constant 0 : i32
      %dma_wait3A_94 = tpu.memref_slice %arg2[%dma_wait3A_92, %dma_wait3A_93] : memref<10000x128xf32, #tpu.memory_space<hbm>> -> memref<10000x128xf32, #tpu.memory_space<hbm>>
      tpu.wait_indirect_dma semaphore(%arg16 : memref<!tpu.dma_semaphore, #tpu.memory_space<semaphore_mem>>) src(%dma_wait3A_94 : memref<10000x128xf32, #tpu.memory_space<hbm>>) dst(%arg11 : memref<56x128xf32, #tpu.memory_space<vmem>>)
      %add3A_95 = arith.constant 2 : i32
      %add3A_96 = arith.addi %mul3A_49, %add3A_95 : i32
      %mul3A_97 = arith.constant 56 : i32
      %mul3A_98 = arith.muli %add3A_96, %mul3A_97 : i32
      "tpu.region"() ({
        %run_scoped3A = tpu.sem_alloc : memref<!tpu.dma_semaphore, #tpu.memory_space<semaphore_mem>>
        %dma_start3A_116 = tpu.memref_slice %arg8[%mul3A_98] : memref<10304xi32, #tpu.memory_space<vmem>> -> memref<56xi32, #tpu.memory_space<vmem>>
        %dma_start3A_117 = arith.constant 0 : i32
        %dma_start3A_118 = arith.constant 0 : i32
        %dma_start3A_119 = tpu.memref_slice %arg13[%dma_start3A_117, %dma_start3A_118] : memref<10112x128xf32, #tpu.memory_space<vmem_shared>> -> memref<10112x128xf32, #tpu.memory_space<vmem_shared>>
        tpu.enqueue_indirect_dma source(%arg11 : memref<56x128xf32, #tpu.memory_space<vmem>>) target(%dma_start3A_119 : memref<10112x128xf32, #tpu.memory_space<vmem_shared>>) offsets(%dma_start3A_116 : memref<56xi32, #tpu.memory_space<vmem>>) semaphore(%run_scoped3A : memref<!tpu.dma_semaphore, #tpu.memory_space<semaphore_mem>>) {add = true}
        %dma_wait3A_120 = tpu.memref_slice %arg8[%mul3A_98] : memref<10304xi32, #tpu.memory_space<vmem>> -> memref<56xi32, #tpu.memory_space<vmem>>
        %dma_wait3A_121 = arith.constant 0 : i32
        %dma_wait3A_122 = arith.constant 0 : i32
        %dma_wait3A_123 = tpu.memref_slice %arg13[%dma_wait3A_121, %dma_wait3A_122] : memref<10112x128xf32, #tpu.memory_space<vmem_shared>> -> memref<10112x128xf32, #tpu.memory_space<vmem_shared>>
        tpu.wait_indirect_dma semaphore(%run_scoped3A : memref<!tpu.dma_semaphore, #tpu.memory_space<semaphore_mem>>) src(%arg11 : memref<56x128xf32, #tpu.memory_space<vmem>>) dst(%dma_wait3A_123 : memref<10112x128xf32, #tpu.memory_space<vmem_shared>>)
        tpu.yield
      }) : () -> ()
      %add3A_99 = arith.constant 6 : i32
      %add3A_100 = arith.addi %mul3A_49, %add3A_99 : i32
      %mul3A_101 = arith.constant 56 : i32
      %mul3A_102 = arith.muli %add3A_100, %mul3A_101 : i32
      %dma_start3A_103 = tpu.memref_slice %arg7[%mul3A_102] : memref<10304xi32, #tpu.memory_space<vmem>> -> memref<56xi32, #tpu.memory_space<vmem>>
      %dma_start3A_104 = arith.constant 0 : i32
      %dma_start3A_105 = arith.constant 0 : i32
      %dma_start3A_106 = tpu.memref_slice %arg2[%dma_start3A_104, %dma_start3A_105] : memref<10000x128xf32, #tpu.memory_space<hbm>> -> memref<10000x128xf32, #tpu.memory_space<hbm>>
      tpu.enqueue_indirect_dma source(%dma_start3A_106 : memref<10000x128xf32, #tpu.memory_space<hbm>>) target(%arg11 : memref<56x128xf32, #tpu.memory_space<vmem>>) offsets(%dma_start3A_103 : memref<56xi32, #tpu.memory_space<vmem>>) semaphore(%arg16 : memref<!tpu.dma_semaphore, #tpu.memory_space<semaphore_mem>>)
      %dma_wait3A_107 = arith.constant 0 : i32
      %dma_wait3A_108 = tpu.memref_slice %arg7[%dma_wait3A_107] : memref<10304xi32, #tpu.memory_space<vmem>> -> memref<56xi32, #tpu.memory_space<vmem>>
      %dma_wait3A_109 = arith.constant 0 : i32
      %dma_wait3A_110 = arith.constant 0 : i32
      %dma_wait3A_111 = tpu.memref_slice %arg2[%dma_wait3A_109, %dma_wait3A_110] : memref<10000x128xf32, #tpu.memory_space<hbm>> -> memref<10000x128xf32, #tpu.memory_space<hbm>>
      tpu.wait_indirect_dma semaphore(%arg17 : memref<!tpu.dma_semaphore, #tpu.memory_space<semaphore_mem>>) src(%dma_wait3A_111 : memref<10000x128xf32, #tpu.memory_space<hbm>>) dst(%arg12 : memref<56x128xf32, #tpu.memory_space<vmem>>)
      %add3A_112 = arith.constant 3 : i32
      %add3A_113 = arith.addi %mul3A_49, %add3A_112 : i32
      %mul3A_114 = arith.constant 56 : i32
      %mul3A_115 = arith.muli %add3A_113, %mul3A_114 : i32
      "tpu.region"() ({
        %run_scoped3A = tpu.sem_alloc : memref<!tpu.dma_semaphore, #tpu.memory_space<semaphore_mem>>
        %dma_start3A_116 = tpu.memref_slice %arg8[%mul3A_115] : memref<10304xi32, #tpu.memory_space<vmem>> -> memref<56xi32, #tpu.memory_space<vmem>>
        %dma_start3A_117 = arith.constant 0 : i32
        %dma_start3A_118 = arith.constant 0 : i32
        %dma_start3A_119 = tpu.memref_slice %arg13[%dma_start3A_117, %dma_start3A_118] : memref<10112x128xf32, #tpu.memory_space<vmem_shared>> -> memref<10112x128xf32, #tpu.memory_space<vmem_shared>>
        tpu.enqueue_indirect_dma source(%arg12 : memref<56x128xf32, #tpu.memory_space<vmem>>) target(%dma_start3A_119 : memref<10112x128xf32, #tpu.memory_space<vmem_shared>>) offsets(%dma_start3A_116 : memref<56xi32, #tpu.memory_space<vmem>>) semaphore(%run_scoped3A : memref<!tpu.dma_semaphore, #tpu.memory_space<semaphore_mem>>) {add = true}
        %dma_wait3A_120 = tpu.memref_slice %arg8[%mul3A_115] : memref<10304xi32, #tpu.memory_space<vmem>> -> memref<56xi32, #tpu.memory_space<vmem>>
        %dma_wait3A_121 = arith.constant 0 : i32
        %dma_wait3A_122 = arith.constant 0 : i32
        %dma_wait3A_123 = tpu.memref_slice %arg13[%dma_wait3A_121, %dma_wait3A_122] : memref<10112x128xf32, #tpu.memory_space<vmem_shared>> -> memref<10112x128xf32, #tpu.memory_space<vmem_shared>>
        tpu.wait_indirect_dma semaphore(%run_scoped3A : memref<!tpu.dma_semaphore, #tpu.memory_space<semaphore_mem>>) src(%arg12 : memref<56x128xf32, #tpu.memory_space<vmem>>) dst(%dma_wait3A_123 : memref<10112x128xf32, #tpu.memory_space<vmem_shared>>)
        tpu.yield
      }) : () -> ()
    }
    %scan3A_21 = arith.constant 45 : i32
    %dma_start3A_22 = arith.constant 10248 : i32
    %dma_start3A_23 = tpu.memref_slice %arg7[%dma_start3A_22] : memref<10304xi32, #tpu.memory_space<vmem>> -> memref<56xi32, #tpu.memory_space<vmem>>
    %dma_start3A_24 = arith.constant 0 : i32
    %dma_start3A_25 = arith.constant 0 : i32
    %dma_start3A_26 = tpu.memref_slice %arg2[%dma_start3A_24, %dma_start3A_25] : memref<10000x128xf32, #tpu.memory_space<hbm>> -> memref<10000x128xf32, #tpu.memory_space<hbm>>
    tpu.enqueue_indirect_dma source(%dma_start3A_26 : memref<10000x128xf32, #tpu.memory_space<hbm>>) target(%arg12 : memref<56x128xf32, #tpu.memory_space<vmem>>) offsets(%dma_start3A_23 : memref<56xi32, #tpu.memory_space<vmem>>) semaphore(%arg17 : memref<!tpu.dma_semaphore, #tpu.memory_space<semaphore_mem>>)
    %dma_wait3A = arith.constant 0 : i32
    %dma_wait3A_27 = tpu.memref_slice %arg7[%dma_wait3A] : memref<10304xi32, #tpu.memory_space<vmem>> -> memref<56xi32, #tpu.memory_space<vmem>>
    %dma_wait3A_28 = arith.constant 0 : i32
    %dma_wait3A_29 = arith.constant 0 : i32
    %dma_wait3A_30 = tpu.memref_slice %arg2[%dma_wait3A_28, %dma_wait3A_29] : memref<10000x128xf32, #tpu.memory_space<hbm>> -> memref<10000x128xf32, #tpu.memory_space<hbm>>
    tpu.wait_indirect_dma semaphore(%arg14 : memref<!tpu.dma_semaphore, #tpu.memory_space<semaphore_mem>>) src(%dma_wait3A_30 : memref<10000x128xf32, #tpu.memory_space<hbm>>) dst(%arg9 : memref<56x128xf32, #tpu.memory_space<vmem>>)
    "tpu.region"() ({
      %run_scoped3A = tpu.sem_alloc : memref<!tpu.dma_semaphore, #tpu.memory_space<semaphore_mem>>
      %dma_start3A_47 = arith.constant 10080 : i32
      %dma_start3A_48 = tpu.memref_slice %arg8[%dma_start3A_47] : memref<10304xi32, #tpu.memory_space<vmem>> -> memref<56xi32, #tpu.memory_space<vmem>>
      %dma_start3A_49 = arith.constant 0 : i32
      %dma_start3A_50 = arith.constant 0 : i32
      %dma_start3A_51 = tpu.memref_slice %arg13[%dma_start3A_49, %dma_start3A_50] : memref<10112x128xf32, #tpu.memory_space<vmem_shared>> -> memref<10112x128xf32, #tpu.memory_space<vmem_shared>>
      tpu.enqueue_indirect_dma source(%arg9 : memref<56x128xf32, #tpu.memory_space<vmem>>) target(%dma_start3A_51 : memref<10112x128xf32, #tpu.memory_space<vmem_shared>>) offsets(%dma_start3A_48 : memref<56xi32, #tpu.memory_space<vmem>>) semaphore(%run_scoped3A : memref<!tpu.dma_semaphore, #tpu.memory_space<semaphore_mem>>) {add = true}
      %dma_wait3A_52 = arith.constant 10080 : i32
      %dma_wait3A_53 = tpu.memref_slice %arg8[%dma_wait3A_52] : memref<10304xi32, #tpu.memory_space<vmem>> -> memref<56xi32, #tpu.memory_space<vmem>>
      %dma_wait3A_54 = arith.constant 0 : i32
      %dma_wait3A_55 = arith.constant 0 : i32
      %dma_wait3A_56 = tpu.memref_slice %arg13[%dma_wait3A_54, %dma_wait3A_55] : memref<10112x128xf32, #tpu.memory_space<vmem_shared>> -> memref<10112x128xf32, #tpu.memory_space<vmem_shared>>
      tpu.wait_indirect_dma semaphore(%run_scoped3A : memref<!tpu.dma_semaphore, #tpu.memory_space<semaphore_mem>>) src(%arg9 : memref<56x128xf32, #tpu.memory_space<vmem>>) dst(%dma_wait3A_56 : memref<10112x128xf32, #tpu.memory_space<vmem_shared>>)
      tpu.yield
    }) : () -> ()
    %dma_wait3A_31 = arith.constant 0 : i32
    %dma_wait3A_32 = tpu.memref_slice %arg7[%dma_wait3A_31] : memref<10304xi32, #tpu.memory_space<vmem>> -> memref<56xi32, #tpu.memory_space<vmem>>
    %dma_wait3A_33 = arith.constant 0 : i32
    %dma_wait3A_34 = arith.constant 0 : i32
    %dma_wait3A_35 = tpu.memref_slice %arg2[%dma_wait3A_33, %dma_wait3A_34] : memref<10000x128xf32, #tpu.memory_space<hbm>> -> memref<10000x128xf32, #tpu.memory_space<hbm>>
    tpu.wait_indirect_dma semaphore(%arg15 : memref<!tpu.dma_semaphore, #tpu.memory_space<semaphore_mem>>) src(%dma_wait3A_35 : memref<10000x128xf32, #tpu.memory_space<hbm>>) dst(%arg10 : memref<56x128xf32, #tpu.memory_space<vmem>>)
    "tpu.region"() ({
      %run_scoped3A = tpu.sem_alloc : memref<!tpu.dma_semaphore, #tpu.memory_space<semaphore_mem>>
      %dma_start3A_47 = arith.constant 10136 : i32
      %dma_start3A_48 = tpu.memref_slice %arg8[%dma_start3A_47] : memref<10304xi32, #tpu.memory_space<vmem>> -> memref<56xi32, #tpu.memory_space<vmem>>
      %dma_start3A_49 = arith.constant 0 : i32
      %dma_start3A_50 = arith.constant 0 : i32
      %dma_start3A_51 = tpu.memref_slice %arg13[%dma_start3A_49, %dma_start3A_50] : memref<10112x128xf32, #tpu.memory_space<vmem_shared>> -> memref<10112x128xf32, #tpu.memory_space<vmem_shared>>
      tpu.enqueue_indirect_dma source(%arg10 : memref<56x128xf32, #tpu.memory_space<vmem>>) target(%dma_start3A_51 : memref<10112x128xf32, #tpu.memory_space<vmem_shared>>) offsets(%dma_start3A_48 : memref<56xi32, #tpu.memory_space<vmem>>) semaphore(%run_scoped3A : memref<!tpu.dma_semaphore, #tpu.memory_space<semaphore_mem>>) {add = true}
      %dma_wait3A_52 = arith.constant 10136 : i32
      %dma_wait3A_53 = tpu.memref_slice %arg8[%dma_wait3A_52] : memref<10304xi32, #tpu.memory_space<vmem>> -> memref<56xi32, #tpu.memory_space<vmem>>
      %dma_wait3A_54 = arith.constant 0 : i32
      %dma_wait3A_55 = arith.constant 0 : i32
      %dma_wait3A_56 = tpu.memref_slice %arg13[%dma_wait3A_54, %dma_wait3A_55] : memref<10112x128xf32, #tpu.memory_space<vmem_shared>> -> memref<10112x128xf32, #tpu.memory_space<vmem_shared>>
      tpu.wait_indirect_dma semaphore(%run_scoped3A : memref<!tpu.dma_semaphore, #tpu.memory_space<semaphore_mem>>) src(%arg10 : memref<56x128xf32, #tpu.memory_space<vmem>>) dst(%dma_wait3A_56 : memref<10112x128xf32, #tpu.memory_space<vmem_shared>>)
      tpu.yield
    }) : () -> ()
    %dma_wait3A_36 = arith.constant 0 : i32
    %dma_wait3A_37 = tpu.memref_slice %arg7[%dma_wait3A_36] : memref<10304xi32, #tpu.memory_space<vmem>> -> memref<56xi32, #tpu.memory_space<vmem>>
    %dma_wait3A_38 = arith.constant 0 : i32
    %dma_wait3A_39 = arith.constant 0 : i32
    %dma_wait3A_40 = tpu.memref_slice %arg2[%dma_wait3A_38, %dma_wait3A_39] : memref<10000x128xf32, #tpu.memory_space<hbm>> -> memref<10000x128xf32, #tpu.memory_space<hbm>>
    tpu.wait_indirect_dma semaphore(%arg16 : memref<!tpu.dma_semaphore, #tpu.memory_space<semaphore_mem>>) src(%dma_wait3A_40 : memref<10000x128xf32, #tpu.memory_space<hbm>>) dst(%arg11 : memref<56x128xf32, #tpu.memory_space<vmem>>)
    "tpu.region"() ({
      %run_scoped3A = tpu.sem_alloc : memref<!tpu.dma_semaphore, #tpu.memory_space<semaphore_mem>>
      %dma_start3A_47 = arith.constant 10192 : i32
      %dma_start3A_48 = tpu.memref_slice %arg8[%dma_start3A_47] : memref<10304xi32, #tpu.memory_space<vmem>> -> memref<56xi32, #tpu.memory_space<vmem>>
      %dma_start3A_49 = arith.constant 0 : i32
      %dma_start3A_50 = arith.constant 0 : i32
      %dma_start3A_51 = tpu.memref_slice %arg13[%dma_start3A_49, %dma_start3A_50] : memref<10112x128xf32, #tpu.memory_space<vmem_shared>> -> memref<10112x128xf32, #tpu.memory_space<vmem_shared>>
      tpu.enqueue_indirect_dma source(%arg11 : memref<56x128xf32, #tpu.memory_space<vmem>>) target(%dma_start3A_51 : memref<10112x128xf32, #tpu.memory_space<vmem_shared>>) offsets(%dma_start3A_48 : memref<56xi32, #tpu.memory_space<vmem>>) semaphore(%run_scoped3A : memref<!tpu.dma_semaphore, #tpu.memory_space<semaphore_mem>>) {add = true}
      %dma_wait3A_52 = arith.constant 10192 : i32
      %dma_wait3A_53 = tpu.memref_slice %arg8[%dma_wait3A_52] : memref<10304xi32, #tpu.memory_space<vmem>> -> memref<56xi32, #tpu.memory_space<vmem>>
      %dma_wait3A_54 = arith.constant 0 : i32
      %dma_wait3A_55 = arith.constant 0 : i32
      %dma_wait3A_56 = tpu.memref_slice %arg13[%dma_wait3A_54, %dma_wait3A_55] : memref<10112x128xf32, #tpu.memory_space<vmem_shared>> -> memref<10112x128xf32, #tpu.memory_space<vmem_shared>>
      tpu.wait_indirect_dma semaphore(%run_scoped3A : memref<!tpu.dma_semaphore, #tpu.memory_space<semaphore_mem>>) src(%arg11 : memref<56x128xf32, #tpu.memory_space<vmem>>) dst(%dma_wait3A_56 : memref<10112x128xf32, #tpu.memory_space<vmem_shared>>)
      tpu.yield
    }) : () -> ()
    %dma_wait3A_41 = arith.constant 0 : i32
    %dma_wait3A_42 = tpu.memref_slice %arg7[%dma_wait3A_41] : memref<10304xi32, #tpu.memory_space<vmem>> -> memref<56xi32, #tpu.memory_space<vmem>>
    %dma_wait3A_43 = arith.constant 0 : i32
    %dma_wait3A_44 = arith.constant 0 : i32
    %dma_wait3A_45 = tpu.memref_slice %arg2[%dma_wait3A_43, %dma_wait3A_44] : memref<10000x128xf32, #tpu.memory_space<hbm>> -> memref<10000x128xf32, #tpu.memory_space<hbm>>
    tpu.wait_indirect_dma semaphore(%arg17 : memref<!tpu.dma_semaphore, #tpu.memory_space<semaphore_mem>>) src(%dma_wait3A_45 : memref<10000x128xf32, #tpu.memory_space<hbm>>) dst(%arg12 : memref<56x128xf32, #tpu.memory_space<vmem>>)
    "tpu.region"() ({
      %run_scoped3A = tpu.sem_alloc : memref<!tpu.dma_semaphore, #tpu.memory_space<semaphore_mem>>
      %dma_start3A_47 = arith.constant 10248 : i32
      %dma_start3A_48 = tpu.memref_slice %arg8[%dma_start3A_47] : memref<10304xi32, #tpu.memory_space<vmem>> -> memref<56xi32, #tpu.memory_space<vmem>>
      %dma_start3A_49 = arith.constant 0 : i32
      %dma_start3A_50 = arith.constant 0 : i32
      %dma_start3A_51 = tpu.memref_slice %arg13[%dma_start3A_49, %dma_start3A_50] : memref<10112x128xf32, #tpu.memory_space<vmem_shared>> -> memref<10112x128xf32, #tpu.memory_space<vmem_shared>>
      tpu.enqueue_indirect_dma source(%arg12 : memref<56x128xf32, #tpu.memory_space<vmem>>) target(%dma_start3A_51 : memref<10112x128xf32, #tpu.memory_space<vmem_shared>>) offsets(%dma_start3A_48 : memref<56xi32, #tpu.memory_space<vmem>>) semaphore(%run_scoped3A : memref<!tpu.dma_semaphore, #tpu.memory_space<semaphore_mem>>) {add = true}
      %dma_wait3A_52 = arith.constant 10248 : i32
      %dma_wait3A_53 = tpu.memref_slice %arg8[%dma_wait3A_52] : memref<10304xi32, #tpu.memory_space<vmem>> -> memref<56xi32, #tpu.memory_space<vmem>>
      %dma_wait3A_54 = arith.constant 0 : i32
      %dma_wait3A_55 = arith.constant 0 : i32
      %dma_wait3A_56 = tpu.memref_slice %arg13[%dma_wait3A_54, %dma_wait3A_55] : memref<10112x128xf32, #tpu.memory_space<vmem_shared>> -> memref<10112x128xf32, #tpu.memory_space<vmem_shared>>
      tpu.wait_indirect_dma semaphore(%run_scoped3A : memref<!tpu.dma_semaphore, #tpu.memory_space<semaphore_mem>>) src(%arg12 : memref<56x128xf32, #tpu.memory_space<vmem>>) dst(%dma_wait3A_56 : memref<10112x128xf32, #tpu.memory_space<vmem_shared>>)
      tpu.yield
    }) : () -> ()
    %barrier3A_46 = arith.constant 0 : index
    tpu.barrier barrier_id(%barrier3A_46)
    "tpu.region"() ({
      %run_scoped3A = tpu.sem_alloc : memref<!tpu.dma_semaphore, #tpu.memory_space<semaphore_mem>>
      %dma_start3A_47 = arith.constant 0 : i32
      %dma_start3A_48 = tpu.memref_slice %arg6[%arg0, %mul3A_2, %dma_start3A_47] : memref<2x10112x128xf32, #tpu.memory_space<hbm>> -> memref<1x632x128xf32, #tpu.memory_space<hbm>>
      %dma_start3A_49 = tpu.memref_squeeze %dma_start3A_48 : memref<1x632x128xf32, #tpu.memory_space<hbm>> -> memref<632x128xf32, #tpu.memory_space<hbm>>
      %dma_start3A_50 = arith.constant 0 : i32
      %dma_start3A_51 = tpu.memref_slice %arg13[%mul3A_2, %dma_start3A_50] : memref<10112x128xf32, #tpu.memory_space<vmem_shared>> -> memref<632x128xf32, #tpu.memory_space<vmem_shared>>
      tpu.enqueue_dma source(%dma_start3A_51 : memref<632x128xf32, #tpu.memory_space<vmem_shared>>) target(%dma_start3A_49 : memref<632x128xf32, #tpu.memory_space<hbm>>) target_semaphore(%run_scoped3A : memref<!tpu.dma_semaphore, #tpu.memory_space<semaphore_mem>>)
      %dma_wait3A_52 = arith.constant 0 : i32
      %dma_wait3A_53 = tpu.memref_slice %arg6[%arg0, %mul3A_2, %dma_wait3A_52] : memref<2x10112x128xf32, #tpu.memory_space<hbm>> -> memref<1x632x128xf32, #tpu.memory_space<hbm>>
      %dma_wait3A_54 = tpu.memref_squeeze %dma_wait3A_53 : memref<1x632x128xf32, #tpu.memory_space<hbm>> -> memref<632x128xf32, #tpu.memory_space<hbm>>
      %dma_wait3A_55 = arith.constant 0 : i32
      %dma_wait3A_56 = tpu.memref_slice %arg13[%mul3A_2, %dma_wait3A_55] : memref<10112x128xf32, #tpu.memory_space<vmem_shared>> -> memref<632x128xf32, #tpu.memory_space<vmem_shared>>
      tpu.wait_dma2 semaphore(%run_scoped3A : memref<!tpu.dma_semaphore, #tpu.memory_space<semaphore_mem>>) src(%dma_wait3A_56 : memref<632x128xf32, #tpu.memory_space<vmem_shared>>) dst(%dma_wait3A_54 : memref<632x128xf32, #tpu.memory_space<hbm>>)
      tpu.yield
    }) : () -> ()
    return
  }
}

#map = affine_map<(d0, d1) -> (0, 0)>
#map1 = affine_map<(d0, d1) -> (0, 0, 0)>
module attributes {stable_mosaic.version = 14 : i64} {
  func.func @_sc_cnt_body(%arg0: i32, %arg1: i32, %arg2: memref<32x10304xi32, #tpu.memory_space<hbm>>, %arg3: memref<10112x128xf32, #tpu.memory_space<hbm>>, %arg4: memref<56x128xf32, #tpu.memory_space<hbm>>, %arg5: memref<2x10112x128xf32, #tpu.memory_space<hbm>>, %arg6: memref<10304xi32, #tpu.memory_space<vmem>>, %arg7: memref<56x128xf32, #tpu.memory_space<vmem>>, %arg8: memref<10112x128xf32, #tpu.memory_space<vmem_shared>>, %arg9: memref<!tpu.dma_semaphore, #tpu.memory_space<semaphore_mem>>) attributes {dimension_semantics = [#tpu.dimension_semantics<core_parallel>, #tpu.dimension_semantics<subcore_parallel>], iteration_bounds = array<i64: 2, 16>, scalar_prefetch = 0 : i64, scratch_operands = 4 : i64, tpu.core_type = #tpu.core_type<sc_vector_subcore>, window_params = [{transform_indices = #map}, {transform_indices = #map}, {transform_indices = #map}, {transform_indices = #map1}]} {
    %mul3A = arith.constant 16 : i32
    %mul3A_0 = arith.muli %arg0, %mul3A : i32
    %add3A = arith.addi %mul3A_0, %arg1 : i32
    %mul3A_1 = arith.constant 632 : i32
    %mul3A_2 = arith.muli %arg1, %mul3A_1 : i32
    "tpu.region"() ({
      %run_scoped3A = tpu.sem_alloc : memref<!tpu.dma_semaphore, #tpu.memory_space<semaphore_mem>>
      %dma_start3A = arith.constant 0 : i32
      %dma_start3A_9 = tpu.memref_slice %arg8[%mul3A_2, %dma_start3A] : memref<10112x128xf32, #tpu.memory_space<vmem_shared>> -> memref<632x128xf32, #tpu.memory_space<vmem_shared>>
      %dma_start3A_10 = arith.constant 0 : i32
      %dma_start3A_11 = tpu.memref_slice %arg3[%mul3A_2, %dma_start3A_10] : memref<10112x128xf32, #tpu.memory_space<hbm>> -> memref<632x128xf32, #tpu.memory_space<hbm>>
      tpu.enqueue_dma source(%dma_start3A_11 : memref<632x128xf32, #tpu.memory_space<hbm>>) target(%dma_start3A_9 : memref<632x128xf32, #tpu.memory_space<vmem_shared>>) target_semaphore(%run_scoped3A : memref<!tpu.dma_semaphore, #tpu.memory_space<semaphore_mem>>)
      %dma_wait3A = arith.constant 0 : i32
      %dma_wait3A_12 = tpu.memref_slice %arg8[%mul3A_2, %dma_wait3A] : memref<10112x128xf32, #tpu.memory_space<vmem_shared>> -> memref<632x128xf32, #tpu.memory_space<vmem_shared>>
      %dma_wait3A_13 = arith.constant 0 : i32
      %dma_wait3A_14 = tpu.memref_slice %arg3[%mul3A_2, %dma_wait3A_13] : memref<10112x128xf32, #tpu.memory_space<hbm>> -> memref<632x128xf32, #tpu.memory_space<hbm>>
      tpu.wait_dma2 semaphore(%run_scoped3A : memref<!tpu.dma_semaphore, #tpu.memory_space<semaphore_mem>>) src(%dma_wait3A_14 : memref<632x128xf32, #tpu.memory_space<hbm>>) dst(%dma_wait3A_12 : memref<632x128xf32, #tpu.memory_space<vmem_shared>>)
      tpu.yield
    }) : () -> ()
    "tpu.region"() ({
      %run_scoped3A = tpu.sem_alloc : memref<!tpu.dma_semaphore, #tpu.memory_space<semaphore_mem>>
      %dma_start3A = arith.constant 0 : i32
      %dma_start3A_9 = tpu.memref_slice %arg2[%add3A, %dma_start3A] : memref<32x10304xi32, #tpu.memory_space<hbm>> -> memref<1x10304xi32, #tpu.memory_space<hbm>>
      %dma_start3A_10 = tpu.memref_squeeze %dma_start3A_9 : memref<1x10304xi32, #tpu.memory_space<hbm>> -> memref<10304xi32, #tpu.memory_space<hbm>>
      %dma_start3A_11 = arith.constant 0 : i32
      %dma_start3A_12 = tpu.memref_slice %arg2[%add3A, %dma_start3A_11] : memref<32x10304xi32, #tpu.memory_space<hbm>> -> memref<1x10304xi32, #tpu.memory_space<hbm>>
      %dma_start3A_13 = tpu.memref_squeeze %dma_start3A_12 : memref<1x10304xi32, #tpu.memory_space<hbm>> -> memref<10304xi32, #tpu.memory_space<hbm>>
      tpu.enqueue_dma source(%dma_start3A_13 : memref<10304xi32, #tpu.memory_space<hbm>>) target(%arg6 : memref<10304xi32, #tpu.memory_space<vmem>>) target_semaphore(%run_scoped3A : memref<!tpu.dma_semaphore, #tpu.memory_space<semaphore_mem>>)
      %dma_wait3A = arith.constant 0 : i32
      %dma_wait3A_14 = tpu.memref_slice %arg2[%add3A, %dma_wait3A] : memref<32x10304xi32, #tpu.memory_space<hbm>> -> memref<1x10304xi32, #tpu.memory_space<hbm>>
      %dma_wait3A_15 = tpu.memref_squeeze %dma_wait3A_14 : memref<1x10304xi32, #tpu.memory_space<hbm>> -> memref<10304xi32, #tpu.memory_space<hbm>>
      %dma_wait3A_16 = arith.constant 0 : i32
      %dma_wait3A_17 = tpu.memref_slice %arg2[%add3A, %dma_wait3A_16] : memref<32x10304xi32, #tpu.memory_space<hbm>> -> memref<1x10304xi32, #tpu.memory_space<hbm>>
      %dma_wait3A_18 = tpu.memref_squeeze %dma_wait3A_17 : memref<1x10304xi32, #tpu.memory_space<hbm>> -> memref<10304xi32, #tpu.memory_space<hbm>>
      tpu.wait_dma2 semaphore(%run_scoped3A : memref<!tpu.dma_semaphore, #tpu.memory_space<semaphore_mem>>) src(%dma_wait3A_18 : memref<10304xi32, #tpu.memory_space<hbm>>) dst(%arg6 : memref<10304xi32, #tpu.memory_space<vmem>>)
      tpu.yield
    }) : () -> ()
    "tpu.region"() ({
      %run_scoped3A = tpu.sem_alloc : memref<!tpu.dma_semaphore, #tpu.memory_space<semaphore_mem>>
      tpu.enqueue_dma source(%arg4 : memref<56x128xf32, #tpu.memory_space<hbm>>) target(%arg7 : memref<56x128xf32, #tpu.memory_space<vmem>>) target_semaphore(%run_scoped3A : memref<!tpu.dma_semaphore, #tpu.memory_space<semaphore_mem>>)
      tpu.wait_dma2 semaphore(%run_scoped3A : memref<!tpu.dma_semaphore, #tpu.memory_space<semaphore_mem>>) src(%arg4 : memref<56x128xf32, #tpu.memory_space<hbm>>) dst(%arg7 : memref<56x128xf32, #tpu.memory_space<vmem>>)
      tpu.yield
    }) : () -> ()
    %barrier3A = arith.constant 0 : index
    tpu.barrier barrier_id(%barrier3A)
    %scan3A = arith.constant 0 : i32
    %scan3A_3 = arith.constant 0 : i32
    %scan3A_4 = arith.constant 184 : i32
    %scan3A_5 = arith.addi %scan3A_3, %scan3A_4 : i32
    %scan3A_6 = arith.constant 1 : i32
    scf.for %scan3A_9 = %scan3A_3 to %scan3A_5 step %scan3A_6  : i32 {
      %mul3A_10 = arith.constant 56 : i32
      %mul3A_11 = arith.muli %scan3A_9, %mul3A_10 : i32
      "tpu.region"() ({
        %run_scoped3A = tpu.sem_alloc : memref<!tpu.dma_semaphore, #tpu.memory_space<semaphore_mem>>
        %dma_start3A = tpu.memref_slice %arg6[%mul3A_11] : memref<10304xi32, #tpu.memory_space<vmem>> -> memref<56xi32, #tpu.memory_space<vmem>>
        %dma_start3A_12 = arith.constant 0 : i32
        %dma_start3A_13 = arith.constant 0 : i32
        %dma_start3A_14 = tpu.memref_slice %arg8[%dma_start3A_12, %dma_start3A_13] : memref<10112x128xf32, #tpu.memory_space<vmem_shared>> -> memref<10112x128xf32, #tpu.memory_space<vmem_shared>>
        tpu.enqueue_indirect_dma source(%arg7 : memref<56x128xf32, #tpu.memory_space<vmem>>) target(%dma_start3A_14 : memref<10112x128xf32, #tpu.memory_space<vmem_shared>>) offsets(%dma_start3A : memref<56xi32, #tpu.memory_space<vmem>>) semaphore(%run_scoped3A : memref<!tpu.dma_semaphore, #tpu.memory_space<semaphore_mem>>) {add = true}
        %dma_wait3A = tpu.memref_slice %arg6[%mul3A_11] : memref<10304xi32, #tpu.memory_space<vmem>> -> memref<56xi32, #tpu.memory_space<vmem>>
        %dma_wait3A_15 = arith.constant 0 : i32
        %dma_wait3A_16 = arith.constant 0 : i32
        %dma_wait3A_17 = tpu.memref_slice %arg8[%dma_wait3A_15, %dma_wait3A_16] : memref<10112x128xf32, #tpu.memory_space<vmem_shared>> -> memref<10112x128xf32, #tpu.memory_space<vmem_shared>>
        tpu.wait_indirect_dma semaphore(%run_scoped3A : memref<!tpu.dma_semaphore, #tpu.memory_space<semaphore_mem>>) src(%arg7 : memref<56x128xf32, #tpu.memory_space<vmem>>) dst(%dma_wait3A_17 : memref<10112x128xf32, #tpu.memory_space<vmem_shared>>)
        tpu.yield
      }) : () -> ()
    }
    %scan3A_7 = arith.constant 184 : i32
    %barrier3A_8 = arith.constant 0 : index
    tpu.barrier barrier_id(%barrier3A_8)
    "tpu.region"() ({
      %run_scoped3A = tpu.sem_alloc : memref<!tpu.dma_semaphore, #tpu.memory_space<semaphore_mem>>
      %dma_start3A = arith.constant 0 : i32
      %dma_start3A_9 = tpu.memref_slice %arg5[%arg0, %mul3A_2, %dma_start3A] : memref<2x10112x128xf32, #tpu.memory_space<hbm>> -> memref<1x632x128xf32, #tpu.memory_space<hbm>>
      %dma_start3A_10 = tpu.memref_squeeze %dma_start3A_9 : memref<1x632x128xf32, #tpu.memory_space<hbm>> -> memref<632x128xf32, #tpu.memory_space<hbm>>
      %dma_start3A_11 = arith.constant 0 : i32
      %dma_start3A_12 = tpu.memref_slice %arg8[%mul3A_2, %dma_start3A_11] : memref<10112x128xf32, #tpu.memory_space<vmem_shared>> -> memref<632x128xf32, #tpu.memory_space<vmem_shared>>
      tpu.enqueue_dma source(%dma_start3A_12 : memref<632x128xf32, #tpu.memory_space<vmem_shared>>) target(%dma_start3A_10 : memref<632x128xf32, #tpu.memory_space<hbm>>) target_semaphore(%run_scoped3A : memref<!tpu.dma_semaphore, #tpu.memory_space<semaphore_mem>>)
      %dma_wait3A = arith.constant 0 : i32
      %dma_wait3A_13 = tpu.memref_slice %arg5[%arg0, %mul3A_2, %dma_wait3A] : memref<2x10112x128xf32, #tpu.memory_space<hbm>> -> memref<1x632x128xf32, #tpu.memory_space<hbm>>
      %dma_wait3A_14 = tpu.memref_squeeze %dma_wait3A_13 : memref<1x632x128xf32, #tpu.memory_space<hbm>> -> memref<632x128xf32, #tpu.memory_space<hbm>>
      %dma_wait3A_15 = arith.constant 0 : i32
      %dma_wait3A_16 = tpu.memref_slice %arg8[%mul3A_2, %dma_wait3A_15] : memref<10112x128xf32, #tpu.memory_space<vmem_shared>> -> memref<632x128xf32, #tpu.memory_space<vmem_shared>>
      tpu.wait_dma2 semaphore(%run_scoped3A : memref<!tpu.dma_semaphore, #tpu.memory_space<semaphore_mem>>) src(%dma_wait3A_16 : memref<632x128xf32, #tpu.memory_space<vmem_shared>>) dst(%dma_wait3A_14 : memref<632x128xf32, #tpu.memory_space<hbm>>)
      tpu.yield
    }) : () -> ()
    return
  }
}

module attributes {stable_mosaic.version = 14 : i64} {
  func.func @_tc_layer1(%arg0: memref<2x10112x128xf32, #tpu.memory_space<vmem>>, %arg1: memref<2x10112x128xf32, #tpu.memory_space<vmem>>, %arg2: memref<10000x128xf32, #tpu.memory_space<vmem>>, %arg3: memref<128x128xf32, #tpu.memory_space<vmem>>, %arg4: memref<1x128xf32, #tpu.memory_space<vmem>>, %arg5: memref<128x128xf32, #tpu.memory_space<vmem>>, %arg6: memref<1x128xf32, #tpu.memory_space<vmem>>, %arg7: memref<1x128xf32, #tpu.memory_space<vmem>>, %arg8: memref<10000x128xf32, #tpu.memory_space<vmem>>, %arg9: memref<10000x1xf32, #tpu.memory_space<vmem>>) attributes {dimension_semantics = [], scalar_prefetch = 0 : i64, scratch_operands = 0 : i64, tpu.core_type = #tpu.core_type<tc>} {
    %get3A = arith.constant 0 : index
    %get3A_0 = arith.constant 0 : index
    %get3A_1 = arith.constant 0 : index
    %get3A_2 = vector.load %arg1[%get3A, %get3A_0, %get3A_1] : memref<2x10112x128xf32, #tpu.memory_space<vmem>>, vector<1x10000x1xf32>
    %get3A_3 = vector.shape_cast %get3A_2 : vector<1x10000x1xf32> to vector<10000x1xf32>
    %get3A_4 = arith.constant 1 : index
    %get3A_5 = arith.constant 0 : index
    %get3A_6 = arith.constant 0 : index
    %get3A_7 = vector.load %arg1[%get3A_4, %get3A_5, %get3A_6] : memref<2x10112x128xf32, #tpu.memory_space<vmem>>, vector<1x10000x1xf32>
    %get3A_8 = vector.shape_cast %get3A_7 : vector<1x10000x1xf32> to vector<10000x1xf32>
    %add3A = arith.addf %get3A_3, %get3A_8 : vector<10000x1xf32>
    %max3A = arith.constant 1.000000e+00 : f32
    %max3A_9 = vector.broadcast %max3A : f32 to vector<10000x1xf32>
    %max3A_10 = arith.maximumf %add3A, %max3A_9 : vector<10000x1xf32>
    %div3A = arith.constant 1.000000e+00 : f32
    %div3A_11 = vector.broadcast %div3A : f32 to vector<10000x1xf32>
    %div3A_12 = arith.divf %div3A_11, %max3A_10 : vector<10000x1xf32>
    %swap3A = arith.constant 0 : index
    %swap3A_13 = arith.constant 0 : index
    %swap3A_14 = vector.load %arg9[%swap3A, %swap3A_13] : memref<10000x1xf32, #tpu.memory_space<vmem>>, vector<10000x1xf32>
    tpu.vector_store %arg9[%swap3A, %swap3A_13], %div3A_12 {strides = array<i32>} : memref<10000x1xf32, #tpu.memory_space<vmem>>, vector<10000x1xf32>,
    %get3A_15 = arith.constant 0 : index
    %get3A_16 = arith.constant 0 : index
    %get3A_17 = arith.constant 0 : index
    %get3A_18 = vector.load %arg0[%get3A_15, %get3A_16, %get3A_17] : memref<2x10112x128xf32, #tpu.memory_space<vmem>>, vector<1x10000x128xf32>
    %get3A_19 = vector.shape_cast %get3A_18 : vector<1x10000x128xf32> to vector<10000x128xf32>
    %get3A_20 = arith.constant 1 : index
    %get3A_21 = arith.constant 0 : index
    %get3A_22 = arith.constant 0 : index
    %get3A_23 = vector.load %arg0[%get3A_20, %get3A_21, %get3A_22] : memref<2x10112x128xf32, #tpu.memory_space<vmem>>, vector<1x10000x128xf32>
    %get3A_24 = vector.shape_cast %get3A_23 : vector<1x10000x128xf32> to vector<10000x128xf32>
    %add3A_25 = arith.addf %get3A_19, %get3A_24 : vector<10000x128xf32>
    %mul3A = vector.broadcast %div3A_12 : vector<10000x1xf32> to vector<10000x128xf32>
    %mul3A_26 = arith.mulf %add3A_25, %mul3A : vector<10000x128xf32>
    %get3A_27 = arith.constant 0 : index
    %get3A_28 = arith.constant 0 : index
    %get3A_29 = vector.load %arg3[%get3A_27, %get3A_28] : memref<128x128xf32, #tpu.memory_space<vmem>>, vector<128x128xf32>
    %dot_general3A = arith.constant dense<0.000000e+00> : vector<10000x128xf32>
    %dot_general3A_30 = tpu.matmul %mul3A_26, %get3A_29, %dot_general3A {dimension_numbers = #tpu.dot_dimension_numbers<[1], [0], [0], [1], [0, 0, 1, 1], [], []>, transpose_lhs_hint = false} : vector<10000x128xf32>, vector<128x128xf32>, vector<10000x128xf32> -> vector<10000x128xf32>
    %get3A_31 = arith.constant 0 : index
    %get3A_32 = arith.constant 0 : index
    %get3A_33 = vector.load %arg2[%get3A_31, %get3A_32] : memref<10000x128xf32, #tpu.memory_space<vmem>>, vector<10000x128xf32>
    %get3A_34 = arith.constant 0 : index
    %get3A_35 = arith.constant 0 : index
    %get3A_36 = vector.load %arg5[%get3A_34, %get3A_35] : memref<128x128xf32, #tpu.memory_space<vmem>>, vector<128x128xf32>
    %dot_general3A_37 = arith.constant dense<0.000000e+00> : vector<10000x128xf32>
    %dot_general3A_38 = tpu.matmul %get3A_33, %get3A_36, %dot_general3A_37 {dimension_numbers = #tpu.dot_dimension_numbers<[1], [0], [0], [1], [0, 0, 1, 1], [], []>, transpose_lhs_hint = false} : vector<10000x128xf32>, vector<128x128xf32>, vector<10000x128xf32> -> vector<10000x128xf32>
    %add3A_39 = arith.addf %dot_general3A_30, %dot_general3A_38 : vector<10000x128xf32>
    %get3A_40 = arith.constant 0 : index
    %get3A_41 = arith.constant 0 : index
    %get3A_42 = vector.load %arg4[%get3A_40, %get3A_41] : memref<1x128xf32, #tpu.memory_space<vmem>>, vector<1x128xf32>
    %add3A_43 = vector.broadcast %get3A_42 : vector<1x128xf32> to vector<10000x128xf32>
    %add3A_44 = arith.addf %add3A_39, %add3A_43 : vector<10000x128xf32>
    %reduce_sum3A = arith.constant dense<0.000000e+00> : vector<128xf32>
    %reduce_sum3A_45 = vector.multi_reduction <add>, %add3A_44, %reduce_sum3A [0] : vector<10000x128xf32> to vector<128xf32>
    %broadcast_in_dim3A = vector.shape_cast %reduce_sum3A_45 : vector<128xf32> to vector<1x128xf32>
    %div3A_46 = arith.constant 1.000000e+04 : f32
    %div3A_47 = vector.broadcast %div3A_46 : f32 to vector<1x128xf32>
    %div3A_48 = arith.divf %broadcast_in_dim3A, %div3A_47 : vector<1x128xf32>
    %sub3A = vector.broadcast %div3A_48 : vector<1x128xf32> to vector<10000x128xf32>
    %sub3A_49 = arith.subf %add3A_44, %sub3A : vector<10000x128xf32>
    %integer_pow3A = arith.mulf %sub3A_49, %sub3A_49 : vector<10000x128xf32>
    %reduce_sum3A_50 = arith.constant dense<0.000000e+00> : vector<128xf32>
    %reduce_sum3A_51 = vector.multi_reduction <add>, %integer_pow3A, %reduce_sum3A_50 [0] : vector<10000x128xf32> to vector<128xf32>
    %broadcast_in_dim3A_52 = vector.shape_cast %reduce_sum3A_51 : vector<128xf32> to vector<1x128xf32>
    %div3A_53 = arith.constant 1.000000e+04 : f32
    %div3A_54 = vector.broadcast %div3A_53 : f32 to vector<1x128xf32>
    %div3A_55 = arith.divf %broadcast_in_dim3A_52, %div3A_54 : vector<1x128xf32>
    %sub3A_56 = vector.broadcast %div3A_48 : vector<1x128xf32> to vector<10000x128xf32>
    %sub3A_57 = arith.subf %add3A_44, %sub3A_56 : vector<10000x128xf32>
    %add3A_58 = arith.constant 9.99999974E-6 : f32
    %add3A_59 = vector.broadcast %add3A_58 : f32 to vector<1x128xf32>
    %add3A_60 = arith.addf %div3A_55, %add3A_59 : vector<1x128xf32>
    %sqrt3A = math.sqrt %add3A_60 : vector<1x128xf32>
    %div3A_61 = vector.broadcast %sqrt3A : vector<1x128xf32> to vector<10000x128xf32>
    %div3A_62 = arith.divf %sub3A_57, %div3A_61 : vector<10000x128xf32>
    %get3A_63 = arith.constant 0 : index
    %get3A_64 = arith.constant 0 : index
    %get3A_65 = vector.load %arg6[%get3A_63, %get3A_64] : memref<1x128xf32, #tpu.memory_space<vmem>>, vector<1x128xf32>
    %mul3A_66 = vector.broadcast %get3A_65 : vector<1x128xf32> to vector<10000x128xf32>
    %mul3A_67 = arith.mulf %div3A_62, %mul3A_66 : vector<10000x128xf32>
    %get3A_68 = arith.constant 0 : index
    %get3A_69 = arith.constant 0 : index
    %get3A_70 = vector.load %arg7[%get3A_68, %get3A_69] : memref<1x128xf32, #tpu.memory_space<vmem>>, vector<1x128xf32>
    %add3A_71 = vector.broadcast %get3A_70 : vector<1x128xf32> to vector<10000x128xf32>
    %add3A_72 = arith.addf %mul3A_67, %add3A_71 : vector<10000x128xf32>
    %max3A_73 = arith.constant 0.000000e+00 : f32
    %max3A_74 = vector.broadcast %max3A_73 : f32 to vector<10000x128xf32>
    %max3A_75 = arith.maximumf %add3A_72, %max3A_74 : vector<10000x128xf32>
    %swap3A_76 = arith.constant 0 : index
    %swap3A_77 = arith.constant 0 : index
    %swap3A_78 = vector.load %arg8[%swap3A_76, %swap3A_77] : memref<10000x128xf32, #tpu.memory_space<vmem>>, vector<10000x128xf32>
    tpu.vector_store %arg8[%swap3A_76, %swap3A_77], %max3A_75 {strides = array<i32>} : memref<10000x128xf32, #tpu.memory_space<vmem>>, vector<10000x128xf32>,
    return
  }
}

module attributes {stable_mosaic.version = 14 : i64} {
  func.func @_tc_layer2(%arg0: memref<2x10112x128xf32, #tpu.memory_space<vmem>>, %arg1: memref<10000x1xf32, #tpu.memory_space<vmem>>, %arg2: memref<10000x128xf32, #tpu.memory_space<vmem>>, %arg3: memref<128x128xf32, #tpu.memory_space<vmem>>, %arg4: memref<1x128xf32, #tpu.memory_space<vmem>>, %arg5: memref<128x128xf32, #tpu.memory_space<vmem>>, %arg6: memref<1x128xf32, #tpu.memory_space<vmem>>, %arg7: memref<1x128xf32, #tpu.memory_space<vmem>>, %arg8: memref<10000x128xf32, #tpu.memory_space<vmem>>) attributes {dimension_semantics = [], scalar_prefetch = 0 : i64, scratch_operands = 0 : i64, tpu.core_type = #tpu.core_type<tc>} {
    %get3A = arith.constant 0 : index
    %get3A_0 = arith.constant 0 : index
    %get3A_1 = arith.constant 0 : index
    %get3A_2 = vector.load %arg0[%get3A, %get3A_0, %get3A_1] : memref<2x10112x128xf32, #tpu.memory_space<vmem>>, vector<1x10000x128xf32>
    %get3A_3 = vector.shape_cast %get3A_2 : vector<1x10000x128xf32> to vector<10000x128xf32>
    %get3A_4 = arith.constant 1 : index
    %get3A_5 = arith.constant 0 : index
    %get3A_6 = arith.constant 0 : index
    %get3A_7 = vector.load %arg0[%get3A_4, %get3A_5, %get3A_6] : memref<2x10112x128xf32, #tpu.memory_space<vmem>>, vector<1x10000x128xf32>
    %get3A_8 = vector.shape_cast %get3A_7 : vector<1x10000x128xf32> to vector<10000x128xf32>
    %add3A = arith.addf %get3A_3, %get3A_8 : vector<10000x128xf32>
    %get3A_9 = arith.constant 0 : index
    %get3A_10 = arith.constant 0 : index
    %get3A_11 = vector.load %arg1[%get3A_9, %get3A_10] : memref<10000x1xf32, #tpu.memory_space<vmem>>, vector<10000x1xf32>
    %mul3A = vector.broadcast %get3A_11 : vector<10000x1xf32> to vector<10000x128xf32>
    %mul3A_12 = arith.mulf %add3A, %mul3A : vector<10000x128xf32>
    %get3A_13 = arith.constant 0 : index
    %get3A_14 = arith.constant 0 : index
    %get3A_15 = vector.load %arg3[%get3A_13, %get3A_14] : memref<128x128xf32, #tpu.memory_space<vmem>>, vector<128x128xf32>
    %dot_general3A = arith.constant dense<0.000000e+00> : vector<10000x128xf32>
    %dot_general3A_16 = tpu.matmul %mul3A_12, %get3A_15, %dot_general3A {dimension_numbers = #tpu.dot_dimension_numbers<[1], [0], [0], [1], [0, 0, 1, 1], [], []>, transpose_lhs_hint = false} : vector<10000x128xf32>, vector<128x128xf32>, vector<10000x128xf32> -> vector<10000x128xf32>
    %get3A_17 = arith.constant 0 : index
    %get3A_18 = arith.constant 0 : index
    %get3A_19 = vector.load %arg2[%get3A_17, %get3A_18] : memref<10000x128xf32, #tpu.memory_space<vmem>>, vector<10000x128xf32>
    %get3A_20 = arith.constant 0 : index
    %get3A_21 = arith.constant 0 : index
    %get3A_22 = vector.load %arg5[%get3A_20, %get3A_21] : memref<128x128xf32, #tpu.memory_space<vmem>>, vector<128x128xf32>
    %dot_general3A_23 = arith.constant dense<0.000000e+00> : vector<10000x128xf32>
    %dot_general3A_24 = tpu.matmul %get3A_19, %get3A_22, %dot_general3A_23 {dimension_numbers = #tpu.dot_dimension_numbers<[1], [0], [0], [1], [0, 0, 1, 1], [], []>, transpose_lhs_hint = false} : vector<10000x128xf32>, vector<128x128xf32>, vector<10000x128xf32> -> vector<10000x128xf32>
    %add3A_25 = arith.addf %dot_general3A_16, %dot_general3A_24 : vector<10000x128xf32>
    %get3A_26 = arith.constant 0 : index
    %get3A_27 = arith.constant 0 : index
    %get3A_28 = vector.load %arg4[%get3A_26, %get3A_27] : memref<1x128xf32, #tpu.memory_space<vmem>>, vector<1x128xf32>
    %add3A_29 = vector.broadcast %get3A_28 : vector<1x128xf32> to vector<10000x128xf32>
    %add3A_30 = arith.addf %add3A_25, %add3A_29 : vector<10000x128xf32>
    %reduce_sum3A = arith.constant dense<0.000000e+00> : vector<128xf32>
    %reduce_sum3A_31 = vector.multi_reduction <add>, %add3A_30, %reduce_sum3A [0] : vector<10000x128xf32> to vector<128xf32>
    %broadcast_in_dim3A = vector.shape_cast %reduce_sum3A_31 : vector<128xf32> to vector<1x128xf32>
    %div3A = arith.constant 1.000000e+04 : f32
    %div3A_32 = vector.broadcast %div3A : f32 to vector<1x128xf32>
    %div3A_33 = arith.divf %broadcast_in_dim3A, %div3A_32 : vector<1x128xf32>
    %sub3A = vector.broadcast %div3A_33 : vector<1x128xf32> to vector<10000x128xf32>
    %sub3A_34 = arith.subf %add3A_30, %sub3A : vector<10000x128xf32>
    %integer_pow3A = arith.mulf %sub3A_34, %sub3A_34 : vector<10000x128xf32>
    %reduce_sum3A_35 = arith.constant dense<0.000000e+00> : vector<128xf32>
    %reduce_sum3A_36 = vector.multi_reduction <add>, %integer_pow3A, %reduce_sum3A_35 [0] : vector<10000x128xf32> to vector<128xf32>
    %broadcast_in_dim3A_37 = vector.shape_cast %reduce_sum3A_36 : vector<128xf32> to vector<1x128xf32>
    %div3A_38 = arith.constant 1.000000e+04 : f32
    %div3A_39 = vector.broadcast %div3A_38 : f32 to vector<1x128xf32>
    %div3A_40 = arith.divf %broadcast_in_dim3A_37, %div3A_39 : vector<1x128xf32>
    %sub3A_41 = vector.broadcast %div3A_33 : vector<1x128xf32> to vector<10000x128xf32>
    %sub3A_42 = arith.subf %add3A_30, %sub3A_41 : vector<10000x128xf32>
    %add3A_43 = arith.constant 9.99999974E-6 : f32
    %add3A_44 = vector.broadcast %add3A_43 : f32 to vector<1x128xf32>
    %add3A_45 = arith.addf %div3A_40, %add3A_44 : vector<1x128xf32>
    %sqrt3A = math.sqrt %add3A_45 : vector<1x128xf32>
    %div3A_46 = vector.broadcast %sqrt3A : vector<1x128xf32> to vector<10000x128xf32>
    %div3A_47 = arith.divf %sub3A_42, %div3A_46 : vector<10000x128xf32>
    %get3A_48 = arith.constant 0 : index
    %get3A_49 = arith.constant 0 : index
    %get3A_50 = vector.load %arg6[%get3A_48, %get3A_49] : memref<1x128xf32, #tpu.memory_space<vmem>>, vector<1x128xf32>
    %mul3A_51 = vector.broadcast %get3A_50 : vector<1x128xf32> to vector<10000x128xf32>
    %mul3A_52 = arith.mulf %div3A_47, %mul3A_51 : vector<10000x128xf32>
    %get3A_53 = arith.constant 0 : index
    %get3A_54 = arith.constant 0 : index
    %get3A_55 = vector.load %arg7[%get3A_53, %get3A_54] : memref<1x128xf32, #tpu.memory_space<vmem>>, vector<1x128xf32>
    %add3A_56 = vector.broadcast %get3A_55 : vector<1x128xf32> to vector<10000x128xf32>
    %add3A_57 = arith.addf %mul3A_52, %add3A_56 : vector<10000x128xf32>
    %max3A = arith.constant 0.000000e+00 : f32
    %max3A_58 = vector.broadcast %max3A : f32 to vector<10000x128xf32>
    %max3A_59 = arith.maximumf %add3A_57, %max3A_58 : vector<10000x128xf32>
    %swap3A = arith.constant 0 : index
    %swap3A_60 = arith.constant 0 : index
    %swap3A_61 = vector.load %arg8[%swap3A, %swap3A_60] : memref<10000x128xf32, #tpu.memory_space<vmem>>, vector<10000x128xf32>
    tpu.vector_store %arg8[%swap3A, %swap3A_60], %max3A_59 {strides = array<i32>} : memref<10000x128xf32, #tpu.memory_space<vmem>>, vector<10000x128xf32>,
    return
  }
}

module attributes {stable_mosaic.version = 14 : i64} {
  func.func @_tc_layer3(%arg0: memref<2x10112x128xf32, #tpu.memory_space<vmem>>, %arg1: memref<10000x1xf32, #tpu.memory_space<vmem>>, %arg2: memref<10000x128xf32, #tpu.memory_space<vmem>>, %arg3: memref<128x128xf32, #tpu.memory_space<vmem>>, %arg4: memref<1x128xf32, #tpu.memory_space<vmem>>, %arg5: memref<128x128xf32, #tpu.memory_space<vmem>>, %arg6: memref<1x128xf32, #tpu.memory_space<vmem>>, %arg7: memref<1x128xf32, #tpu.memory_space<vmem>>, %arg8: memref<128x128xf32, #tpu.memory_space<vmem>>, %arg9: memref<1x128xf32, #tpu.memory_space<vmem>>, %arg10: memref<128x4xf32, #tpu.memory_space<vmem>>, %arg11: memref<1x4xf32, #tpu.memory_space<vmem>>, %arg12: memref<10000x4xf32, #tpu.memory_space<vmem>>) attributes {dimension_semantics = [], scalar_prefetch = 0 : i64, scratch_operands = 0 : i64, tpu.core_type = #tpu.core_type<tc>} {
    %get3A = arith.constant 0 : index
    %get3A_0 = arith.constant 0 : index
    %get3A_1 = arith.constant 0 : index
    %get3A_2 = vector.load %arg0[%get3A, %get3A_0, %get3A_1] : memref<2x10112x128xf32, #tpu.memory_space<vmem>>, vector<1x10000x128xf32>
    %get3A_3 = vector.shape_cast %get3A_2 : vector<1x10000x128xf32> to vector<10000x128xf32>
    %get3A_4 = arith.constant 1 : index
    %get3A_5 = arith.constant 0 : index
    %get3A_6 = arith.constant 0 : index
    %get3A_7 = vector.load %arg0[%get3A_4, %get3A_5, %get3A_6] : memref<2x10112x128xf32, #tpu.memory_space<vmem>>, vector<1x10000x128xf32>
    %get3A_8 = vector.shape_cast %get3A_7 : vector<1x10000x128xf32> to vector<10000x128xf32>
    %add3A = arith.addf %get3A_3, %get3A_8 : vector<10000x128xf32>
    %get3A_9 = arith.constant 0 : index
    %get3A_10 = arith.constant 0 : index
    %get3A_11 = vector.load %arg1[%get3A_9, %get3A_10] : memref<10000x1xf32, #tpu.memory_space<vmem>>, vector<10000x1xf32>
    %mul3A = vector.broadcast %get3A_11 : vector<10000x1xf32> to vector<10000x128xf32>
    %mul3A_12 = arith.mulf %add3A, %mul3A : vector<10000x128xf32>
    %get3A_13 = arith.constant 0 : index
    %get3A_14 = arith.constant 0 : index
    %get3A_15 = vector.load %arg3[%get3A_13, %get3A_14] : memref<128x128xf32, #tpu.memory_space<vmem>>, vector<128x128xf32>
    %dot_general3A = arith.constant dense<0.000000e+00> : vector<10000x128xf32>
    %dot_general3A_16 = tpu.matmul %mul3A_12, %get3A_15, %dot_general3A {dimension_numbers = #tpu.dot_dimension_numbers<[1], [0], [0], [1], [0, 0, 1, 1], [], []>, transpose_lhs_hint = false} : vector<10000x128xf32>, vector<128x128xf32>, vector<10000x128xf32> -> vector<10000x128xf32>
    %get3A_17 = arith.constant 0 : index
    %get3A_18 = arith.constant 0 : index
    %get3A_19 = vector.load %arg2[%get3A_17, %get3A_18] : memref<10000x128xf32, #tpu.memory_space<vmem>>, vector<10000x128xf32>
    %get3A_20 = arith.constant 0 : index
    %get3A_21 = arith.constant 0 : index
    %get3A_22 = vector.load %arg5[%get3A_20, %get3A_21] : memref<128x128xf32, #tpu.memory_space<vmem>>, vector<128x128xf32>
    %dot_general3A_23 = arith.constant dense<0.000000e+00> : vector<10000x128xf32>
    %dot_general3A_24 = tpu.matmul %get3A_19, %get3A_22, %dot_general3A_23 {dimension_numbers = #tpu.dot_dimension_numbers<[1], [0], [0], [1], [0, 0, 1, 1], [], []>, transpose_lhs_hint = false} : vector<10000x128xf32>, vector<128x128xf32>, vector<10000x128xf32> -> vector<10000x128xf32>
    %add3A_25 = arith.addf %dot_general3A_16, %dot_general3A_24 : vector<10000x128xf32>
    %get3A_26 = arith.constant 0 : index
    %get3A_27 = arith.constant 0 : index
    %get3A_28 = vector.load %arg4[%get3A_26, %get3A_27] : memref<1x128xf32, #tpu.memory_space<vmem>>, vector<1x128xf32>
    %add3A_29 = vector.broadcast %get3A_28 : vector<1x128xf32> to vector<10000x128xf32>
    %add3A_30 = arith.addf %add3A_25, %add3A_29 : vector<10000x128xf32>
    %reduce_sum3A = arith.constant dense<0.000000e+00> : vector<128xf32>
    %reduce_sum3A_31 = vector.multi_reduction <add>, %add3A_30, %reduce_sum3A [0] : vector<10000x128xf32> to vector<128xf32>
    %broadcast_in_dim3A = vector.shape_cast %reduce_sum3A_31 : vector<128xf32> to vector<1x128xf32>
    %div3A = arith.constant 1.000000e+04 : f32
    %div3A_32 = vector.broadcast %div3A : f32 to vector<1x128xf32>
    %div3A_33 = arith.divf %broadcast_in_dim3A, %div3A_32 : vector<1x128xf32>
    %sub3A = vector.broadcast %div3A_33 : vector<1x128xf32> to vector<10000x128xf32>
    %sub3A_34 = arith.subf %add3A_30, %sub3A : vector<10000x128xf32>
    %integer_pow3A = arith.mulf %sub3A_34, %sub3A_34 : vector<10000x128xf32>
    %reduce_sum3A_35 = arith.constant dense<0.000000e+00> : vector<128xf32>
    %reduce_sum3A_36 = vector.multi_reduction <add>, %integer_pow3A, %reduce_sum3A_35 [0] : vector<10000x128xf32> to vector<128xf32>
    %broadcast_in_dim3A_37 = vector.shape_cast %reduce_sum3A_36 : vector<128xf32> to vector<1x128xf32>
    %div3A_38 = arith.constant 1.000000e+04 : f32
    %div3A_39 = vector.broadcast %div3A_38 : f32 to vector<1x128xf32>
    %div3A_40 = arith.divf %broadcast_in_dim3A_37, %div3A_39 : vector<1x128xf32>
    %sub3A_41 = vector.broadcast %div3A_33 : vector<1x128xf32> to vector<10000x128xf32>
    %sub3A_42 = arith.subf %add3A_30, %sub3A_41 : vector<10000x128xf32>
    %add3A_43 = arith.constant 9.99999974E-6 : f32
    %add3A_44 = vector.broadcast %add3A_43 : f32 to vector<1x128xf32>
    %add3A_45 = arith.addf %div3A_40, %add3A_44 : vector<1x128xf32>
    %sqrt3A = math.sqrt %add3A_45 : vector<1x128xf32>
    %div3A_46 = vector.broadcast %sqrt3A : vector<1x128xf32> to vector<10000x128xf32>
    %div3A_47 = arith.divf %sub3A_42, %div3A_46 : vector<10000x128xf32>
    %get3A_48 = arith.constant 0 : index
    %get3A_49 = arith.constant 0 : index
    %get3A_50 = vector.load %arg6[%get3A_48, %get3A_49] : memref<1x128xf32, #tpu.memory_space<vmem>>, vector<1x128xf32>
    %mul3A_51 = vector.broadcast %get3A_50 : vector<1x128xf32> to vector<10000x128xf32>
    %mul3A_52 = arith.mulf %div3A_47, %mul3A_51 : vector<10000x128xf32>
    %get3A_53 = arith.constant 0 : index
    %get3A_54 = arith.constant 0 : index
    %get3A_55 = vector.load %arg7[%get3A_53, %get3A_54] : memref<1x128xf32, #tpu.memory_space<vmem>>, vector<1x128xf32>
    %add3A_56 = vector.broadcast %get3A_55 : vector<1x128xf32> to vector<10000x128xf32>
    %add3A_57 = arith.addf %mul3A_52, %add3A_56 : vector<10000x128xf32>
    %max3A = arith.constant 0.000000e+00 : f32
    %max3A_58 = vector.broadcast %max3A : f32 to vector<10000x128xf32>
    %max3A_59 = arith.maximumf %add3A_57, %max3A_58 : vector<10000x128xf32>
    %get3A_60 = arith.constant 0 : index
    %get3A_61 = arith.constant 0 : index
    %get3A_62 = vector.load %arg8[%get3A_60, %get3A_61] : memref<128x128xf32, #tpu.memory_space<vmem>>, vector<128x128xf32>
    %dot_general3A_63 = arith.constant dense<0.000000e+00> : vector<10000x128xf32>
    %dot_general3A_64 = tpu.matmul %max3A_59, %get3A_62, %dot_general3A_63 {dimension_numbers = #tpu.dot_dimension_numbers<[1], [0], [0], [1], [0, 0, 1, 1], [], []>, transpose_lhs_hint = false} : vector<10000x128xf32>, vector<128x128xf32>, vector<10000x128xf32> -> vector<10000x128xf32>
    %get3A_65 = arith.constant 0 : index
    %get3A_66 = arith.constant 0 : index
    %get3A_67 = vector.load %arg9[%get3A_65, %get3A_66] : memref<1x128xf32, #tpu.memory_space<vmem>>, vector<1x128xf32>
    %add3A_68 = vector.broadcast %get3A_67 : vector<1x128xf32> to vector<10000x128xf32>
    %add3A_69 = arith.addf %dot_general3A_64, %add3A_68 : vector<10000x128xf32>
    %max3A_70 = arith.constant 0.000000e+00 : f32
    %max3A_71 = vector.broadcast %max3A_70 : f32 to vector<10000x128xf32>
    %max3A_72 = arith.maximumf %add3A_69, %max3A_71 : vector<10000x128xf32>
    %get3A_73 = arith.constant 0 : index
    %get3A_74 = arith.constant 0 : index
    %get3A_75 = vector.load %arg10[%get3A_73, %get3A_74] : memref<128x4xf32, #tpu.memory_space<vmem>>, vector<128x4xf32>
    %dot_general3A_76 = arith.constant dense<0.000000e+00> : vector<10000x4xf32>
    %dot_general3A_77 = tpu.matmul %max3A_72, %get3A_75, %dot_general3A_76 {dimension_numbers = #tpu.dot_dimension_numbers<[1], [0], [0], [1], [0, 0, 1, 1], [], []>, transpose_lhs_hint = false} : vector<10000x128xf32>, vector<128x4xf32>, vector<10000x4xf32> -> vector<10000x4xf32>
    %get3A_78 = arith.constant 0 : index
    %get3A_79 = arith.constant 0 : index
    %get3A_80 = vector.load %arg11[%get3A_78, %get3A_79] : memref<1x4xf32, #tpu.memory_space<vmem>>, vector<1x4xf32>
    %add3A_81 = vector.broadcast %get3A_80 : vector<1x4xf32> to vector<10000x4xf32>
    %add3A_82 = arith.addf %dot_general3A_77, %add3A_81 : vector<10000x4xf32>
    %swap3A = arith.constant 0 : index
    %swap3A_83 = arith.constant 0 : index
    %swap3A_84 = vector.load %arg12[%swap3A, %swap3A_83] : memref<10000x4xf32, #tpu.memory_space<vmem>>, vector<10000x4xf32>
    tpu.vector_store %arg12[%swap3A, %swap3A_83], %add3A_82 {strides = array<i32>} : memref<10000x4xf32, #tpu.memory_space<vmem>>, vector<10000x4xf32>,
    return
  }
}

</mosaic_0001>

<sc_bundles>
// kernel: kernel.12.cloned.1.call-start
scs
__scs_entry_jumppad:
0x0: {  	(pc) =	sbr.rel $0x88, $3  }
0x1: {  	(tag) =	ssettag $0x0;
	lr =	simm.s32 $0x1  }
0x2: {  	[smem:$0x3F8C] =	sst lr;
	_ =	strace $0xD0000000  }
0x3: {  	_ = 	snop  }
0x4: {  	_ = 	snop  }
0x5: {  	_ = 	snop  }
0x6: {  	_ = 	snop  }
0x7: {  	_ = 	snop  }
__scs_overlays_trampoline_lowered:
0x8: {  	[smem:$0x3F9B] =	sst s0  }
0x9: {  	[smem:$0x3F9C] =	sst s1  }
0xa: {  	[smem:$0x3F9D] =	sst s2  }
0xb: {  	[smem:$0x3F9E] =	sst s3  }
0xc: {  	[smem:$0x3F9F] =	sst s4  }
0xd: {  	[smem:$0x3FA0] =	sst s5  }
0xe: {  	[smem:$0x3FA1] =	sst s6  }
0xf: {  	[smem:$0x3FA2] =	sst s7  }
0x10: {  	[smem:$0x3FA3] =	sst s8  }
0x11: {  	[smem:$0x3FA4] =	sst s9;
	s0 =	simm.s32 @!p0 $0x0  }
0x12: {  	s1 =	sld [smem:$0x3F8A];
	s0 =	simm.s32 @p0 $0x1  }
0x13: {  	[smem:$0x3FA5] =	sst s0;
	s0 =	simm.s32 @!p1 $0x0  }
0x14: {  	s2 =	sld [smem:$0x3F89];
	s0 =	simm.s32 @p1 $0x1  }
0x15: {  	[smem:$0x3FA6] =	sst s0;
	s0 =	simm.s32 @!p2 $0x0  }
0x16: {  	s3 =	sld [smem:$0x3FDB];
	s0 =	simm.s32 @p2 $0x1  }
0x17: {  	s4 =	simm.s32 $0x1BF5;
	[smem:$0x3FA8] =	sst s0  }
0x18: {  	s0 =	sld [smem:$0x3F8B];
	_ =	swait.ge [sflag:s4], $0x0  }
0x19: {  	s7 =	sld [smem:$0x3F8C]  }
0x1a: {  	s8 =	sadd.s32 $0xFFFFE003, lr  }
0x1b: {  	s9 =	sadd.s32 $0xFFFFFEF7, lr;
	s5 =	simm.s32 $0xFFFFFFFF;
	p2 =	slt.u32 s8, $0xFFFFF086  }
0x1c: {  	p1 =	slt.u32 s9, $0xF7A;
	s5 =	simm.s32 @!p2 $0x0  }
0x1d: {  	s5 =	simm.s32 @p1 $0x1;
	p0 =	seq.s32 s7, s2  }
0x1e: {  	s7 =	smul.u32 @!p0 $0xF7A, s2;
	p2 =	seq.s32 @!p0 s5, $0x0  }
0x1f: {  	s9 =	smul.u32 $0xF7A, s1;
	s8 =	simm.s32 @!p0 $0x1BF5;
	p2 =	por !p2, p0  }
0x20: {  	[sflag:s8] =	ssyncset.s32 @!p0 $0xFFFFF086;
	s6 =	sadd.s32 @!p0 s3, s7;
	s7 =	simm.s32 @!p0 $0x108  }
0x21: {  	s3 =	sadd.s32 s3, s9;
	s6 =	sadd.s32 @!p0 $0x88, s6;
	s7 =	simm.s32 @p2 $0x1082  }
0x22: {  	[simem:s7], [sflag:s8] =	dma.local @!p0 [hbm:s6], $0xF7A  }
0x23: {  	s9 =	sor.u32 $0xD0000000, s2;
	s6 =	simm.s32 $0x108;
	_ =	swait.ge @!p0 [sflag:s8], $0x0  }
0x24: {  	s3 =	sadd.s32 $0x88, s3;
	s6 =	simm.s32 @!p1 $0x1082;
	[sflag:s4] =	ssyncset.s32 $0xFFFFF086  }
0x25: {  	[simem:s6], [sflag:s4] =	dma.local [hbm:s3], $0xF7A  }
0x26: {  	[smem:$0x3F8C] =	sst s1;
	(tag) =	ssettag s2;
	_ =	strace s9  }
0x27: {  	s1 =	sld [smem:$0x3F9C]  }
0x28: {  	s2 =	sld [smem:$0x3F9D]  }
0x29: {  	s4 =	sld [smem:$0x3F9F]  }
0x2a: {  	p0 =	seq.s32 s5, $0x0;
	s5 =	sld [smem:$0x3FA0]  }
0x2b: {  	s6 =	sld [smem:$0x3FA1]  }
0x2c: {  	s7 =	sld [smem:$0x3FA2]  }
0x2d: {  	s3 =	simm.s32 $0x108;
	s8 =	sld [smem:$0x3FA3]  }
0x2e: {  	s3 =	simm.s32 @!p0 $0x1082;
	s9 =	sld [smem:$0x3FA4]  }
0x2f: {  	lr =	sadd.s32 s0, s3;
	s0 =	sld [smem:$0x3F9B]  }
0x30: {  	s3 =	sld [smem:$0x3F9E]  }
0x31: {  	[smem:$0x3FA7] =	sst s10  }
0x32: {  	s10 =	sld [smem:$0x3FA5];
	_ =	sdelay $0x3  }
0x33: {  	p0 =	seq.s32 s10, $0x1;
	s10 =	sld [smem:$0x3FA7];
	_ =	sdelay $0x3  }
0x34: {  	[smem:$0x3FA7] =	sst s10  }
0x35: {  	s10 =	sld [smem:$0x3FA6];
	_ =	sdelay $0x3  }
0x36: {  	p1 =	seq.s32 s10, $0x1;
	s10 =	sld [smem:$0x3FA7];
	_ =	sdelay $0x3  }
0x37: {  	[smem:$0x3FA7] =	sst s10  }
0x38: {  	s10 =	sld [smem:$0x3FA8]  }
0x39: {  	_ = 	snop;
	(pc) =	sbr.ind lr, $3  }
0x3a: {  	_ = 	snop  }
0x3b: {  	_ = 	snop  }
0x3c: {  	p2 =	seq.s32 s10, $0x1;
	s10 =	sld [smem:$0x3FA7]  }
0x3d: {  	_ =	shalt  }
0x3e: {  	_ =	shalt  }
0x3f: {  	_ =	shalt  }
0x40: {  	_ =	shalt  }
0x41: {  	_ =	shalt  }
0x42: {  	_ =	shalt  }
0x43: {  	_ =	shalt  }
0x44: {  	_ =	shalt  }
0x45: {  	_ =	shalt  }
0x46: {  	_ =	shalt  }
0x47: {  	_ =	shalt  }
0x48: {  	_ =	shalt  }
0x49: {  	_ =	shalt  }
0x4a: {  	_ =	shalt  }
0x4b: {  	_ =	shalt  }
0x4c: {  	_ =	shalt  }
0x4d: {  	_ =	shalt  }
0x4e: {  	_ =	shalt  }
0x4f: {  	_ =	shalt  }
0x50: {  	_ =	shalt  }
0x51: {  	_ =	shalt  }
0x52: {  	_ =	shalt  }
0x53: {  	_ =	shalt  }
0x54: {  	_ =	shalt  }
0x55: {  	_ =	shalt  }
0x56: {  	_ =	shalt  }
0x57: {  	_ =	shalt  }
0x58: {  	_ =	shalt  }
0x59: {  	_ =	shalt  }
0x5a: {  	_ =	shalt  }
0x5b: {  	_ =	shalt  }
0x5c: {  	_ =	shalt  }
0x5d: {  	_ =	shalt  }
0x5e: {  	_ =	shalt  }
0x5f: {  	_ =	shalt  }
0x60: {  	_ =	shalt  }
0x61: {  	_ =	shalt  }
0x62: {  	_ =	shalt  }
0x63: {  	_ =	shalt  }
0x64: {  	_ =	shalt  }
0x65: {  	_ =	shalt  }
0x66: {  	_ =	shalt  }
0x67: {  	_ =	shalt  }
0x68: {  	_ =	shalt  }
0x69: {  	_ =	shalt  }
0x6a: {  	_ =	shalt  }
0x6b: {  	_ =	shalt  }
0x6c: {  	_ =	shalt  }
0x6d: {  	_ =	shalt  }
0x6e: {  	_ =	shalt  }
0x6f: {  	_ =	shalt  }
0x70: {  	_ =	shalt  }
0x71: {  	_ =	shalt  }
0x72: {  	_ =	shalt  }
0x73: {  	_ =	shalt  }
0x74: {  	_ =	shalt  }
0x75: {  	_ =	shalt  }
0x76: {  	_ =	shalt  }
0x77: {  	_ =	shalt  }
0x78: {  	_ =	shalt  }
0x79: {  	_ =	shalt  }
0x7a: {  	_ =	shalt  }
0x7b: {  	_ =	shalt  }
0x7c: {  	_ =	shalt  }
0x7d: {  	_ =	shalt  }
0x7e: {  	_ =	shalt  }
0x7f: {  	_ =	shalt  }
0x80: {  	_ =	shalt  }
0x81: {  	_ =	shalt  }
0x82: {  	_ =	shalt  }
0x83: {  	_ =	shalt  }
0x84: {  	_ =	shalt  }
0x85: {  	_ =	shalt  }
0x86: {  	_ =	shalt  }
0x87: {  	_ =	shalt  }
.Lfunc_end0:
.L_simem_size_0:
called_computation.1_lowered:
.L_overlay_start_0:
0x88: {  	s2 =	sld [smem:$0x3FD9]  }
0x89: {  	s3 =	sld [smem:$0x3FFE];
	_ =	sdelay $0x1  }
0x8a: {  	s1 =	srdreg.scid  }
0x8b: {  	s0 =	sand.u32 $0x1, s1  }
0x8c: {  	s17 =	sshll.u32 s0, $0xA;
	s2 =	sadd.s32 s3, s2  }
0x8d: {  	s2 =	sadd.s32 s2, s17  }
0x8e: {  	[smem:$0x3FB3] =	sst s2  }
0x8f: {  	_ = 	snop  }
0x90: {  	s2 =	sld [smem:$0x3FC9];
	(tm) =	ssettm $0x1  }
0x91: {  	s18 =	sld [smem:$0x3FFB];
	_ =	sdelay $0x3  }
0x92: {  	_ =	strace s18  }
0x93: {  	s3 =	sld [smem:$0x3FFC];
	_ =	sdelay $0x3  }
0x94: {  	_ =	strace s3  }
0x95: {  	s3 =	sld [smem:$0x3FFD];
	_ =	sdelay $0x3  }
0x96: {  	_ =	strace s3  }
0x97: {  	_ =	strace $0x8FFFFFFF  }
0x98: {  	s19 =	sld [smem:$0x3FDB];
	_ =	sdelay $0x1  }
0x99: {  	s4 =	simm.s32 $_scs_section_size  }
0x9a: {  	s5 =	simm.s32 $_size__tile_overlayer_lowered;
	s6 =	simm.s32 $_tile_overlayer_lowered  }
0x9b: {  	s22 =	simm.s32 $0x1BFF;
	s21 =	sshll.u32 s6, $0x1;
	s3 =	sadd.s32 s4, s19  }
0x9c: {  	s7 =	simm.s32 $0x0;
	s20 =	sshll.u32 s5, $0x1;
	s5 =	sadd.s32 s21, s3  }
0x9d: {  	[timem:s7], [sflag:s22] =	dma.local [hbm:s5], s20  }
0x9e: {  	_ =	swait.ge [sflag:s22], s20  }
0x9f: {  	s4 =	ssub.s32 $0x0, s20;
	[sflag:s22] =	ssyncset.done $0x0  }
0xa0: {  	[sflag:s22] =	ssyncadd.s32 s4;
	_ =	sdelay $0x1  }
0xa1: {  	s23 =	simm.s32 $0x1B8B  }
0xa2: {  	_ =	swait.ge [sflag:s23], $0x1  }
0xa3: {  	[sflag:s23] =	ssyncset.done $0x0  }
0xa4: {  	s25 =	simm.s32 $0x1B8E;
	s24 =	sld [smem:$0x3FFE];
	[sflag:s23] =	ssyncadd.s32 $0xFFFFFFFF  }
0xa5: {  	s26 =	simm.s32 $execute0_lowered;
	[smem:$0x3FD2] =	sst s25  }
0xa6: {  	s5 =	sshll.u32 s26, $0x1;
	_ =	strace $0x80000046;
	[dreg:$0x1] =	wrdreg $0xFFFFFFFF  }
0xa7: {  	s28 =	simm.s32 $_size_execute0_lowered;
	s3 =	sadd.s32 s3, s5;
	[dreg:$0x0] =	wrdreg $0x0  }
0xa8: {  	s5 =	sshll.u32 s28, $0x1;
	[dreg:$0x2] =	wrdreg s3  }
0xa9: {  	[dreg:$0x3] =	wrdreg s5  }
0xaa: {  	[dreg:$0x4] =	wrdreg $0xC0  }
0xab: {  	_ =	task [dreg:s7], $0x5FFFF  }
0xac: {  	[dreg:$0x1] =	wrdreg $0xFFFFFFFF  }
0xad: {  	[dreg:$0x0] =	wrdreg $0x60  }
0xae: {  	[dreg:$0x2] =	wrdreg s2  }
0xaf: {  	[dreg:$0x3] =	wrdreg s24  }
0xb0: {  	[dreg:$0x4] =	wrdreg $0xC1000  }
0xb1: {  	[dreg:$0x5] =	wrdreg $0xA  }
0xb2: {  	_ =	task.clear_ibuf [dreg:s7], $0x6FFFF;
	_ =	strace $0x90000046  }
0xb3: {  	s29 =	simm.s32 $0xA;
	_ =	strace $0x80000048  }
0xb4: {  	_ =	swait.ge [sflag:s29], $0x1  }
0xb5: {  	[sflag:s29] =	ssyncadd.s32 $0xFFFFFFFF  }
0xb6: {  	_ =	strace $0x90000048  }
0xb7: {  	_ =	sfence  }
0xb8: {  	s30 =	sld [smem:$0x0];
	_ =	sdelay $0x2  }
0xb9: {  	s31 =	sshll.u32 s1, $0xD;
	s1 =	sshrl.u32 s1, $0x2  }
0xba: {  	s3 =	sand.u32 $0x4000, s31;
	s1 =	sadd.s32 s1, s30  }
0xbb: {  	s0 =	sor.u32 s3, s0;
	s1 =	sshll.u32 s1, $0x11  }
0xbc: {  	s0 =	sor.u32 s1, s0  }
0xbd: {  	s0 =	sadd.s32 $0x8F2B, s0  }
0xbe: {  	[sflag:s0] =	ssyncadd.remote.s32 $0x1  }
0xbf: {  	_ =	sfence.sel $0xFFFF  }
0xc0: {  	[dreg:$0x0] =	wrdreg $0xFFFFFFFF;
	(pc) =	sbr.abs _section_cstart, $3  }
0xc1: {  	[dreg:$0x1] =	wrdreg $0xFFFFFFFF  }
0xc2: {  	_ =	task.clear_ibuf [dreg:s7], $0x2FFFF;
	_ =	strace $0x9FFFFFFF  }
0xc3: {  	(tm) =	ssettm $0x7FFFFFFF  }
tec
execute0_lowered:
.L_overlay_start_1:
0x0: {  	(tag) =	ssettag $0x1  }
0x1: {  	s0 =	srdreg.scid;
	s1 =	rddreg [dreg:$0x0]  }
0x2: {  	s10 =	stileid.u32;
	s5 =	rddreg [dreg:$0x1]  }
0x3: {  	s3 =	rddreg [dreg:$0x2];
	s12 =	simm.s32 $0x5;
	s13 =	simm.s32 $0x80  }
0x4: {  	s14 =	simm.s32 $0x400;
	s16 =	simm.s32 $0x38;
	s17 =	simm.s32 $0x5100  }
0x5: {  	s18 =	simm.s32 $0x6D00;
	s20 =	simm.s32 $0x8900;
	s21 =	simm.s32 $0xA500  }
0x6: {  	s22 =	simm.s32 $0x1;
	s29 =	simm.s32 $0x5018;
	s30 =	simm.s32 $0x5050  }
0x7: {  	s31 =	simm.s32 $0x5088;
	s0 =	sand.u32 $0x1, s0;
	s23 =	smul.u32 $0x13C00, s10  }
0x8: {  	s4 =	sshll.u32 s10, $0x7;
	s24 =	smul.u32 $0x4F000, s10;
	s28 =	sshll.u32 s10, $0x6  }
0x9: {  	s2 =	sshll.u32 s0, $0x4;
	s6 =	sand.u32 $0x380, s4;
	s4 =	simm.s32 $0x0  }
0xa: {  	s7 =	smul.u32 $0x13C000, s0;
	s0 =	ssub.s32 $0x2, s0;
	s2 =	sor.u32 s10, s2  }
0xb: {  	[smem:$0x7FF] =	sst s4;
	s8 =	sshrl.u32 s23, $0x3;
	s25 =	sshrl.u32 s0, $0x1  }
0xc: {  	s26 =	sshrl.u32 s24, $0x2;
	s24 =	simm.s32 $0x3;
	s2 =	sshrl.u32 s2, $0x3  }
0xd: {  	_ =	strace $0x80000047;
	s8 =	sadd.s32 s8, s5;
	s2 =	smul.u32 $0x14400, s2  }
0xe: {  	s0 =	ssub.s32 s0, s25;
	s11 =	sadd.s32 s26, s3;
	s25 =	simm.s32 $0x4  }
0xf: {  	s10 =	smax.u32 s0, $0x1;
	s2 =	sor.u32 s6, s2;
	s6 =	sadd.s32 s23, s7  }
0x10: {  	s11 =	sshrl.u32 s11, $0x3;
	s2 =	sshrl.u32 s2, $0x3;
	s6 =	sshrl.u32 s6, $0x3  }
0x11: {  	s23 =	simm.s32 $0x2;
	s2 =	sadd.s32 s2, s5;
	s9 =	sadd.s32 s6, s5  }
0x12: {  	s5 =	sadd.s32 $0x18C00, s8;
	s6 =	sor.u32 $0x1C05, s28;
	s7 =	sadd.s32 $0xEA00, s2  }
0x13: {  	s8 =	sadd.s32 $0x4800, s2;
	s9 =	sadd.s32 $0x40400, s9;
	s2 =	simm.s32 $0x0  }
.LBB2_1:
0x14: {  	[spmem:s11], [sflag:s6] =	dma.local [hbm:s5], $0x2780  }
0x15: {  	_ =	swait.ge [sflag:s12], $0x2780  }
0x16: {  	[sflag:s12] =	ssyncset.done $0x0  }
0x17: {  	[sflag:s12] =	ssyncadd.s32 $0xFFFFD880  }
0x18: {  	[tilespmem:s4], [sflag:$0x5] =	stream.strided.gather [hbm4b:s7+s13], $0x2880, s14, s13, $0x38;
	[tilespmem:$0x1FD00] =	vst v63  }
0x19: {  	_ =	swait.ge [sflag:s12], $0x2880  }
0x1a: {  	[sflag:s12] =	ssyncset.done $0x0  }
0x1b: {  	s0 =	simm.s32 $0x2880;
	[sflag:s12] =	ssyncadd.s32 $0xFFFFD780  }
0x1c: {  	[tilespmem:s0], [sflag:$0x5] =	stream.strided.gather [hbm4b:s8+s13], $0x2880, s14, s13, $0x38;
	[tilespmem:$0x1FD00] =	vst v63  }
0x1d: {  	_ =	swait.ge [sflag:s12], $0x2880  }
0x1e: {  	[sflag:s12] =	ssyncset.done $0x0  }
0x1f: {  	[sflag:s12] =	ssyncadd.s32 $0xFFFFD780  }
0x20: {  	[bflag:$0x0] =	sbarrier.arrive $0xFFFF  }
0x21: {  	[tilespmem:s17], [sflag:$0x1] =	stream.indirect.gather [hbm4b:s1+s16], $0x80, s4, s16, $0xb8;
	[tilespmem:$0x1FD00] =	vst v63  }
0x22: {  	_ = 	snop  }
0x23: {  	[tilespmem:s18], [sflag:$0x2] =	stream.indirect.gather [hbm4b:s1+s16], $0x80, s16, s16, $0xb8;
	[tilespmem:$0x1FD00] =	vst v63  }
0x24: {  	s28 =	simm.s32 $0x70  }
0x25: {  	[tilespmem:s20], [sflag:$0x3] =	stream.indirect.gather [hbm4b:s1+s16], $0x80, s28, s16, $0xb8;
	[tilespmem:$0x1FD00] =	vst v63  }
0x26: {  	s15 =	simm.s32 $0xA8  }
0x27: {  	[tilespmem:s21], [sflag:$0x4] =	stream.indirect.gather [hbm4b:s1+s16], $0x80, s15, s16, $0xb8;
	[tilespmem:$0x1FD00] =	vst v63  }
0x28: {  	_ =	swait.ge [sflag:s22], $0x1C00  }
0x29: {  	[sflag:s22] =	ssyncset.done $0x0  }
0x2a: {  	s19 =	simm.s32 $0x2880;
	[sflag:s22] =	ssyncadd.s32 $0xFFFFE400  }
0x2b: {  	[spmem:s3] =	stream.indirect.scatter.add.f32 [tilespmem:s17], [sflag:$0x5], $0x80, s19, s16, $0xb8;
	[tilespmem:$0x1FD00] =	vst v63  }
0x2c: {  	_ =	swait.ge [sflag:s12], $0x1C00  }
0x2d: {  	[sflag:s12] =	ssyncset.done $0x0  }
0x2e: {  	s26 =	simm.s32 $0xE0;
	[sflag:s12] =	ssyncadd.s32 $0xFFFFE400  }
0x2f: {  	[tilespmem:s17], [sflag:$0x1] =	stream.indirect.gather [hbm4b:s1+s16], $0x80, s26, s16, $0xb8;
	[tilespmem:$0x1FD00] =	vst v63  }
0x30: {  	_ =	swait.ge [sflag:s23], $0x1C00  }
0x31: {  	[sflag:s23] =	ssyncset.done $0x0  }
0x32: {  	s28 =	simm.s32 $0x28B8;
	[sflag:s23] =	ssyncadd.s32 $0xFFFFE400  }
0x33: {  	[spmem:s3] =	stream.indirect.scatter.add.f32 [tilespmem:s18], [sflag:$0x5], $0x80, s28, s16, $0xb8;
	[tilespmem:$0x1FD00] =	vst v63  }
0x34: {  	_ =	swait.ge [sflag:s12], $0x1C00  }
0x35: {  	[sflag:s12] =	ssyncset.done $0x0  }
0x36: {  	s15 =	simm.s32 $0x118;
	[sflag:s12] =	ssyncadd.s32 $0xFFFFE400  }
0x37: {  	[tilespmem:s18], [sflag:$0x2] =	stream.indirect.gather [hbm4b:s1+s16], $0x80, s15, s16, $0xb8;
	[tilespmem:$0x1FD00] =	vst v63  }
0x38: {  	_ =	swait.ge [sflag:s24], $0x1C00  }
0x39: {  	[sflag:s24] =	ssyncset.done $0x0  }
0x3a: {  	s19 =	simm.s32 $0x28F0;
	[sflag:s24] =	ssyncadd.s32 $0xFFFFE400  }
0x3b: {  	[spmem:s3] =	stream.indirect.scatter.add.f32 [tilespmem:s20], [sflag:$0x5], $0x80, s19, s16, $0xb8;
	[tilespmem:$0x1FD00] =	vst v63  }
0x3c: {  	_ =	swait.ge [sflag:s12], $0x1C00  }
0x3d: {  	[sflag:s12] =	ssyncset.done $0x0  }
0x3e: {  	s26 =	simm.s32 $0x150;
	[sflag:s12] =	ssyncadd.s32 $0xFFFFE400  }
0x3f: {  	[tilespmem:s20], [sflag:$0x3] =	stream.indirect.gather [hbm4b:s1+s16], $0x80, s26, s16, $0xb8;
	[tilespmem:$0x1FD00] =	vst v63  }
0x40: {  	_ =	swait.ge [sflag:s25], $0x1C00  }
0x41: {  	[sflag:s25] =	ssyncset.done $0x0  }
0x42: {  	s28 =	simm.s32 $0x2928;
	[sflag:s25] =	ssyncadd.s32 $0xFFFFE400  }
0x43: {  	[spmem:s3] =	stream.indirect.scatter.add.f32 [tilespmem:s21], [sflag:$0x5], $0x80, s28, s16, $0xb8;
	[tilespmem:$0x1FD00] =	vst v63  }
0x44: {  	_ =	swait.ge [sflag:s12], $0x1C00  }
0x45: {  	s0 =	simm.s32 $0xE0;
	s15 =	simm.s32 $0x700;
	[sflag:s12] =	ssyncset.done $0x0  }
.LBB2_2:
0x46: {  	s28 =	sadd.s32 $0xA8, s0  }
0x47: {  	[sflag:s12] =	ssyncadd.s32 $0xFFFFE400;
	s19 =	smov.u32 s15;
	s26 =	sadd.s32 $0x380, s15  }
0x48: {  	[tilespmem:s21], [sflag:$0x4] =	stream.indirect.gather [hbm4b:s1+s16], $0x80, s28, s16, $0xb8;
	[tilespmem:$0x1FD00] =	vst v63  }
0x49: {  	p0 =	sne.s32 s15, $0x9A00;
	_ =	swait.ge [sflag:s22], $0x1C00  }
0x4a: {  	[sflag:s22] =	ssyncset.done $0x0  }
0x4b: {  	s15 =	sadd.s32 $0x2880, s0;
	[sflag:s22] =	ssyncadd.s32 $0xFFFFE400  }
0x4c: {  	[spmem:s3] =	stream.indirect.scatter.add.f32 [tilespmem:s17], [sflag:$0x5], $0x80, s15, s16, $0xb8;
	[tilespmem:$0x1FD00] =	vst v63  }
0x4d: {  	_ =	swait.ge [sflag:s12], $0x1C00  }
0x4e: {  	[sflag:s12] =	ssyncset.done $0x0  }
0x4f: {  	s15 =	sadd.s32 $0xE0, s0;
	[sflag:s12] =	ssyncadd.s32 $0xFFFFE400  }
0x50: {  	[tilespmem:s17], [sflag:$0x1] =	stream.indirect.gather [hbm4b:s1+s16], $0x80, s15, s16, $0xb8;
	[tilespmem:$0x1FD00] =	vst v63  }
0x51: {  	_ =	swait.ge [sflag:s23], $0x1C00  }
0x52: {  	[sflag:s23] =	ssyncset.done $0x0  }
0x53: {  	s15 =	sadd.s32 $0x28B8, s0;
	[sflag:s23] =	ssyncadd.s32 $0xFFFFE400  }
0x54: {  	[spmem:s3] =	stream.indirect.scatter.add.f32 [tilespmem:s18], [sflag:$0x5], $0x80, s15, s16, $0xb8;
	[tilespmem:$0x1FD00] =	vst v63  }
0x55: {  	_ =	swait.ge [sflag:s12], $0x1C00  }
0x56: {  	[sflag:s12] =	ssyncset.done $0x0  }
0x57: {  	s15 =	sadd.s32 $0x118, s0;
	[sflag:s12] =	ssyncadd.s32 $0xFFFFE400  }
0x58: {  	[tilespmem:s18], [sflag:$0x2] =	stream.indirect.gather [hbm4b:s1+s16], $0x80, s15, s16, $0xb8;
	[tilespmem:$0x1FD00] =	vst v63  }
0x59: {  	_ =	swait.ge [sflag:s24], $0x1C00  }
0x5a: {  	[sflag:s24] =	ssyncset.done $0x0  }
0x5b: {  	s15 =	sadd.s32 $0x28F0, s0;
	[sflag:s24] =	ssyncadd.s32 $0xFFFFE400  }
0x5c: {  	[spmem:s3] =	stream.indirect.scatter.add.f32 [tilespmem:s20], [sflag:$0x5], $0x80, s15, s16, $0xb8;
	[tilespmem:$0x1FD00] =	vst v63  }
0x5d: {  	_ =	swait.ge [sflag:s12], $0x1C00  }
0x5e: {  	[sflag:s12] =	ssyncset.done $0x0  }
0x5f: {  	s15 =	sadd.s32 $0x150, s0;
	[sflag:s12] =	ssyncadd.s32 $0xFFFFE400  }
0x60: {  	[tilespmem:s20], [sflag:$0x3] =	stream.indirect.gather [hbm4b:s1+s16], $0x80, s15, s16, $0xb8;
	[tilespmem:$0x1FD00] =	vst v63  }
0x61: {  	_ =	swait.ge [sflag:s25], $0x1C00  }
.Ltmp0:
0x62: {  	[sflag:s25] =	ssyncset.done $0x0;
	(pc) =	sbr.rel @p0 .LBB2_2-.Ltmp0, $4  }
0x63: {  	s0 =	sadd.s32 $0x2928, s0;
	[sflag:s25] =	ssyncadd.s32 $0xFFFFE400  }
0x64: {  	[spmem:s3] =	stream.indirect.scatter.add.f32 [tilespmem:s21], [sflag:$0x5], $0x80, s0, s16, $0xb8;
	[tilespmem:$0x1FD00] =	vst v63  }
0x65: {  	_ =	swait.ge [sflag:s12], $0x1C00  }
0x66: {  	s15 =	smov.u32 s26;
	s0 =	sshra.s32 s19, $0x2;
	[sflag:s12] =	ssyncset.done $0x0  }
0x67: {  	s15 =	sadd.s32 $0xA8, s0;
	[sflag:s12] =	ssyncadd.s32 $0xFFFFE400  }
0x68: {  	[tilespmem:s21], [sflag:$0x4] =	stream.indirect.gather [hbm4b:s1+s16], $0x80, s15, s16, $0xb8;
	[tilespmem:$0x1FD00] =	vst v63  }
0x69: {  	_ =	swait.ge [sflag:s22], $0x1C00  }
0x6a: {  	[sflag:s22] =	ssyncset.done $0x0  }
0x6b: {  	s19 =	sadd.s32 $0x2880, s0;
	[sflag:s22] =	ssyncadd.s32 $0xFFFFE400  }
0x6c: {  	[spmem:s3] =	stream.indirect.scatter.add.f32 [tilespmem:s17], [sflag:$0x5], $0x80, s19, s16, $0xb8;
	[tilespmem:$0x1FD00] =	vst v63  }
0x6d: {  	_ =	swait.ge [sflag:s12], $0x1C00  }
0x6e: {  	[sflag:s12] =	ssyncset.done $0x0  }
0x6f: {  	s26 =	sadd.s32 $0xE0, s0;
	[sflag:s12] =	ssyncadd.s32 $0xFFFFE400  }
0x70: {  	[tilespmem:s17], [sflag:$0x1] =	stream.indirect.gather [hbm4b:s1+s16], $0x80, s26, s16, $0xb8;
	[tilespmem:$0x1FD00] =	vst v63  }
0x71: {  	_ =	swait.ge [sflag:s23], $0x1C00  }
0x72: {  	[sflag:s23] =	ssyncset.done $0x0  }
0x73: {  	s28 =	sadd.s32 $0x28B8, s0;
	[sflag:s23] =	ssyncadd.s32 $0xFFFFE400  }
0x74: {  	[spmem:s3] =	stream.indirect.scatter.add.f32 [tilespmem:s18], [sflag:$0x5], $0x80, s28, s16, $0xb8;
	[tilespmem:$0x1FD00] =	vst v63  }
0x75: {  	_ =	swait.ge [sflag:s12], $0x1C00  }
0x76: {  	[sflag:s12] =	ssyncset.done $0x0  }
0x77: {  	s19 =	sadd.s32 $0x118, s0;
	[sflag:s12] =	ssyncadd.s32 $0xFFFFE400  }
0x78: {  	[tilespmem:s18], [sflag:$0x2] =	stream.indirect.gather [hbm4b:s1+s16], $0x80, s19, s16, $0xb8;
	[tilespmem:$0x1FD00] =	vst v63  }
0x79: {  	_ =	swait.ge [sflag:s24], $0x1C00  }
0x7a: {  	[sflag:s24] =	ssyncset.done $0x0  }
0x7b: {  	s26 =	sadd.s32 $0x28F0, s0;
	[sflag:s24] =	ssyncadd.s32 $0xFFFFE400  }
0x7c: {  	[spmem:s3] =	stream.indirect.scatter.add.f32 [tilespmem:s20], [sflag:$0x5], $0x80, s26, s16, $0xb8;
	[tilespmem:$0x1FD00] =	vst v63  }
0x7d: {  	_ =	swait.ge [sflag:s12], $0x1C00  }
0x7e: {  	[sflag:s12] =	ssyncset.done $0x0  }
0x7f: {  	s28 =	sadd.s32 $0x150, s0;
	[sflag:s12] =	ssyncadd.s32 $0xFFFFE400  }
0x80: {  	[tilespmem:s20], [sflag:$0x3] =	stream.indirect.gather [hbm4b:s1+s16], $0x80, s28, s16, $0xb8;
	[tilespmem:$0x1FD00] =	vst v63  }
0x81: {  	_ =	swait.ge [sflag:s25], $0x1C00  }
0x82: {  	[sflag:s25] =	ssyncset.done $0x0  }
0x83: {  	s19 =	sadd.s32 $0x2928, s0;
	[sflag:s25] =	ssyncadd.s32 $0xFFFFE400  }
0x84: {  	[spmem:s3] =	stream.indirect.scatter.add.f32 [tilespmem:s21], [sflag:$0x5], $0x80, s19, s16, $0xb8;
	[tilespmem:$0x1FD00] =	vst v63  }
0x85: {  	_ =	swait.ge [sflag:s12], $0x1C00  }
0x86: {  	[sflag:s12] =	ssyncset.done $0x0  }
0x87: {  	s26 =	simm.s32 $0x2808;
	[sflag:s12] =	ssyncadd.s32 $0xFFFFE400  }
0x88: {  	[tilespmem:s21], [sflag:$0x4] =	stream.indirect.gather [hbm4b:s1+s16], $0x80, s26, s16, $0xb8;
	[tilespmem:$0x1FD00] =	vst v63  }
0x89: {  	_ =	swait.ge [sflag:s22], $0x1C00  }
0x8a: {  	[sflag:s22] =	ssyncset.done $0x0  }
0x8b: {  	s28 =	simm.s32 $0x4FE0;
	[sflag:s22] =	ssyncadd.s32 $0xFFFFE400  }
0x8c: {  	[spmem:s3] =	stream.indirect.scatter.add.f32 [tilespmem:s17], [sflag:$0x5], $0x80, s28, s16, $0xb8;
	[tilespmem:$0x1FD00] =	vst v63  }
0x8d: {  	_ =	swait.ge [sflag:s12], $0x1C00  }
0x8e: {  	[sflag:s12] =	ssyncset.done $0x0  }
0x8f: {  	[sflag:s12] =	ssyncadd.s32 $0xFFFFE400  }
0x90: {  	_ =	swait.ge [sflag:s23], $0x1C00  }
0x91: {  	[sflag:s23] =	ssyncset.done $0x0  }
0x92: {  	[sflag:s23] =	ssyncadd.s32 $0xFFFFE400  }
0x93: {  	[spmem:s3] =	stream.indirect.scatter.add.f32 [tilespmem:s18], [sflag:$0x5], $0x80, s29, s16, $0xb8;
	[tilespmem:$0x1FD00] =	vst v63  }
0x94: {  	_ =	swait.ge [sflag:s12], $0x1C00  }
0x95: {  	[sflag:s12] =	ssyncset.done $0x0  }
0x96: {  	[sflag:s12] =	ssyncadd.s32 $0xFFFFE400  }
0x97: {  	_ =	swait.ge [sflag:s24], $0x1C00  }
0x98: {  	[sflag:s24] =	ssyncset.done $0x0  }
0x99: {  	[sflag:s24] =	ssyncadd.s32 $0xFFFFE400  }
0x9a: {  	[spmem:s3] =	stream.indirect.scatter.add.f32 [tilespmem:s20], [sflag:$0x5], $0x80, s30, s16, $0xb8;
	[tilespmem:$0x1FD00] =	vst v63  }
0x9b: {  	_ =	swait.ge [sflag:s12], $0x1C00  }
0x9c: {  	[sflag:s12] =	ssyncset.done $0x0  }
0x9d: {  	[sflag:s12] =	ssyncadd.s32 $0xFFFFE400  }
0x9e: {  	_ =	swait.ge [sflag:s25], $0x1C00  }
0x9f: {  	[sflag:s25] =	ssyncset.done $0x0  }
0xa0: {  	[sflag:s25] =	ssyncadd.s32 $0xFFFFE400  }
0xa1: {  	[spmem:s3] =	stream.indirect.scatter.add.f32 [tilespmem:s21], [sflag:$0x5], $0x80, s31, s16, $0xb8;
	[tilespmem:$0x1FD00] =	vst v63  }
0xa2: {  	_ =	swait.ge [sflag:s12], $0x1C00  }
0xa3: {  	s2 =	sadd.s32 $0x1, s2;
	[sflag:s12] =	ssyncset.done $0x0  }
0xa4: {  	p0 =	sne.s32 s2, s10;
	[sflag:s12] =	ssyncadd.s32 $0xFFFFE400  }
.Ltmp1:
0xa5: {  	[bflag:$0x0] =	sbarrier.arrive $0xFFFF;
	(pc) =	sbr.rel @p0 .LBB2_1-.Ltmp1, $4  }
0xa6: {  	[hbm:s9], [sflag:s6] =	dma.local [spmem:s11], $0x2780  }
0xa7: {  	_ =	swait.ge [sflag:s12], $0x2780  }
0xa8: {  	[sflag:s12] =	ssyncset.done $0x0  }
0xa9: {  	[sflag:s12] =	ssyncadd.s32 $0xFFFFD880  }
0xaa: {  	_ =	sfence.sel $0x180000  }
0xab: {  	[bflag:$0x0] =	sbarrier.arrive $0xFFFF  }
0xac: {  	_ =	strace $0x90000047  }
0xad: {  	s0 =	stileid.u32;
	[bflag:$0x2] =	sbarrier.arrive $0xFFFF  }
0xae: {  	p0 =	sne.s32 s0, $0x0;
	s0 =	rddreg [dreg:$0x3]  }
0xaf: {  	s0 =	sadd.s32 @!p0 $0x100000, s0  }
0xb0: {  	[sflag:s0] =	ssyncadd.tile.s32 @!p0 $0x1;
	_ =	shalt  }
.Lfunc_end2:
_tile_overlayer_lowered:
.L_overlay_start_2:
0xb1: {  	(tag) =	ssettag $0x2  }
0xb2: {  	s0 =	rddreg [dreg:$0x0];
	s2 =	stileid.u32  }
0xb3: {  	s1 =	rddreg [dreg:$0x1];
	p0 =	sne.s32 s2, $0x0  }
0xb4: {  	s3 =	rddreg [dreg:$0x2];
	[bflag:$0x3] =	sbarrier.arrive $0xFFFF;
	s2 =	simm.s32 @!p0 $0x1C05  }
0xb5: {  	[timem:s3], [sflag:s2] =	dma.local @!p0 [hbm:s0], s1  }
0xb6: {  	s0 =	simm.s32 @!p0 $0x5  }
0xb7: {  	_ =	swait.ge @!p0 [sflag:s0], s1  }
0xb8: {  	s1 =	ssub.s32 @!p0 $0x0, s1;
	[sflag:s0] =	ssyncset.done @!p0 $0x0  }
0xb9: {  	[sflag:s0] =	ssyncadd.s32 @!p0 s1  }
0xba: {  	[bflag:$0x3] =	sbarrier.arrive $0xFFFF  }
0xbb: {  	_ =	shalt  }

// kernel: kernel.15.cloned.1.call-start
scs
__scs_entry_jumppad:
0x0: {  	(pc) =	sbr.rel $0x88, $3  }
0x1: {  	(tag) =	ssettag $0x0;
	lr =	simm.s32 $0x1  }
0x2: {  	[smem:$0x3F8C] =	sst lr;
	_ =	strace $0xD0000000  }
0x3: {  	_ = 	snop  }
0x4: {  	_ = 	snop  }
0x5: {  	_ = 	snop  }
0x6: {  	_ = 	snop  }
0x7: {  	_ = 	snop  }
__scs_overlays_trampoline_lowered:
0x8: {  	[smem:$0x3F9B] =	sst s0  }
0x9: {  	[smem:$0x3F9C] =	sst s1  }
0xa: {  	[smem:$0x3F9D] =	sst s2  }
0xb: {  	[smem:$0x3F9E] =	sst s3  }
0xc: {  	[smem:$0x3F9F] =	sst s4  }
0xd: {  	[smem:$0x3FA0] =	sst s5  }
0xe: {  	[smem:$0x3FA1] =	sst s6  }
0xf: {  	[smem:$0x3FA2] =	sst s7  }
0x10: {  	[smem:$0x3FA3] =	sst s8  }
0x11: {  	[smem:$0x3FA4] =	sst s9;
	s0 =	simm.s32 @!p0 $0x0  }
0x12: {  	s1 =	sld [smem:$0x3F8A];
	s0 =	simm.s32 @p0 $0x1  }
0x13: {  	[smem:$0x3FA5] =	sst s0;
	s0 =	simm.s32 @!p1 $0x0  }
0x14: {  	s2 =	sld [smem:$0x3F89];
	s0 =	simm.s32 @p1 $0x1  }
0x15: {  	[smem:$0x3FA6] =	sst s0;
	s0 =	simm.s32 @!p2 $0x0  }
0x16: {  	s3 =	sld [smem:$0x3FDB];
	s0 =	simm.s32 @p2 $0x1  }
0x17: {  	s4 =	simm.s32 $0x1BF5;
	[smem:$0x3FA8] =	sst s0  }
0x18: {  	s0 =	sld [smem:$0x3F8B];
	_ =	swait.ge [sflag:s4], $0x0  }
0x19: {  	s7 =	sld [smem:$0x3F8C]  }
0x1a: {  	s8 =	sadd.s32 $0xFFFFE003, lr  }
0x1b: {  	s9 =	sadd.s32 $0xFFFFFEF7, lr;
	s5 =	simm.s32 $0xFFFFFFFF;
	p2 =	slt.u32 s8, $0xFFFFF086  }
0x1c: {  	p1 =	slt.u32 s9, $0xF7A;
	s5 =	simm.s32 @!p2 $0x0  }
0x1d: {  	s5 =	simm.s32 @p1 $0x1;
	p0 =	seq.s32 s7, s2  }
0x1e: {  	s7 =	smul.u32 @!p0 $0xF7A, s2;
	p2 =	seq.s32 @!p0 s5, $0x0  }
0x1f: {  	s9 =	smul.u32 $0xF7A, s1;
	s8 =	simm.s32 @!p0 $0x1BF5;
	p2 =	por !p2, p0  }
0x20: {  	[sflag:s8] =	ssyncset.s32 @!p0 $0xFFFFF086;
	s6 =	sadd.s32 @!p0 s3, s7;
	s7 =	simm.s32 @!p0 $0x108  }
0x21: {  	s3 =	sadd.s32 s3, s9;
	s6 =	sadd.s32 @!p0 $0x88, s6;
	s7 =	simm.s32 @p2 $0x1082  }
0x22: {  	[simem:s7], [sflag:s8] =	dma.local @!p0 [hbm:s6], $0xF7A  }
0x23: {  	s9 =	sor.u32 $0xD0000000, s2;
	s6 =	simm.s32 $0x108;
	_ =	swait.ge @!p0 [sflag:s8], $0x0  }
0x24: {  	s3 =	sadd.s32 $0x88, s3;
	s6 =	simm.s32 @!p1 $0x1082;
	[sflag:s4] =	ssyncset.s32 $0xFFFFF086  }
0x25: {  	[simem:s6], [sflag:s4] =	dma.local [hbm:s3], $0xF7A  }
0x26: {  	[smem:$0x3F8C] =	sst s1;
	(tag) =	ssettag s2;
	_ =	strace s9  }
0x27: {  	s1 =	sld [smem:$0x3F9C]  }
0x28: {  	s2 =	sld [smem:$0x3F9D]  }
0x29: {  	s4 =	sld [smem:$0x3F9F]  }
0x2a: {  	p0 =	seq.s32 s5, $0x0;
	s5 =	sld [smem:$0x3FA0]  }
0x2b: {  	s6 =	sld [smem:$0x3FA1]  }
0x2c: {  	s7 =	sld [smem:$0x3FA2]  }
0x2d: {  	s3 =	simm.s32 $0x108;
	s8 =	sld [smem:$0x3FA3]  }
0x2e: {  	s3 =	simm.s32 @!p0 $0x1082;
	s9 =	sld [smem:$0x3FA4]  }
0x2f: {  	lr =	sadd.s32 s0, s3;
	s0 =	sld [smem:$0x3F9B]  }
0x30: {  	s3 =	sld [smem:$0x3F9E]  }
0x31: {  	[smem:$0x3FA7] =	sst s10  }
0x32: {  	s10 =	sld [smem:$0x3FA5];
	_ =	sdelay $0x3  }
0x33: {  	p0 =	seq.s32 s10, $0x1;
	s10 =	sld [smem:$0x3FA7];
	_ =	sdelay $0x3  }
0x34: {  	[smem:$0x3FA7] =	sst s10  }
0x35: {  	s10 =	sld [smem:$0x3FA6];
	_ =	sdelay $0x3  }
0x36: {  	p1 =	seq.s32 s10, $0x1;
	s10 =	sld [smem:$0x3FA7];
	_ =	sdelay $0x3  }
0x37: {  	[smem:$0x3FA7] =	sst s10  }
0x38: {  	s10 =	sld [smem:$0x3FA8]  }
0x39: {  	_ = 	snop;
	(pc) =	sbr.ind lr, $3  }
0x3a: {  	_ = 	snop  }
0x3b: {  	_ = 	snop  }
0x3c: {  	p2 =	seq.s32 s10, $0x1;
	s10 =	sld [smem:$0x3FA7]  }
0x3d: {  	_ =	shalt  }
0x3e: {  	_ =	shalt  }
0x3f: {  	_ =	shalt  }
0x40: {  	_ =	shalt  }
0x41: {  	_ =	shalt  }
0x42: {  	_ =	shalt  }
0x43: {  	_ =	shalt  }
0x44: {  	_ =	shalt  }
0x45: {  	_ =	shalt  }
0x46: {  	_ =	shalt  }
0x47: {  	_ =	shalt  }
0x48: {  	_ =	shalt  }
0x49: {  	_ =	shalt  }
0x4a: {  	_ =	shalt  }
0x4b: {  	_ =	shalt  }
0x4c: {  	_ =	shalt  }
0x4d: {  	_ =	shalt  }
0x4e: {  	_ =	shalt  }
0x4f: {  	_ =	shalt  }
0x50: {  	_ =	shalt  }
0x51: {  	_ =	shalt  }
0x52: {  	_ =	shalt  }
0x53: {  	_ =	shalt  }
0x54: {  	_ =	shalt  }
0x55: {  	_ =	shalt  }
0x56: {  	_ =	shalt  }
0x57: {  	_ =	shalt  }
0x58: {  	_ =	shalt  }
0x59: {  	_ =	shalt  }
0x5a: {  	_ =	shalt  }
0x5b: {  	_ =	shalt  }
0x5c: {  	_ =	shalt  }
0x5d: {  	_ =	shalt  }
0x5e: {  	_ =	shalt  }
0x5f: {  	_ =	shalt  }
0x60: {  	_ =	shalt  }
0x61: {  	_ =	shalt  }
0x62: {  	_ =	shalt  }
0x63: {  	_ =	shalt  }
0x64: {  	_ =	shalt  }
0x65: {  	_ =	shalt  }
0x66: {  	_ =	shalt  }
0x67: {  	_ =	shalt  }
0x68: {  	_ =	shalt  }
0x69: {  	_ =	shalt  }
0x6a: {  	_ =	shalt  }
0x6b: {  	_ =	shalt  }
0x6c: {  	_ =	shalt  }
0x6d: {  	_ =	shalt  }
0x6e: {  	_ =	shalt  }
0x6f: {  	_ =	shalt  }
0x70: {  	_ =	shalt  }
0x71: {  	_ =	shalt  }
0x72: {  	_ =	shalt  }
0x73: {  	_ =	shalt  }
0x74: {  	_ =	shalt  }
0x75: {  	_ =	shalt  }
0x76: {  	_ =	shalt  }
0x77: {  	_ =	shalt  }
0x78: {  	_ =	shalt  }
0x79: {  	_ =	shalt  }
0x7a: {  	_ =	shalt  }
0x7b: {  	_ =	shalt  }
0x7c: {  	_ =	shalt  }
0x7d: {  	_ =	shalt  }
0x7e: {  	_ =	shalt  }
0x7f: {  	_ =	shalt  }
0x80: {  	_ =	shalt  }
0x81: {  	_ =	shalt  }
0x82: {  	_ =	shalt  }
0x83: {  	_ =	shalt  }
0x84: {  	_ =	shalt  }
0x85: {  	_ =	shalt  }
0x86: {  	_ =	shalt  }
0x87: {  	_ =	shalt  }
.Lfunc_end0:
.L_simem_size_0:
called_computation.2_lowered:
.L_overlay_start_0:
0x88: {  	s2 =	sld [smem:$0x3FD9]  }
0x89: {  	s3 =	sld [smem:$0x3FFE];
	_ =	sdelay $0x1  }
0x8a: {  	s1 =	srdreg.scid  }
0x8b: {  	s0 =	sand.u32 $0x1, s1  }
0x8c: {  	s16 =	sshll.u32 s0, $0xA;
	s2 =	sadd.s32 s3, s2  }
0x8d: {  	s2 =	sadd.s32 s2, s16  }
0x8e: {  	[smem:$0x3FB3] =	sst s2  }
0x8f: {  	_ = 	snop  }
0x90: {  	(tm) =	ssettm $0x1  }
0x91: {  	s17 =	sld [smem:$0x3FFB];
	_ =	sdelay $0x3  }
0x92: {  	_ =	strace s17  }
0x93: {  	s2 =	sld [smem:$0x3FFC];
	_ =	sdelay $0x3  }
0x94: {  	_ =	strace s2  }
0x95: {  	s2 =	sld [smem:$0x3FFD];
	_ =	sdelay $0x3  }
0x96: {  	_ =	strace s2  }
0x97: {  	_ =	strace $0x8FFFFFFF  }
0x98: {  	s18 =	sld [smem:$0x3FDB];
	_ =	sdelay $0x1  }
0x99: {  	s19 =	simm.s32 $_scs_section_size  }
0x9a: {  	s4 =	simm.s32 $_size__tile_overlayer_lowered;
	s5 =	simm.s32 $_tile_overlayer_lowered  }
0x9b: {  	s22 =	simm.s32 $0x1BFF;
	s21 =	sshll.u32 s5, $0x1;
	s2 =	sadd.s32 s19, s18  }
0x9c: {  	s6 =	simm.s32 $0x0;
	s20 =	sshll.u32 s4, $0x1;
	s4 =	sadd.s32 s21, s2  }
0x9d: {  	[timem:s6], [sflag:s22] =	dma.local [hbm:s4], s20  }
0x9e: {  	_ =	swait.ge [sflag:s22], s20  }
0x9f: {  	s3 =	ssub.s32 $0x0, s20;
	[sflag:s22] =	ssyncset.done $0x0  }
0xa0: {  	[sflag:s22] =	ssyncadd.s32 s3;
	_ =	sdelay $0x1  }
0xa1: {  	s23 =	simm.s32 $0x1B8B  }
0xa2: {  	_ =	swait.ge [sflag:s23], $0x1  }
0xa3: {  	[sflag:s23] =	ssyncset.done $0x0  }
0xa4: {  	s25 =	simm.s32 $0x1B8E;
	s24 =	sld [smem:$0x3FFE];
	[sflag:s23] =	ssyncadd.s32 $0xFFFFFFFF  }
0xa5: {  	s26 =	simm.s32 $execute0_lowered;
	[smem:$0x3FD2] =	sst s25  }
0xa6: {  	s4 =	sshll.u32 s26, $0x1;
	_ =	strace $0x8000004C;
	[dreg:$0x1] =	wrdreg $0xFFFFFFFF  }
0xa7: {  	s28 =	simm.s32 $_size_execute0_lowered;
	s2 =	sadd.s32 s2, s4;
	[dreg:$0x0] =	wrdreg $0x0  }
0xa8: {  	s4 =	sshll.u32 s28, $0x1;
	[dreg:$0x2] =	wrdreg s2  }
0xa9: {  	[dreg:$0x3] =	wrdreg s4  }
0xaa: {  	[dreg:$0x4] =	wrdreg $0xC0  }
0xab: {  	_ =	task [dreg:s6], $0x5FFFF  }
0xac: {  	[dreg:$0x1] =	wrdreg $0xFFFFFFFF  }
0xad: {  	[dreg:$0x0] =	wrdreg $0x60  }
0xae: {  	[dreg:$0x2] =	wrdreg s24  }
0xaf: {  	[dreg:$0x3] =	wrdreg $0xC1000  }
0xb0: {  	[dreg:$0x4] =	wrdreg $0x9  }
0xb1: {  	_ =	task.clear_ibuf [dreg:s6], $0x5FFFF;
	_ =	strace $0x9000004C  }
0xb2: {  	s29 =	simm.s32 $0x9;
	_ =	strace $0x8000004E  }
0xb3: {  	_ =	swait.ge [sflag:s29], $0x1  }
0xb4: {  	[sflag:s29] =	ssyncadd.s32 $0xFFFFFFFF  }
0xb5: {  	_ =	strace $0x9000004E  }
0xb6: {  	_ =	sfence  }
0xb7: {  	s30 =	sld [smem:$0x0];
	_ =	sdelay $0x2  }
0xb8: {  	s31 =	sshll.u32 s1, $0xD;
	s1 =	sshrl.u32 s1, $0x2  }
0xb9: {  	s3 =	sand.u32 $0x4000, s31;
	s1 =	sadd.s32 s1, s30  }
0xba: {  	s0 =	sor.u32 s3, s0;
	s1 =	sshll.u32 s1, $0x11  }
0xbb: {  	s0 =	sor.u32 s1, s0  }
0xbc: {  	s0 =	sadd.s32 $0x8F2B, s0  }
0xbd: {  	[sflag:s0] =	ssyncadd.remote.s32 $0x1  }
0xbe: {  	_ =	sfence.sel $0xFFFF  }
0xbf: {  	[dreg:$0x0] =	wrdreg $0xFFFFFFFF;
	(pc) =	sbr.abs _section_cstart, $3  }
0xc0: {  	[dreg:$0x1] =	wrdreg $0xFFFFFFFF  }
0xc1: {  	_ =	task.clear_ibuf [dreg:s6], $0x2FFFF;
	_ =	strace $0x9FFFFFFF  }
0xc2: {  	(tm) =	ssettm $0x7FFFFFFF  }
0xc3: {  	_ =	shalt  }
tec
execute0_lowered:
.L_overlay_start_1:
0x0: {  	(tag) =	ssettag $0x1  }
0x1: {  	s0 =	srdreg.scid;
	s5 =	rddreg [dreg:$0x0]  }
0x2: {  	s10 =	stileid.u32;
	s2 =	rddreg [dreg:$0x1]  }
0x3: {  	s12 =	simm.s32 $0x5;
	s13 =	simm.s32 $0x80;
	s14 =	simm.s32 $0x400  }
0x4: {  	s16 =	simm.s32 $0x38;
	s17 =	simm.s32 $0x5100;
	s18 =	simm.s32 $0x6D00  }
0x5: {  	s20 =	simm.s32 $0x8900;
	s21 =	simm.s32 $0xA500;
	s22 =	simm.s32 $0x1  }
0x6: {  	s23 =	simm.s32 $0x2;
	s29 =	simm.s32 $0x5018;
	s30 =	simm.s32 $0x5050  }
0x7: {  	s31 =	simm.s32 $0x5088;
	s0 =	sand.u32 $0x1, s0;
	s6 =	smul.u32 $0x13C00, s10  }
0x8: {  	s3 =	sshll.u32 s10, $0x7;
	s24 =	smul.u32 $0x4F000, s10;
	s28 =	sshll.u32 s10, $0x6  }
0x9: {  	s1 =	sshll.u32 s0, $0x4;
	s4 =	sand.u32 $0x380, s3;
	s3 =	simm.s32 $0x0  }
0xa: {  	s7 =	smul.u32 $0x13C000, s0;
	s0 =	ssub.s32 $0x2, s0;
	s1 =	sor.u32 s10, s1  }
0xb: {  	[smem:$0x7FF] =	sst s3;
	s8 =	sshrl.u32 s6, $0x3;
	s25 =	sshrl.u32 s0, $0x1  }
0xc: {  	s26 =	sshrl.u32 s24, $0x2;
	s24 =	simm.s32 $0x3;
	s1 =	sshrl.u32 s1, $0x3  }
0xd: {  	_ =	strace $0x8000004D;
	s6 =	sadd.s32 s6, s7;
	s8 =	sadd.s32 s8, s5  }
0xe: {  	s0 =	ssub.s32 s0, s25;
	s11 =	sadd.s32 s26, s2;
	s1 =	smul.u32 $0x14400, s1  }
0xf: {  	s25 =	simm.s32 $0x4;
	s6 =	sshrl.u32 s6, $0x3;
	s10 =	smax.u32 s0, $0x1  }
0x10: {  	s11 =	sshrl.u32 s11, $0x3;
	s9 =	sadd.s32 s6, s5;
	s1 =	sor.u32 s4, s1  }
0x11: {  	s6 =	sor.u32 $0x1C05, s28;
	s4 =	sadd.s32 $0x40400, s5;
	s1 =	sshrl.u32 s1, $0x3  }
0x12: {  	s9 =	sadd.s32 $0x67600, s9;
	s1 =	sadd.s32 s1, s5;
	s5 =	sadd.s32 $0x18C00, s8  }
0x13: {  	s7 =	sadd.s32 $0xEA00, s1;
	s8 =	sadd.s32 $0x4800, s1;
	s1 =	simm.s32 $0x0  }
.LBB2_1:
0x14: {  	[spmem:s11], [sflag:s6] =	dma.local [hbm:s5], $0x2780  }
0x15: {  	_ =	swait.ge [sflag:s12], $0x2780  }
0x16: {  	[sflag:s12] =	ssyncset.done $0x0  }
0x17: {  	[sflag:s12] =	ssyncadd.s32 $0xFFFFD880  }
0x18: {  	[tilespmem:s3], [sflag:$0x5] =	stream.strided.gather [hbm4b:s7+s13], $0x2880, s14, s13, $0x38;
	[tilespmem:$0x1FD00] =	vst v63  }
0x19: {  	_ =	swait.ge [sflag:s12], $0x2880  }
0x1a: {  	[sflag:s12] =	ssyncset.done $0x0  }
0x1b: {  	s0 =	simm.s32 $0x2880;
	[sflag:s12] =	ssyncadd.s32 $0xFFFFD780  }
0x1c: {  	[tilespmem:s0], [sflag:$0x5] =	stream.strided.gather [hbm4b:s8+s13], $0x2880, s14, s13, $0x38;
	[tilespmem:$0x1FD00] =	vst v63  }
0x1d: {  	_ =	swait.ge [sflag:s12], $0x2880  }
0x1e: {  	[sflag:s12] =	ssyncset.done $0x0  }
0x1f: {  	[sflag:s12] =	ssyncadd.s32 $0xFFFFD780  }
0x20: {  	[bflag:$0x0] =	sbarrier.arrive $0xFFFF  }
0x21: {  	[tilespmem:s17], [sflag:$0x1] =	stream.indirect.gather [hbm4b:s4+s16], $0x80, s3, s16, $0xb8;
	[tilespmem:$0x1FD00] =	vst v63  }
0x22: {  	_ = 	snop  }
0x23: {  	[tilespmem:s18], [sflag:$0x2] =	stream.indirect.gather [hbm4b:s4+s16], $0x80, s16, s16, $0xb8;
	[tilespmem:$0x1FD00] =	vst v63  }
0x24: {  	s28 =	simm.s32 $0x70  }
0x25: {  	[tilespmem:s20], [sflag:$0x3] =	stream.indirect.gather [hbm4b:s4+s16], $0x80, s28, s16, $0xb8;
	[tilespmem:$0x1FD00] =	vst v63  }
0x26: {  	s15 =	simm.s32 $0xA8  }
0x27: {  	[tilespmem:s21], [sflag:$0x4] =	stream.indirect.gather [hbm4b:s4+s16], $0x80, s15, s16, $0xb8;
	[tilespmem:$0x1FD00] =	vst v63  }
0x28: {  	_ =	swait.ge [sflag:s22], $0x1C00  }
0x29: {  	[sflag:s22] =	ssyncset.done $0x0  }
0x2a: {  	s19 =	simm.s32 $0x2880;
	[sflag:s22] =	ssyncadd.s32 $0xFFFFE400  }
0x2b: {  	[spmem:s2] =	stream.indirect.scatter.add.f32 [tilespmem:s17], [sflag:$0x5], $0x80, s19, s16, $0xb8;
	[tilespmem:$0x1FD00] =	vst v63  }
0x2c: {  	_ =	swait.ge [sflag:s12], $0x1C00  }
0x2d: {  	[sflag:s12] =	ssyncset.done $0x0  }
0x2e: {  	s26 =	simm.s32 $0xE0;
	[sflag:s12] =	ssyncadd.s32 $0xFFFFE400  }
0x2f: {  	[tilespmem:s17], [sflag:$0x1] =	stream.indirect.gather [hbm4b:s4+s16], $0x80, s26, s16, $0xb8;
	[tilespmem:$0x1FD00] =	vst v63  }
0x30: {  	_ =	swait.ge [sflag:s23], $0x1C00  }
0x31: {  	[sflag:s23] =	ssyncset.done $0x0  }
0x32: {  	s28 =	simm.s32 $0x28B8;
	[sflag:s23] =	ssyncadd.s32 $0xFFFFE400  }
0x33: {  	[spmem:s2] =	stream.indirect.scatter.add.f32 [tilespmem:s18], [sflag:$0x5], $0x80, s28, s16, $0xb8;
	[tilespmem:$0x1FD00] =	vst v63  }
0x34: {  	_ =	swait.ge [sflag:s12], $0x1C00  }
0x35: {  	[sflag:s12] =	ssyncset.done $0x0  }
0x36: {  	s15 =	simm.s32 $0x118;
	[sflag:s12] =	ssyncadd.s32 $0xFFFFE400  }
0x37: {  	[tilespmem:s18], [sflag:$0x2] =	stream.indirect.gather [hbm4b:s4+s16], $0x80, s15, s16, $0xb8;
	[tilespmem:$0x1FD00] =	vst v63  }
0x38: {  	_ =	swait.ge [sflag:s24], $0x1C00  }
0x39: {  	[sflag:s24] =	ssyncset.done $0x0  }
0x3a: {  	s19 =	simm.s32 $0x28F0;
	[sflag:s24] =	ssyncadd.s32 $0xFFFFE400  }
0x3b: {  	[spmem:s2] =	stream.indirect.scatter.add.f32 [tilespmem:s20], [sflag:$0x5], $0x80, s19, s16, $0xb8;
	[tilespmem:$0x1FD00] =	vst v63  }
0x3c: {  	_ =	swait.ge [sflag:s12], $0x1C00  }
0x3d: {  	[sflag:s12] =	ssyncset.done $0x0  }
0x3e: {  	s26 =	simm.s32 $0x150;
	[sflag:s12] =	ssyncadd.s32 $0xFFFFE400  }
0x3f: {  	[tilespmem:s20], [sflag:$0x3] =	stream.indirect.gather [hbm4b:s4+s16], $0x80, s26, s16, $0xb8;
	[tilespmem:$0x1FD00] =	vst v63  }
0x40: {  	_ =	swait.ge [sflag:s25], $0x1C00  }
0x41: {  	[sflag:s25] =	ssyncset.done $0x0  }
0x42: {  	s28 =	simm.s32 $0x2928;
	[sflag:s25] =	ssyncadd.s32 $0xFFFFE400  }
0x43: {  	[spmem:s2] =	stream.indirect.scatter.add.f32 [tilespmem:s21], [sflag:$0x5], $0x80, s28, s16, $0xb8;
	[tilespmem:$0x1FD00] =	vst v63  }
0x44: {  	_ =	swait.ge [sflag:s12], $0x1C00  }
0x45: {  	s0 =	simm.s32 $0xE0;
	s15 =	simm.s32 $0x700;
	[sflag:s12] =	ssyncset.done $0x0  }
.LBB2_2:
0x46: {  	s28 =	sadd.s32 $0xA8, s0  }
0x47: {  	[sflag:s12] =	ssyncadd.s32 $0xFFFFE400;
	s19 =	smov.u32 s15;
	s26 =	sadd.s32 $0x380, s15  }
0x48: {  	[tilespmem:s21], [sflag:$0x4] =	stream.indirect.gather [hbm4b:s4+s16], $0x80, s28, s16, $0xb8;
	[tilespmem:$0x1FD00] =	vst v63  }
0x49: {  	p0 =	sne.s32 s15, $0x9A00;
	_ =	swait.ge [sflag:s22], $0x1C00  }
0x4a: {  	[sflag:s22] =	ssyncset.done $0x0  }
0x4b: {  	s15 =	sadd.s32 $0x2880, s0;
	[sflag:s22] =	ssyncadd.s32 $0xFFFFE400  }
0x4c: {  	[spmem:s2] =	stream.indirect.scatter.add.f32 [tilespmem:s17], [sflag:$0x5], $0x80, s15, s16, $0xb8;
	[tilespmem:$0x1FD00] =	vst v63  }
0x4d: {  	_ =	swait.ge [sflag:s12], $0x1C00  }
0x4e: {  	[sflag:s12] =	ssyncset.done $0x0  }
0x4f: {  	s15 =	sadd.s32 $0xE0, s0;
	[sflag:s12] =	ssyncadd.s32 $0xFFFFE400  }
0x50: {  	[tilespmem:s17], [sflag:$0x1] =	stream.indirect.gather [hbm4b:s4+s16], $0x80, s15, s16, $0xb8;
	[tilespmem:$0x1FD00] =	vst v63  }
0x51: {  	_ =	swait.ge [sflag:s23], $0x1C00  }
0x52: {  	[sflag:s23] =	ssyncset.done $0x0  }
0x53: {  	s15 =	sadd.s32 $0x28B8, s0;
	[sflag:s23] =	ssyncadd.s32 $0xFFFFE400  }
0x54: {  	[spmem:s2] =	stream.indirect.scatter.add.f32 [tilespmem:s18], [sflag:$0x5], $0x80, s15, s16, $0xb8;
	[tilespmem:$0x1FD00] =	vst v63  }
0x55: {  	_ =	swait.ge [sflag:s12], $0x1C00  }
0x56: {  	[sflag:s12] =	ssyncset.done $0x0  }
0x57: {  	s15 =	sadd.s32 $0x118, s0;
	[sflag:s12] =	ssyncadd.s32 $0xFFFFE400  }
0x58: {  	[tilespmem:s18], [sflag:$0x2] =	stream.indirect.gather [hbm4b:s4+s16], $0x80, s15, s16, $0xb8;
	[tilespmem:$0x1FD00] =	vst v63  }
0x59: {  	_ =	swait.ge [sflag:s24], $0x1C00  }
0x5a: {  	[sflag:s24] =	ssyncset.done $0x0  }
0x5b: {  	s15 =	sadd.s32 $0x28F0, s0;
	[sflag:s24] =	ssyncadd.s32 $0xFFFFE400  }
0x5c: {  	[spmem:s2] =	stream.indirect.scatter.add.f32 [tilespmem:s20], [sflag:$0x5], $0x80, s15, s16, $0xb8;
	[tilespmem:$0x1FD00] =	vst v63  }
0x5d: {  	_ =	swait.ge [sflag:s12], $0x1C00  }
0x5e: {  	[sflag:s12] =	ssyncset.done $0x0  }
0x5f: {  	s15 =	sadd.s32 $0x150, s0;
	[sflag:s12] =	ssyncadd.s32 $0xFFFFE400  }
0x60: {  	[tilespmem:s20], [sflag:$0x3] =	stream.indirect.gather [hbm4b:s4+s16], $0x80, s15, s16, $0xb8;
	[tilespmem:$0x1FD00] =	vst v63  }
0x61: {  	_ =	swait.ge [sflag:s25], $0x1C00  }
.Ltmp0:
0x62: {  	[sflag:s25] =	ssyncset.done $0x0;
	(pc) =	sbr.rel @p0 .LBB2_2-.Ltmp0, $4  }
0x63: {  	s0 =	sadd.s32 $0x2928, s0;
	[sflag:s25] =	ssyncadd.s32 $0xFFFFE400  }
0x64: {  	[spmem:s2] =	stream.indirect.scatter.add.f32 [tilespmem:s21], [sflag:$0x5], $0x80, s0, s16, $0xb8;
	[tilespmem:$0x1FD00] =	vst v63  }
0x65: {  	_ =	swait.ge [sflag:s12], $0x1C00  }
0x66: {  	s15 =	smov.u32 s26;
	s0 =	sshra.s32 s19, $0x2;
	[sflag:s12] =	ssyncset.done $0x0  }
0x67: {  	s15 =	sadd.s32 $0xA8, s0;
	[sflag:s12] =	ssyncadd.s32 $0xFFFFE400  }
0x68: {  	[tilespmem:s21], [sflag:$0x4] =	stream.indirect.gather [hbm4b:s4+s16], $0x80, s15, s16, $0xb8;
	[tilespmem:$0x1FD00] =	vst v63  }
0x69: {  	_ =	swait.ge [sflag:s22], $0x1C00  }
0x6a: {  	[sflag:s22] =	ssyncset.done $0x0  }
0x6b: {  	s19 =	sadd.s32 $0x2880, s0;
	[sflag:s22] =	ssyncadd.s32 $0xFFFFE400  }
0x6c: {  	[spmem:s2] =	stream.indirect.scatter.add.f32 [tilespmem:s17], [sflag:$0x5], $0x80, s19, s16, $0xb8;
	[tilespmem:$0x1FD00] =	vst v63  }
0x6d: {  	_ =	swait.ge [sflag:s12], $0x1C00  }
0x6e: {  	[sflag:s12] =	ssyncset.done $0x0  }
0x6f: {  	s26 =	sadd.s32 $0xE0, s0;
	[sflag:s12] =	ssyncadd.s32 $0xFFFFE400  }
0x70: {  	[tilespmem:s17], [sflag:$0x1] =	stream.indirect.gather [hbm4b:s4+s16], $0x80, s26, s16, $0xb8;
	[tilespmem:$0x1FD00] =	vst v63  }
0x71: {  	_ =	swait.ge [sflag:s23], $0x1C00  }
0x72: {  	[sflag:s23] =	ssyncset.done $0x0  }
0x73: {  	s28 =	sadd.s32 $0x28B8, s0;
	[sflag:s23] =	ssyncadd.s32 $0xFFFFE400  }
0x74: {  	[spmem:s2] =	stream.indirect.scatter.add.f32 [tilespmem:s18], [sflag:$0x5], $0x80, s28, s16, $0xb8;
	[tilespmem:$0x1FD00] =	vst v63  }
0x75: {  	_ =	swait.ge [sflag:s12], $0x1C00  }
0x76: {  	[sflag:s12] =	ssyncset.done $0x0  }
0x77: {  	s19 =	sadd.s32 $0x118, s0;
	[sflag:s12] =	ssyncadd.s32 $0xFFFFE400  }
0x78: {  	[tilespmem:s18], [sflag:$0x2] =	stream.indirect.gather [hbm4b:s4+s16], $0x80, s19, s16, $0xb8;
	[tilespmem:$0x1FD00] =	vst v63  }
0x79: {  	_ =	swait.ge [sflag:s24], $0x1C00  }
0x7a: {  	[sflag:s24] =	ssyncset.done $0x0  }
0x7b: {  	s26 =	sadd.s32 $0x28F0, s0;
	[sflag:s24] =	ssyncadd.s32 $0xFFFFE400  }
0x7c: {  	[spmem:s2] =	stream.indirect.scatter.add.f32 [tilespmem:s20], [sflag:$0x5], $0x80, s26, s16, $0xb8;
	[tilespmem:$0x1FD00] =	vst v63  }
0x7d: {  	_ =	swait.ge [sflag:s12], $0x1C00  }
0x7e: {  	[sflag:s12] =	ssyncset.done $0x0  }
0x7f: {  	s28 =	sadd.s32 $0x150, s0;
	[sflag:s12] =	ssyncadd.s32 $0xFFFFE400  }
0x80: {  	[tilespmem:s20], [sflag:$0x3] =	stream.indirect.gather [hbm4b:s4+s16], $0x80, s28, s16, $0xb8;
	[tilespmem:$0x1FD00] =	vst v63  }
0x81: {  	_ =	swait.ge [sflag:s25], $0x1C00  }
0x82: {  	[sflag:s25] =	ssyncset.done $0x0  }
0x83: {  	s19 =	sadd.s32 $0x2928, s0;
	[sflag:s25] =	ssyncadd.s32 $0xFFFFE400  }
0x84: {  	[spmem:s2] =	stream.indirect.scatter.add.f32 [tilespmem:s21], [sflag:$0x5], $0x80, s19, s16, $0xb8;
	[tilespmem:$0x1FD00] =	vst v63  }
0x85: {  	_ =	swait.ge [sflag:s12], $0x1C00  }
0x86: {  	[sflag:s12] =	ssyncset.done $0x0  }
0x87: {  	s26 =	simm.s32 $0x2808;
	[sflag:s12] =	ssyncadd.s32 $0xFFFFE400  }
0x88: {  	[tilespmem:s21], [sflag:$0x4] =	stream.indirect.gather [hbm4b:s4+s16], $0x80, s26, s16, $0xb8;
	[tilespmem:$0x1FD00] =	vst v63  }
0x89: {  	_ =	swait.ge [sflag:s22], $0x1C00  }
0x8a: {  	[sflag:s22] =	ssyncset.done $0x0  }
0x8b: {  	s28 =	simm.s32 $0x4FE0;
	[sflag:s22] =	ssyncadd.s32 $0xFFFFE400  }
0x8c: {  	[spmem:s2] =	stream.indirect.scatter.add.f32 [tilespmem:s17], [sflag:$0x5], $0x80, s28, s16, $0xb8;
	[tilespmem:$0x1FD00] =	vst v63  }
0x8d: {  	_ =	swait.ge [sflag:s12], $0x1C00  }
0x8e: {  	[sflag:s12] =	ssyncset.done $0x0  }
0x8f: {  	[sflag:s12] =	ssyncadd.s32 $0xFFFFE400  }
0x90: {  	_ =	swait.ge [sflag:s23], $0x1C00  }
0x91: {  	[sflag:s23] =	ssyncset.done $0x0  }
0x92: {  	[sflag:s23] =	ssyncadd.s32 $0xFFFFE400  }
0x93: {  	[spmem:s2] =	stream.indirect.scatter.add.f32 [tilespmem:s18], [sflag:$0x5], $0x80, s29, s16, $0xb8;
	[tilespmem:$0x1FD00] =	vst v63  }
0x94: {  	_ =	swait.ge [sflag:s12], $0x1C00  }
0x95: {  	[sflag:s12] =	ssyncset.done $0x0  }
0x96: {  	[sflag:s12] =	ssyncadd.s32 $0xFFFFE400  }
0x97: {  	_ =	swait.ge [sflag:s24], $0x1C00  }
0x98: {  	[sflag:s24] =	ssyncset.done $0x0  }
0x99: {  	[sflag:s24] =	ssyncadd.s32 $0xFFFFE400  }
0x9a: {  	[spmem:s2] =	stream.indirect.scatter.add.f32 [tilespmem:s20], [sflag:$0x5], $0x80, s30, s16, $0xb8;
	[tilespmem:$0x1FD00] =	vst v63  }
0x9b: {  	_ =	swait.ge [sflag:s12], $0x1C00  }
0x9c: {  	[sflag:s12] =	ssyncset.done $0x0  }
0x9d: {  	[sflag:s12] =	ssyncadd.s32 $0xFFFFE400  }
0x9e: {  	_ =	swait.ge [sflag:s25], $0x1C00  }
0x9f: {  	[sflag:s25] =	ssyncset.done $0x0  }
0xa0: {  	[sflag:s25] =	ssyncadd.s32 $0xFFFFE400  }
0xa1: {  	[spmem:s2] =	stream.indirect.scatter.add.f32 [tilespmem:s21], [sflag:$0x5], $0x80, s31, s16, $0xb8;
	[tilespmem:$0x1FD00] =	vst v63  }
0xa2: {  	_ =	swait.ge [sflag:s12], $0x1C00  }
0xa3: {  	s1 =	sadd.s32 $0x1, s1;
	[sflag:s12] =	ssyncset.done $0x0  }
0xa4: {  	p0 =	sne.s32 s1, s10;
	[sflag:s12] =	ssyncadd.s32 $0xFFFFE400  }
.Ltmp1:
0xa5: {  	[bflag:$0x0] =	sbarrier.arrive $0xFFFF;
	(pc) =	sbr.rel @p0 .LBB2_1-.Ltmp1, $4  }
0xa6: {  	[hbm:s9], [sflag:s6] =	dma.local [spmem:s11], $0x2780  }
0xa7: {  	_ =	swait.ge [sflag:s12], $0x2780  }
0xa8: {  	[sflag:s12] =	ssyncset.done $0x0  }
0xa9: {  	[sflag:s12] =	ssyncadd.s32 $0xFFFFD880  }
0xaa: {  	_ =	sfence.sel $0x180000  }
0xab: {  	[bflag:$0x0] =	sbarrier.arrive $0xFFFF  }
0xac: {  	_ =	strace $0x9000004D  }
0xad: {  	s0 =	stileid.u32;
	[bflag:$0x2] =	sbarrier.arrive $0xFFFF  }
0xae: {  	p0 =	sne.s32 s0, $0x0;
	s0 =	rddreg [dreg:$0x2]  }
0xaf: {  	s0 =	sadd.s32 @!p0 $0x100000, s0  }
0xb0: {  	[sflag:s0] =	ssyncadd.tile.s32 @!p0 $0x1;
	_ =	shalt  }
.Lfunc_end2:
_tile_overlayer_lowered:
.L_overlay_start_2:
0xb1: {  	(tag) =	ssettag $0x2  }
0xb2: {  	s0 =	rddreg [dreg:$0x0];
	s2 =	stileid.u32  }
0xb3: {  	s1 =	rddreg [dreg:$0x1];
	p0 =	sne.s32 s2, $0x0  }
0xb4: {  	s3 =	rddreg [dreg:$0x2];
	[bflag:$0x3] =	sbarrier.arrive $0xFFFF;
	s2 =	simm.s32 @!p0 $0x1C05  }
0xb5: {  	[timem:s3], [sflag:s2] =	dma.local @!p0 [hbm:s0], s1  }
0xb6: {  	s0 =	simm.s32 @!p0 $0x5  }
0xb7: {  	_ =	swait.ge @!p0 [sflag:s0], s1  }
0xb8: {  	s1 =	ssub.s32 @!p0 $0x0, s1;
	[sflag:s0] =	ssyncset.done @!p0 $0x0  }
0xb9: {  	[sflag:s0] =	ssyncadd.s32 @!p0 s1  }
0xba: {  	[bflag:$0x3] =	sbarrier.arrive $0xFFFF  }
0xbb: {  	_ =	shalt  }

// kernel: kernel.18.cloned.1.call-start
scs
__scs_entry_jumppad:
0x0: {  	(pc) =	sbr.rel $0x88, $3  }
0x1: {  	(tag) =	ssettag $0x0;
	lr =	simm.s32 $0x1  }
0x2: {  	[smem:$0x3F8C] =	sst lr;
	_ =	strace $0xD0000000  }
0x3: {  	_ = 	snop  }
0x4: {  	_ = 	snop  }
0x5: {  	_ = 	snop  }
0x6: {  	_ = 	snop  }
0x7: {  	_ = 	snop  }
__scs_overlays_trampoline_lowered:
0x8: {  	[smem:$0x3F9B] =	sst s0  }
0x9: {  	[smem:$0x3F9C] =	sst s1  }
0xa: {  	[smem:$0x3F9D] =	sst s2  }
0xb: {  	[smem:$0x3F9E] =	sst s3  }
0xc: {  	[smem:$0x3F9F] =	sst s4  }
0xd: {  	[smem:$0x3FA0] =	sst s5  }
0xe: {  	[smem:$0x3FA1] =	sst s6  }
0xf: {  	[smem:$0x3FA2] =	sst s7  }
0x10: {  	[smem:$0x3FA3] =	sst s8  }
0x11: {  	[smem:$0x3FA4] =	sst s9;
	s0 =	simm.s32 @!p0 $0x0  }
0x12: {  	s1 =	sld [smem:$0x3F8A];
	s0 =	simm.s32 @p0 $0x1  }
0x13: {  	[smem:$0x3FA5] =	sst s0;
	s0 =	simm.s32 @!p1 $0x0  }
0x14: {  	s2 =	sld [smem:$0x3F89];
	s0 =	simm.s32 @p1 $0x1  }
0x15: {  	[smem:$0x3FA6] =	sst s0;
	s0 =	simm.s32 @!p2 $0x0  }
0x16: {  	s3 =	sld [smem:$0x3FDB];
	s0 =	simm.s32 @p2 $0x1  }
0x17: {  	s4 =	simm.s32 $0x1BF5;
	[smem:$0x3FA8] =	sst s0  }
0x18: {  	s0 =	sld [smem:$0x3F8B];
	_ =	swait.ge [sflag:s4], $0x0  }
0x19: {  	s7 =	sld [smem:$0x3F8C]  }
0x1a: {  	s8 =	sadd.s32 $0xFFFFE003, lr  }
0x1b: {  	s9 =	sadd.s32 $0xFFFFFEF7, lr;
	s5 =	simm.s32 $0xFFFFFFFF;
	p2 =	slt.u32 s8, $0xFFFFF086  }
0x1c: {  	p1 =	slt.u32 s9, $0xF7A;
	s5 =	simm.s32 @!p2 $0x0  }
0x1d: {  	s5 =	simm.s32 @p1 $0x1;
	p0 =	seq.s32 s7, s2  }
0x1e: {  	s7 =	smul.u32 @!p0 $0xF7A, s2;
	p2 =	seq.s32 @!p0 s5, $0x0  }
0x1f: {  	s9 =	smul.u32 $0xF7A, s1;
	s8 =	simm.s32 @!p0 $0x1BF5;
	p2 =	por !p2, p0  }
0x20: {  	[sflag:s8] =	ssyncset.s32 @!p0 $0xFFFFF086;
	s6 =	sadd.s32 @!p0 s3, s7;
	s7 =	simm.s32 @!p0 $0x108  }
0x21: {  	s3 =	sadd.s32 s3, s9;
	s6 =	sadd.s32 @!p0 $0x88, s6;
	s7 =	simm.s32 @p2 $0x1082  }
0x22: {  	[simem:s7], [sflag:s8] =	dma.local @!p0 [hbm:s6], $0xF7A  }
0x23: {  	s9 =	sor.u32 $0xD0000000, s2;
	s6 =	simm.s32 $0x108;
	_ =	swait.ge @!p0 [sflag:s8], $0x0  }
0x24: {  	s3 =	sadd.s32 $0x88, s3;
	s6 =	simm.s32 @!p1 $0x1082;
	[sflag:s4] =	ssyncset.s32 $0xFFFFF086  }
0x25: {  	[simem:s6], [sflag:s4] =	dma.local [hbm:s3], $0xF7A  }
0x26: {  	[smem:$0x3F8C] =	sst s1;
	(tag) =	ssettag s2;
	_ =	strace s9  }
0x27: {  	s1 =	sld [smem:$0x3F9C]  }
0x28: {  	s2 =	sld [smem:$0x3F9D]  }
0x29: {  	s4 =	sld [smem:$0x3F9F]  }
0x2a: {  	p0 =	seq.s32 s5, $0x0;
	s5 =	sld [smem:$0x3FA0]  }
0x2b: {  	s6 =	sld [smem:$0x3FA1]  }
0x2c: {  	s7 =	sld [smem:$0x3FA2]  }
0x2d: {  	s3 =	simm.s32 $0x108;
	s8 =	sld [smem:$0x3FA3]  }
0x2e: {  	s3 =	simm.s32 @!p0 $0x1082;
	s9 =	sld [smem:$0x3FA4]  }
0x2f: {  	lr =	sadd.s32 s0, s3;
	s0 =	sld [smem:$0x3F9B]  }
0x30: {  	s3 =	sld [smem:$0x3F9E]  }
0x31: {  	[smem:$0x3FA7] =	sst s10  }
0x32: {  	s10 =	sld [smem:$0x3FA5];
	_ =	sdelay $0x3  }
0x33: {  	p0 =	seq.s32 s10, $0x1;
	s10 =	sld [smem:$0x3FA7];
	_ =	sdelay $0x3  }
0x34: {  	[smem:$0x3FA7] =	sst s10  }
0x35: {  	s10 =	sld [smem:$0x3FA6];
	_ =	sdelay $0x3  }
0x36: {  	p1 =	seq.s32 s10, $0x1;
	s10 =	sld [smem:$0x3FA7];
	_ =	sdelay $0x3  }
0x37: {  	[smem:$0x3FA7] =	sst s10  }
0x38: {  	s10 =	sld [smem:$0x3FA8]  }
0x39: {  	_ = 	snop;
	(pc) =	sbr.ind lr, $3  }
0x3a: {  	_ = 	snop  }
0x3b: {  	_ = 	snop  }
0x3c: {  	p2 =	seq.s32 s10, $0x1;
	s10 =	sld [smem:$0x3FA7]  }
0x3d: {  	_ =	shalt  }
0x3e: {  	_ =	shalt  }
0x3f: {  	_ =	shalt  }
0x40: {  	_ =	shalt  }
0x41: {  	_ =	shalt  }
0x42: {  	_ =	shalt  }
0x43: {  	_ =	shalt  }
0x44: {  	_ =	shalt  }
0x45: {  	_ =	shalt  }
0x46: {  	_ =	shalt  }
0x47: {  	_ =	shalt  }
0x48: {  	_ =	shalt  }
0x49: {  	_ =	shalt  }
0x4a: {  	_ =	shalt  }
0x4b: {  	_ =	shalt  }
0x4c: {  	_ =	shalt  }
0x4d: {  	_ =	shalt  }
0x4e: {  	_ =	shalt  }
0x4f: {  	_ =	shalt  }
0x50: {  	_ =	shalt  }
0x51: {  	_ =	shalt  }
0x52: {  	_ =	shalt  }
0x53: {  	_ =	shalt  }
0x54: {  	_ =	shalt  }
0x55: {  	_ =	shalt  }
0x56: {  	_ =	shalt  }
0x57: {  	_ =	shalt  }
0x58: {  	_ =	shalt  }
0x59: {  	_ =	shalt  }
0x5a: {  	_ =	shalt  }
0x5b: {  	_ =	shalt  }
0x5c: {  	_ =	shalt  }
0x5d: {  	_ =	shalt  }
0x5e: {  	_ =	shalt  }
0x5f: {  	_ =	shalt  }
0x60: {  	_ =	shalt  }
0x61: {  	_ =	shalt  }
0x62: {  	_ =	shalt  }
0x63: {  	_ =	shalt  }
0x64: {  	_ =	shalt  }
0x65: {  	_ =	shalt  }
0x66: {  	_ =	shalt  }
0x67: {  	_ =	shalt  }
0x68: {  	_ =	shalt  }
0x69: {  	_ =	shalt  }
0x6a: {  	_ =	shalt  }
0x6b: {  	_ =	shalt  }
0x6c: {  	_ =	shalt  }
0x6d: {  	_ =	shalt  }
0x6e: {  	_ =	shalt  }
0x6f: {  	_ =	shalt  }
0x70: {  	_ =	shalt  }
0x71: {  	_ =	shalt  }
0x72: {  	_ =	shalt  }
0x73: {  	_ =	shalt  }
0x74: {  	_ =	shalt  }
0x75: {  	_ =	shalt  }
0x76: {  	_ =	shalt  }
0x77: {  	_ =	shalt  }
0x78: {  	_ =	shalt  }
0x79: {  	_ =	shalt  }
0x7a: {  	_ =	shalt  }
0x7b: {  	_ =	shalt  }
0x7c: {  	_ =	shalt  }
0x7d: {  	_ =	shalt  }
0x7e: {  	_ =	shalt  }
0x7f: {  	_ =	shalt  }
0x80: {  	_ =	shalt  }
0x81: {  	_ =	shalt  }
0x82: {  	_ =	shalt  }
0x83: {  	_ =	shalt  }
0x84: {  	_ =	shalt  }
0x85: {  	_ =	shalt  }
0x86: {  	_ =	shalt  }
0x87: {  	_ =	shalt  }
.Lfunc_end0:
.L_simem_size_0:
called_computation.3_lowered:
.L_overlay_start_0:
0x88: {  	s2 =	sld [smem:$0x3FD9]  }
0x89: {  	s3 =	sld [smem:$0x3FFE];
	_ =	sdelay $0x1  }
0x8a: {  	s1 =	srdreg.scid  }
0x8b: {  	s0 =	sand.u32 $0x1, s1  }
0x8c: {  	s16 =	sshll.u32 s0, $0xA;
	s2 =	sadd.s32 s3, s2  }
0x8d: {  	s2 =	sadd.s32 s2, s16  }
0x8e: {  	[smem:$0x3FB3] =	sst s2  }
0x8f: {  	_ = 	snop  }
0x90: {  	(tm) =	ssettm $0x1  }
0x91: {  	s17 =	sld [smem:$0x3FFB];
	_ =	sdelay $0x3  }
0x92: {  	_ =	strace s17  }
0x93: {  	s2 =	sld [smem:$0x3FFC];
	_ =	sdelay $0x3  }
0x94: {  	_ =	strace s2  }
0x95: {  	s2 =	sld [smem:$0x3FFD];
	_ =	sdelay $0x3  }
0x96: {  	_ =	strace s2  }
0x97: {  	_ =	strace $0x8FFFFFFF  }
0x98: {  	s18 =	sld [smem:$0x3FDB];
	_ =	sdelay $0x1  }
0x99: {  	s19 =	simm.s32 $_scs_section_size  }
0x9a: {  	s4 =	simm.s32 $_size__tile_overlayer_lowered;
	s5 =	simm.s32 $_tile_overlayer_lowered  }
0x9b: {  	s22 =	simm.s32 $0x1BFF;
	s21 =	sshll.u32 s5, $0x1;
	s2 =	sadd.s32 s19, s18  }
0x9c: {  	s6 =	simm.s32 $0x0;
	s20 =	sshll.u32 s4, $0x1;
	s4 =	sadd.s32 s21, s2  }
0x9d: {  	[timem:s6], [sflag:s22] =	dma.local [hbm:s4], s20  }
0x9e: {  	_ =	swait.ge [sflag:s22], s20  }
0x9f: {  	s3 =	ssub.s32 $0x0, s20;
	[sflag:s22] =	ssyncset.done $0x0  }
0xa0: {  	[sflag:s22] =	ssyncadd.s32 s3;
	_ =	sdelay $0x1  }
0xa1: {  	s23 =	simm.s32 $0x1B8B  }
0xa2: {  	_ =	swait.ge [sflag:s23], $0x1  }
0xa3: {  	[sflag:s23] =	ssyncset.done $0x0  }
0xa4: {  	s25 =	simm.s32 $0x1B8E;
	s24 =	sld [smem:$0x3FFE];
	[sflag:s23] =	ssyncadd.s32 $0xFFFFFFFF  }
0xa5: {  	s26 =	simm.s32 $execute0_lowered;
	[smem:$0x3FD2] =	sst s25  }
0xa6: {  	s4 =	sshll.u32 s26, $0x1;
	_ =	strace $0x8000004F;
	[dreg:$0x1] =	wrdreg $0xFFFFFFFF  }
0xa7: {  	s28 =	simm.s32 $_size_execute0_lowered;
	s2 =	sadd.s32 s2, s4;
	[dreg:$0x0] =	wrdreg $0x0  }
0xa8: {  	s4 =	sshll.u32 s28, $0x1;
	[dreg:$0x2] =	wrdreg s2  }
0xa9: {  	[dreg:$0x3] =	wrdreg s4  }
0xaa: {  	[dreg:$0x4] =	wrdreg $0xC0  }
0xab: {  	_ =	task [dreg:s6], $0x5FFFF  }
0xac: {  	[dreg:$0x1] =	wrdreg $0xFFFFFFFF  }
0xad: {  	[dreg:$0x0] =	wrdreg $0x60  }
0xae: {  	[dreg:$0x2] =	wrdreg s24  }
0xaf: {  	[dreg:$0x3] =	wrdreg $0xC1000  }
0xb0: {  	[dreg:$0x4] =	wrdreg $0x9  }
0xb1: {  	_ =	task.clear_ibuf [dreg:s6], $0x5FFFF;
	_ =	strace $0x9000004F  }
0xb2: {  	s29 =	simm.s32 $0x9;
	_ =	strace $0x80000051  }
0xb3: {  	_ =	swait.ge [sflag:s29], $0x1  }
0xb4: {  	[sflag:s29] =	ssyncadd.s32 $0xFFFFFFFF  }
0xb5: {  	_ =	strace $0x90000051  }
0xb6: {  	_ =	sfence  }
0xb7: {  	s30 =	sld [smem:$0x0];
	_ =	sdelay $0x2  }
0xb8: {  	s31 =	sshll.u32 s1, $0xD;
	s1 =	sshrl.u32 s1, $0x2  }
0xb9: {  	s3 =	sand.u32 $0x4000, s31;
	s1 =	sadd.s32 s1, s30  }
0xba: {  	s0 =	sor.u32 s3, s0;
	s1 =	sshll.u32 s1, $0x11  }
0xbb: {  	s0 =	sor.u32 s1, s0  }
0xbc: {  	s0 =	sadd.s32 $0x8F2B, s0  }
0xbd: {  	[sflag:s0] =	ssyncadd.remote.s32 $0x1  }
0xbe: {  	_ =	sfence.sel $0xFFFF  }
0xbf: {  	[dreg:$0x0] =	wrdreg $0xFFFFFFFF;
	(pc) =	sbr.abs _section_cstart, $3  }
0xc0: {  	[dreg:$0x1] =	wrdreg $0xFFFFFFFF  }
0xc1: {  	_ =	task.clear_ibuf [dreg:s6], $0x2FFFF;
	_ =	strace $0x9FFFFFFF  }
0xc2: {  	(tm) =	ssettm $0x7FFFFFFF  }
0xc3: {  	_ =	shalt  }
tec
execute0_lowered:
.L_overlay_start_1:
0x0: {  	(tag) =	ssettag $0x1  }
0x1: {  	s0 =	srdreg.scid;
	s5 =	rddreg [dreg:$0x0]  }
0x2: {  	s10 =	stileid.u32;
	s2 =	rddreg [dreg:$0x1]  }
0x3: {  	s12 =	simm.s32 $0x5;
	s13 =	simm.s32 $0x80;
	s14 =	simm.s32 $0x400  }
0x4: {  	s16 =	simm.s32 $0x38;
	s17 =	simm.s32 $0x5100;
	s18 =	simm.s32 $0x6D00  }
0x5: {  	s20 =	simm.s32 $0x8900;
	s21 =	simm.s32 $0xA500;
	s22 =	simm.s32 $0x1  }
0x6: {  	s23 =	simm.s32 $0x2;
	s29 =	simm.s32 $0x5018;
	s30 =	simm.s32 $0x5050  }
0x7: {  	s31 =	simm.s32 $0x5088;
	s0 =	sand.u32 $0x1, s0;
	s6 =	smul.u32 $0x13C00, s10  }
0x8: {  	s3 =	sshll.u32 s10, $0x7;
	s24 =	smul.u32 $0x4F000, s10;
	s28 =	sshll.u32 s10, $0x6  }
0x9: {  	s1 =	sshll.u32 s0, $0x4;
	s4 =	sand.u32 $0x380, s3;
	s3 =	simm.s32 $0x0  }
0xa: {  	s7 =	smul.u32 $0x13C000, s0;
	s0 =	ssub.s32 $0x2, s0;
	s1 =	sor.u32 s10, s1  }
0xb: {  	[smem:$0x7FF] =	sst s3;
	s8 =	sshrl.u32 s6, $0x3;
	s25 =	sshrl.u32 s0, $0x1  }
0xc: {  	s26 =	sshrl.u32 s24, $0x2;
	s24 =	simm.s32 $0x3;
	s1 =	sshrl.u32 s1, $0x3  }
0xd: {  	_ =	strace $0x80000050;
	s6 =	sadd.s32 s6, s7;
	s8 =	sadd.s32 s8, s5  }
0xe: {  	s0 =	ssub.s32 s0, s25;
	s11 =	sadd.s32 s26, s2;
	s1 =	smul.u32 $0x14400, s1  }
0xf: {  	s25 =	simm.s32 $0x4;
	s6 =	sshrl.u32 s6, $0x3;
	s10 =	smax.u32 s0, $0x1  }
0x10: {  	s11 =	sshrl.u32 s11, $0x3;
	s9 =	sadd.s32 s6, s5;
	s1 =	sor.u32 s4, s1  }
0x11: {  	s6 =	sor.u32 $0x1C05, s28;
	s4 =	sadd.s32 $0x40400, s5;
	s1 =	sshrl.u32 s1, $0x3  }
0x12: {  	s9 =	sadd.s32 $0x67600, s9;
	s1 =	sadd.s32 s1, s5;
	s5 =	sadd.s32 $0x18C00, s8  }
0x13: {  	s7 =	sadd.s32 $0xEA00, s1;
	s8 =	sadd.s32 $0x4800, s1;
	s1 =	simm.s32 $0x0  }
.LBB2_1:
0x14: {  	[spmem:s11], [sflag:s6] =	dma.local [hbm:s5], $0x2780  }
0x15: {  	_ =	swait.ge [sflag:s12], $0x2780  }
0x16: {  	[sflag:s12] =	ssyncset.done $0x0  }
0x17: {  	[sflag:s12] =	ssyncadd.s32 $0xFFFFD880  }
0x18: {  	[tilespmem:s3], [sflag:$0x5] =	stream.strided.gather [hbm4b:s7+s13], $0x2880, s14, s13, $0x38;
	[tilespmem:$0x1FD00] =	vst v63  }
0x19: {  	_ =	swait.ge [sflag:s12], $0x2880  }
0x1a: {  	[sflag:s12] =	ssyncset.done $0x0  }
0x1b: {  	s0 =	simm.s32 $0x2880;
	[sflag:s12] =	ssyncadd.s32 $0xFFFFD780  }
0x1c: {  	[tilespmem:s0], [sflag:$0x5] =	stream.strided.gather [hbm4b:s8+s13], $0x2880, s14, s13, $0x38;
	[tilespmem:$0x1FD00] =	vst v63  }
0x1d: {  	_ =	swait.ge [sflag:s12], $0x2880  }
0x1e: {  	[sflag:s12] =	ssyncset.done $0x0  }
0x1f: {  	[sflag:s12] =	ssyncadd.s32 $0xFFFFD780  }
0x20: {  	[bflag:$0x0] =	sbarrier.arrive $0xFFFF  }
0x21: {  	[tilespmem:s17], [sflag:$0x1] =	stream.indirect.gather [hbm4b:s4+s16], $0x80, s3, s16, $0xb8;
	[tilespmem:$0x1FD00] =	vst v63  }
0x22: {  	_ = 	snop  }
0x23: {  	[tilespmem:s18], [sflag:$0x2] =	stream.indirect.gather [hbm4b:s4+s16], $0x80, s16, s16, $0xb8;
	[tilespmem:$0x1FD00] =	vst v63  }
0x24: {  	s28 =	simm.s32 $0x70  }
0x25: {  	[tilespmem:s20], [sflag:$0x3] =	stream.indirect.gather [hbm4b:s4+s16], $0x80, s28, s16, $0xb8;
	[tilespmem:$0x1FD00] =	vst v63  }
0x26: {  	s15 =	simm.s32 $0xA8  }
0x27: {  	[tilespmem:s21], [sflag:$0x4] =	stream.indirect.gather [hbm4b:s4+s16], $0x80, s15, s16, $0xb8;
	[tilespmem:$0x1FD00] =	vst v63  }
0x28: {  	_ =	swait.ge [sflag:s22], $0x1C00  }
0x29: {  	[sflag:s22] =	ssyncset.done $0x0  }
0x2a: {  	s19 =	simm.s32 $0x2880;
	[sflag:s22] =	ssyncadd.s32 $0xFFFFE400  }
0x2b: {  	[spmem:s2] =	stream.indirect.scatter.add.f32 [tilespmem:s17], [sflag:$0x5], $0x80, s19, s16, $0xb8;
	[tilespmem:$0x1FD00] =	vst v63  }
0x2c: {  	_ =	swait.ge [sflag:s12], $0x1C00  }
0x2d: {  	[sflag:s12] =	ssyncset.done $0x0  }
0x2e: {  	s26 =	simm.s32 $0xE0;
	[sflag:s12] =	ssyncadd.s32 $0xFFFFE400  }
0x2f: {  	[tilespmem:s17], [sflag:$0x1] =	stream.indirect.gather [hbm4b:s4+s16], $0x80, s26, s16, $0xb8;
	[tilespmem:$0x1FD00] =	vst v63  }
0x30: {  	_ =	swait.ge [sflag:s23], $0x1C00  }
0x31: {  	[sflag:s23] =	ssyncset.done $0x0  }
0x32: {  	s28 =	simm.s32 $0x28B8;
	[sflag:s23] =	ssyncadd.s32 $0xFFFFE400  }
0x33: {  	[spmem:s2] =	stream.indirect.scatter.add.f32 [tilespmem:s18], [sflag:$0x5], $0x80, s28, s16, $0xb8;
	[tilespmem:$0x1FD00] =	vst v63  }
0x34: {  	_ =	swait.ge [sflag:s12], $0x1C00  }
0x35: {  	[sflag:s12] =	ssyncset.done $0x0  }
0x36: {  	s15 =	simm.s32 $0x118;
	[sflag:s12] =	ssyncadd.s32 $0xFFFFE400  }
0x37: {  	[tilespmem:s18], [sflag:$0x2] =	stream.indirect.gather [hbm4b:s4+s16], $0x80, s15, s16, $0xb8;
	[tilespmem:$0x1FD00] =	vst v63  }
0x38: {  	_ =	swait.ge [sflag:s24], $0x1C00  }
0x39: {  	[sflag:s24] =	ssyncset.done $0x0  }
0x3a: {  	s19 =	simm.s32 $0x28F0;
	[sflag:s24] =	ssyncadd.s32 $0xFFFFE400  }
0x3b: {  	[spmem:s2] =	stream.indirect.scatter.add.f32 [tilespmem:s20], [sflag:$0x5], $0x80, s19, s16, $0xb8;
	[tilespmem:$0x1FD00] =	vst v63  }
0x3c: {  	_ =	swait.ge [sflag:s12], $0x1C00  }
0x3d: {  	[sflag:s12] =	ssyncset.done $0x0  }
0x3e: {  	s26 =	simm.s32 $0x150;
	[sflag:s12] =	ssyncadd.s32 $0xFFFFE400  }
0x3f: {  	[tilespmem:s20], [sflag:$0x3] =	stream.indirect.gather [hbm4b:s4+s16], $0x80, s26, s16, $0xb8;
	[tilespmem:$0x1FD00] =	vst v63  }
0x40: {  	_ =	swait.ge [sflag:s25], $0x1C00  }
0x41: {  	[sflag:s25] =	ssyncset.done $0x0  }
0x42: {  	s28 =	simm.s32 $0x2928;
	[sflag:s25] =	ssyncadd.s32 $0xFFFFE400  }
0x43: {  	[spmem:s2] =	stream.indirect.scatter.add.f32 [tilespmem:s21], [sflag:$0x5], $0x80, s28, s16, $0xb8;
	[tilespmem:$0x1FD00] =	vst v63  }
0x44: {  	_ =	swait.ge [sflag:s12], $0x1C00  }
0x45: {  	s0 =	simm.s32 $0xE0;
	s15 =	simm.s32 $0x700;
	[sflag:s12] =	ssyncset.done $0x0  }
.LBB2_2:
0x46: {  	s28 =	sadd.s32 $0xA8, s0  }
0x47: {  	[sflag:s12] =	ssyncadd.s32 $0xFFFFE400;
	s19 =	smov.u32 s15;
	s26 =	sadd.s32 $0x380, s15  }
0x48: {  	[tilespmem:s21], [sflag:$0x4] =	stream.indirect.gather [hbm4b:s4+s16], $0x80, s28, s16, $0xb8;
	[tilespmem:$0x1FD00] =	vst v63  }
0x49: {  	p0 =	sne.s32 s15, $0x9A00;
	_ =	swait.ge [sflag:s22], $0x1C00  }
0x4a: {  	[sflag:s22] =	ssyncset.done $0x0  }
0x4b: {  	s15 =	sadd.s32 $0x2880, s0;
	[sflag:s22] =	ssyncadd.s32 $0xFFFFE400  }
0x4c: {  	[spmem:s2] =	stream.indirect.scatter.add.f32 [tilespmem:s17], [sflag:$0x5], $0x80, s15, s16, $0xb8;
	[tilespmem:$0x1FD00] =	vst v63  }
0x4d: {  	_ =	swait.ge [sflag:s12], $0x1C00  }
0x4e: {  	[sflag:s12] =	ssyncset.done $0x0  }
0x4f: {  	s15 =	sadd.s32 $0xE0, s0;
	[sflag:s12] =	ssyncadd.s32 $0xFFFFE400  }
0x50: {  	[tilespmem:s17], [sflag:$0x1] =	stream.indirect.gather [hbm4b:s4+s16], $0x80, s15, s16, $0xb8;
	[tilespmem:$0x1FD00] =	vst v63  }
0x51: {  	_ =	swait.ge [sflag:s23], $0x1C00  }
0x52: {  	[sflag:s23] =	ssyncset.done $0x0  }
0x53: {  	s15 =	sadd.s32 $0x28B8, s0;
	[sflag:s23] =	ssyncadd.s32 $0xFFFFE400  }
0x54: {  	[spmem:s2] =	stream.indirect.scatter.add.f32 [tilespmem:s18], [sflag:$0x5], $0x80, s15, s16, $0xb8;
	[tilespmem:$0x1FD00] =	vst v63  }
0x55: {  	_ =	swait.ge [sflag:s12], $0x1C00  }
0x56: {  	[sflag:s12] =	ssyncset.done $0x0  }
0x57: {  	s15 =	sadd.s32 $0x118, s0;
	[sflag:s12] =	ssyncadd.s32 $0xFFFFE400  }
0x58: {  	[tilespmem:s18], [sflag:$0x2] =	stream.indirect.gather [hbm4b:s4+s16], $0x80, s15, s16, $0xb8;
	[tilespmem:$0x1FD00] =	vst v63  }
0x59: {  	_ =	swait.ge [sflag:s24], $0x1C00  }
0x5a: {  	[sflag:s24] =	ssyncset.done $0x0  }
0x5b: {  	s15 =	sadd.s32 $0x28F0, s0;
	[sflag:s24] =	ssyncadd.s32 $0xFFFFE400  }
0x5c: {  	[spmem:s2] =	stream.indirect.scatter.add.f32 [tilespmem:s20], [sflag:$0x5], $0x80, s15, s16, $0xb8;
	[tilespmem:$0x1FD00] =	vst v63  }
0x5d: {  	_ =	swait.ge [sflag:s12], $0x1C00  }
0x5e: {  	[sflag:s12] =	ssyncset.done $0x0  }
0x5f: {  	s15 =	sadd.s32 $0x150, s0;
	[sflag:s12] =	ssyncadd.s32 $0xFFFFE400  }
0x60: {  	[tilespmem:s20], [sflag:$0x3] =	stream.indirect.gather [hbm4b:s4+s16], $0x80, s15, s16, $0xb8;
	[tilespmem:$0x1FD00] =	vst v63  }
0x61: {  	_ =	swait.ge [sflag:s25], $0x1C00  }
.Ltmp0:
0x62: {  	[sflag:s25] =	ssyncset.done $0x0;
	(pc) =	sbr.rel @p0 .LBB2_2-.Ltmp0, $4  }
0x63: {  	s0 =	sadd.s32 $0x2928, s0;
	[sflag:s25] =	ssyncadd.s32 $0xFFFFE400  }
0x64: {  	[spmem:s2] =	stream.indirect.scatter.add.f32 [tilespmem:s21], [sflag:$0x5], $0x80, s0, s16, $0xb8;
	[tilespmem:$0x1FD00] =	vst v63  }
0x65: {  	_ =	swait.ge [sflag:s12], $0x1C00  }
0x66: {  	s15 =	smov.u32 s26;
	s0 =	sshra.s32 s19, $0x2;
	[sflag:s12] =	ssyncset.done $0x0  }
0x67: {  	s15 =	sadd.s32 $0xA8, s0;
	[sflag:s12] =	ssyncadd.s32 $0xFFFFE400  }
0x68: {  	[tilespmem:s21], [sflag:$0x4] =	stream.indirect.gather [hbm4b:s4+s16], $0x80, s15, s16, $0xb8;
	[tilespmem:$0x1FD00] =	vst v63  }
0x69: {  	_ =	swait.ge [sflag:s22], $0x1C00  }
0x6a: {  	[sflag:s22] =	ssyncset.done $0x0  }
0x6b: {  	s19 =	sadd.s32 $0x2880, s0;
	[sflag:s22] =	ssyncadd.s32 $0xFFFFE400  }
0x6c: {  	[spmem:s2] =	stream.indirect.scatter.add.f32 [tilespmem:s17], [sflag:$0x5], $0x80, s19, s16, $0xb8;
	[tilespmem:$0x1FD00] =	vst v63  }
0x6d: {  	_ =	swait.ge [sflag:s12], $0x1C00  }
0x6e: {  	[sflag:s12] =	ssyncset.done $0x0  }
0x6f: {  	s26 =	sadd.s32 $0xE0, s0;
	[sflag:s12] =	ssyncadd.s32 $0xFFFFE400  }
0x70: {  	[tilespmem:s17], [sflag:$0x1] =	stream.indirect.gather [hbm4b:s4+s16], $0x80, s26, s16, $0xb8;
	[tilespmem:$0x1FD00] =	vst v63  }
0x71: {  	_ =	swait.ge [sflag:s23], $0x1C00  }
0x72: {  	[sflag:s23] =	ssyncset.done $0x0  }
0x73: {  	s28 =	sadd.s32 $0x28B8, s0;
	[sflag:s23] =	ssyncadd.s32 $0xFFFFE400  }
0x74: {  	[spmem:s2] =	stream.indirect.scatter.add.f32 [tilespmem:s18], [sflag:$0x5], $0x80, s28, s16, $0xb8;
	[tilespmem:$0x1FD00] =	vst v63  }
0x75: {  	_ =	swait.ge [sflag:s12], $0x1C00  }
0x76: {  	[sflag:s12] =	ssyncset.done $0x0  }
0x77: {  	s19 =	sadd.s32 $0x118, s0;
	[sflag:s12] =	ssyncadd.s32 $0xFFFFE400  }
0x78: {  	[tilespmem:s18], [sflag:$0x2] =	stream.indirect.gather [hbm4b:s4+s16], $0x80, s19, s16, $0xb8;
	[tilespmem:$0x1FD00] =	vst v63  }
0x79: {  	_ =	swait.ge [sflag:s24], $0x1C00  }
0x7a: {  	[sflag:s24] =	ssyncset.done $0x0  }
0x7b: {  	s26 =	sadd.s32 $0x28F0, s0;
	[sflag:s24] =	ssyncadd.s32 $0xFFFFE400  }
0x7c: {  	[spmem:s2] =	stream.indirect.scatter.add.f32 [tilespmem:s20], [sflag:$0x5], $0x80, s26, s16, $0xb8;
	[tilespmem:$0x1FD00] =	vst v63  }
0x7d: {  	_ =	swait.ge [sflag:s12], $0x1C00  }
0x7e: {  	[sflag:s12] =	ssyncset.done $0x0  }
0x7f: {  	s28 =	sadd.s32 $0x150, s0;
	[sflag:s12] =	ssyncadd.s32 $0xFFFFE400  }
0x80: {  	[tilespmem:s20], [sflag:$0x3] =	stream.indirect.gather [hbm4b:s4+s16], $0x80, s28, s16, $0xb8;
	[tilespmem:$0x1FD00] =	vst v63  }
0x81: {  	_ =	swait.ge [sflag:s25], $0x1C00  }
0x82: {  	[sflag:s25] =	ssyncset.done $0x0  }
0x83: {  	s19 =	sadd.s32 $0x2928, s0;
	[sflag:s25] =	ssyncadd.s32 $0xFFFFE400  }
0x84: {  	[spmem:s2] =	stream.indirect.scatter.add.f32 [tilespmem:s21], [sflag:$0x5], $0x80, s19, s16, $0xb8;
	[tilespmem:$0x1FD00] =	vst v63  }
0x85: {  	_ =	swait.ge [sflag:s12], $0x1C00  }
0x86: {  	[sflag:s12] =	ssyncset.done $0x0  }
0x87: {  	s26 =	simm.s32 $0x2808;
	[sflag:s12] =	ssyncadd.s32 $0xFFFFE400  }
0x88: {  	[tilespmem:s21], [sflag:$0x4] =	stream.indirect.gather [hbm4b:s4+s16], $0x80, s26, s16, $0xb8;
	[tilespmem:$0x1FD00] =	vst v63  }
0x89: {  	_ =	swait.ge [sflag:s22], $0x1C00  }
0x8a: {  	[sflag:s22] =	ssyncset.done $0x0  }
0x8b: {  	s28 =	simm.s32 $0x4FE0;
	[sflag:s22] =	ssyncadd.s32 $0xFFFFE400  }
0x8c: {  	[spmem:s2] =	stream.indirect.scatter.add.f32 [tilespmem:s17], [sflag:$0x5], $0x80, s28, s16, $0xb8;
	[tilespmem:$0x1FD00] =	vst v63  }
0x8d: {  	_ =	swait.ge [sflag:s12], $0x1C00  }
0x8e: {  	[sflag:s12] =	ssyncset.done $0x0  }
0x8f: {  	[sflag:s12] =	ssyncadd.s32 $0xFFFFE400  }
0x90: {  	_ =	swait.ge [sflag:s23], $0x1C00  }
0x91: {  	[sflag:s23] =	ssyncset.done $0x0  }
0x92: {  	[sflag:s23] =	ssyncadd.s32 $0xFFFFE400  }
0x93: {  	[spmem:s2] =	stream.indirect.scatter.add.f32 [tilespmem:s18], [sflag:$0x5], $0x80, s29, s16, $0xb8;
	[tilespmem:$0x1FD00] =	vst v63  }
0x94: {  	_ =	swait.ge [sflag:s12], $0x1C00  }
0x95: {  	[sflag:s12] =	ssyncset.done $0x0  }
0x96: {  	[sflag:s12] =	ssyncadd.s32 $0xFFFFE400  }
0x97: {  	_ =	swait.ge [sflag:s24], $0x1C00  }
0x98: {  	[sflag:s24] =	ssyncset.done $0x0  }
0x99: {  	[sflag:s24] =	ssyncadd.s32 $0xFFFFE400  }
0x9a: {  	[spmem:s2] =	stream.indirect.scatter.add.f32 [tilespmem:s20], [sflag:$0x5], $0x80, s30, s16, $0xb8;
	[tilespmem:$0x1FD00] =	vst v63  }
0x9b: {  	_ =	swait.ge [sflag:s12], $0x1C00  }
0x9c: {  	[sflag:s12] =	ssyncset.done $0x0  }
0x9d: {  	[sflag:s12] =	ssyncadd.s32 $0xFFFFE400  }
0x9e: {  	_ =	swait.ge [sflag:s25], $0x1C00  }
0x9f: {  	[sflag:s25] =	ssyncset.done $0x0  }
0xa0: {  	[sflag:s25] =	ssyncadd.s32 $0xFFFFE400  }
0xa1: {  	[spmem:s2] =	stream.indirect.scatter.add.f32 [tilespmem:s21], [sflag:$0x5], $0x80, s31, s16, $0xb8;
	[tilespmem:$0x1FD00] =	vst v63  }
0xa2: {  	_ =	swait.ge [sflag:s12], $0x1C00  }
0xa3: {  	s1 =	sadd.s32 $0x1, s1;
	[sflag:s12] =	ssyncset.done $0x0  }
0xa4: {  	p0 =	sne.s32 s1, s10;
	[sflag:s12] =	ssyncadd.s32 $0xFFFFE400  }
.Ltmp1:
0xa5: {  	[bflag:$0x0] =	sbarrier.arrive $0xFFFF;
	(pc) =	sbr.rel @p0 .LBB2_1-.Ltmp1, $4  }
0xa6: {  	[hbm:s9], [sflag:s6] =	dma.local [spmem:s11], $0x2780  }
0xa7: {  	_ =	swait.ge [sflag:s12], $0x2780  }
0xa8: {  	[sflag:s12] =	ssyncset.done $0x0  }
0xa9: {  	[sflag:s12] =	ssyncadd.s32 $0xFFFFD880  }
0xaa: {  	_ =	sfence.sel $0x180000  }
0xab: {  	[bflag:$0x0] =	sbarrier.arrive $0xFFFF  }
0xac: {  	_ =	strace $0x90000050  }
0xad: {  	s0 =	stileid.u32;
	[bflag:$0x2] =	sbarrier.arrive $0xFFFF  }
0xae: {  	p0 =	sne.s32 s0, $0x0;
	s0 =	rddreg [dreg:$0x2]  }
0xaf: {  	s0 =	sadd.s32 @!p0 $0x100000, s0  }
0xb0: {  	[sflag:s0] =	ssyncadd.tile.s32 @!p0 $0x1;
	_ =	shalt  }
.Lfunc_end2:
_tile_overlayer_lowered:
.L_overlay_start_2:
0xb1: {  	(tag) =	ssettag $0x2  }
0xb2: {  	s0 =	rddreg [dreg:$0x0];
	s2 =	stileid.u32  }
0xb3: {  	s1 =	rddreg [dreg:$0x1];
	p0 =	sne.s32 s2, $0x0  }
0xb4: {  	s3 =	rddreg [dreg:$0x2];
	[bflag:$0x3] =	sbarrier.arrive $0xFFFF;
	s2 =	simm.s32 @!p0 $0x1C05  }
0xb5: {  	[timem:s3], [sflag:s2] =	dma.local @!p0 [hbm:s0], s1  }
0xb6: {  	s0 =	simm.s32 @!p0 $0x5  }
0xb7: {  	_ =	swait.ge @!p0 [sflag:s0], s1  }
0xb8: {  	s1 =	ssub.s32 @!p0 $0x0, s1;
	[sflag:s0] =	ssyncset.done @!p0 $0x0  }
0xb9: {  	[sflag:s0] =	ssyncadd.s32 @!p0 s1  }
0xba: {  	[bflag:$0x3] =	sbarrier.arrive $0xFFFF  }
0xbb: {  	_ =	shalt  }

// kernel: kernel.9.cloned.1.call-start
scs
__scs_entry_jumppad:
0x0: {  	(pc) =	sbr.rel $0x88, $3  }
0x1: {  	(tag) =	ssettag $0x0;
	lr =	simm.s32 $0x1  }
0x2: {  	[smem:$0x3F8C] =	sst lr;
	_ =	strace $0xD0000000  }
0x3: {  	_ = 	snop  }
0x4: {  	_ = 	snop  }
0x5: {  	_ = 	snop  }
0x6: {  	_ = 	snop  }
0x7: {  	_ = 	snop  }
__scs_overlays_trampoline_lowered:
0x8: {  	[smem:$0x3F9B] =	sst s0  }
0x9: {  	[smem:$0x3F9C] =	sst s1  }
0xa: {  	[smem:$0x3F9D] =	sst s2  }
0xb: {  	[smem:$0x3F9E] =	sst s3  }
0xc: {  	[smem:$0x3F9F] =	sst s4  }
0xd: {  	[smem:$0x3FA0] =	sst s5  }
0xe: {  	[smem:$0x3FA1] =	sst s6  }
0xf: {  	[smem:$0x3FA2] =	sst s7  }
0x10: {  	[smem:$0x3FA3] =	sst s8  }
0x11: {  	[smem:$0x3FA4] =	sst s9;
	s0 =	simm.s32 @!p0 $0x0  }
0x12: {  	s1 =	sld [smem:$0x3F8A];
	s0 =	simm.s32 @p0 $0x1  }
0x13: {  	[smem:$0x3FA5] =	sst s0;
	s0 =	simm.s32 @!p1 $0x0  }
0x14: {  	s2 =	sld [smem:$0x3F89];
	s0 =	simm.s32 @p1 $0x1  }
0x15: {  	[smem:$0x3FA6] =	sst s0;
	s0 =	simm.s32 @!p2 $0x0  }
0x16: {  	s3 =	sld [smem:$0x3FDB];
	s0 =	simm.s32 @p2 $0x1  }
0x17: {  	s4 =	simm.s32 $0x1BF5;
	[smem:$0x3FA8] =	sst s0  }
0x18: {  	s0 =	sld [smem:$0x3F8B];
	_ =	swait.ge [sflag:s4], $0x0  }
0x19: {  	s7 =	sld [smem:$0x3F8C]  }
0x1a: {  	s8 =	sadd.s32 $0xFFFFE003, lr  }
0x1b: {  	s9 =	sadd.s32 $0xFFFFFEF7, lr;
	s5 =	simm.s32 $0xFFFFFFFF;
	p2 =	slt.u32 s8, $0xFFFFF086  }
0x1c: {  	p1 =	slt.u32 s9, $0xF7A;
	s5 =	simm.s32 @!p2 $0x0  }
0x1d: {  	s5 =	simm.s32 @p1 $0x1;
	p0 =	seq.s32 s7, s2  }
0x1e: {  	s7 =	smul.u32 @!p0 $0xF7A, s2;
	p2 =	seq.s32 @!p0 s5, $0x0  }
0x1f: {  	s9 =	smul.u32 $0xF7A, s1;
	s8 =	simm.s32 @!p0 $0x1BF5;
	p2 =	por !p2, p0  }
0x20: {  	[sflag:s8] =	ssyncset.s32 @!p0 $0xFFFFF086;
	s6 =	sadd.s32 @!p0 s3, s7;
	s7 =	simm.s32 @!p0 $0x108  }
0x21: {  	s3 =	sadd.s32 s3, s9;
	s6 =	sadd.s32 @!p0 $0x88, s6;
	s7 =	simm.s32 @p2 $0x1082  }
0x22: {  	[simem:s7], [sflag:s8] =	dma.local @!p0 [hbm:s6], $0xF7A  }
0x23: {  	s9 =	sor.u32 $0xD0000000, s2;
	s6 =	simm.s32 $0x108;
	_ =	swait.ge @!p0 [sflag:s8], $0x0  }
0x24: {  	s3 =	sadd.s32 $0x88, s3;
	s6 =	simm.s32 @!p1 $0x1082;
	[sflag:s4] =	ssyncset.s32 $0xFFFFF086  }
0x25: {  	[simem:s6], [sflag:s4] =	dma.local [hbm:s3], $0xF7A  }
0x26: {  	[smem:$0x3F8C] =	sst s1;
	(tag) =	ssettag s2;
	_ =	strace s9  }
0x27: {  	s1 =	sld [smem:$0x3F9C]  }
0x28: {  	s2 =	sld [smem:$0x3F9D]  }
0x29: {  	s4 =	sld [smem:$0x3F9F]  }
0x2a: {  	p0 =	seq.s32 s5, $0x0;
	s5 =	sld [smem:$0x3FA0]  }
0x2b: {  	s6 =	sld [smem:$0x3FA1]  }
0x2c: {  	s7 =	sld [smem:$0x3FA2]  }
0x2d: {  	s3 =	simm.s32 $0x108;
	s8 =	sld [smem:$0x3FA3]  }
0x2e: {  	s3 =	simm.s32 @!p0 $0x1082;
	s9 =	sld [smem:$0x3FA4]  }
0x2f: {  	lr =	sadd.s32 s0, s3;
	s0 =	sld [smem:$0x3F9B]  }
0x30: {  	s3 =	sld [smem:$0x3F9E]  }
0x31: {  	[smem:$0x3FA7] =	sst s10  }
0x32: {  	s10 =	sld [smem:$0x3FA5];
	_ =	sdelay $0x3  }
0x33: {  	p0 =	seq.s32 s10, $0x1;
	s10 =	sld [smem:$0x3FA7];
	_ =	sdelay $0x3  }
0x34: {  	[smem:$0x3FA7] =	sst s10  }
0x35: {  	s10 =	sld [smem:$0x3FA6];
	_ =	sdelay $0x3  }
0x36: {  	p1 =	seq.s32 s10, $0x1;
	s10 =	sld [smem:$0x3FA7];
	_ =	sdelay $0x3  }
0x37: {  	[smem:$0x3FA7] =	sst s10  }
0x38: {  	s10 =	sld [smem:$0x3FA8]  }
0x39: {  	_ = 	snop;
	(pc) =	sbr.ind lr, $3  }
0x3a: {  	_ = 	snop  }
0x3b: {  	_ = 	snop  }
0x3c: {  	p2 =	seq.s32 s10, $0x1;
	s10 =	sld [smem:$0x3FA7]  }
0x3d: {  	_ =	shalt  }
0x3e: {  	_ =	shalt  }
0x3f: {  	_ =	shalt  }
0x40: {  	_ =	shalt  }
0x41: {  	_ =	shalt  }
0x42: {  	_ =	shalt  }
0x43: {  	_ =	shalt  }
0x44: {  	_ =	shalt  }
0x45: {  	_ =	shalt  }
0x46: {  	_ =	shalt  }
0x47: {  	_ =	shalt  }
0x48: {  	_ =	shalt  }
0x49: {  	_ =	shalt  }
0x4a: {  	_ =	shalt  }
0x4b: {  	_ =	shalt  }
0x4c: {  	_ =	shalt  }
0x4d: {  	_ =	shalt  }
0x4e: {  	_ =	shalt  }
0x4f: {  	_ =	shalt  }
0x50: {  	_ =	shalt  }
0x51: {  	_ =	shalt  }
0x52: {  	_ =	shalt  }
0x53: {  	_ =	shalt  }
0x54: {  	_ =	shalt  }
0x55: {  	_ =	shalt  }
0x56: {  	_ =	shalt  }
0x57: {  	_ =	shalt  }
0x58: {  	_ =	shalt  }
0x59: {  	_ =	shalt  }
0x5a: {  	_ =	shalt  }
0x5b: {  	_ =	shalt  }
0x5c: {  	_ =	shalt  }
0x5d: {  	_ =	shalt  }
0x5e: {  	_ =	shalt  }
0x5f: {  	_ =	shalt  }
0x60: {  	_ =	shalt  }
0x61: {  	_ =	shalt  }
0x62: {  	_ =	shalt  }
0x63: {  	_ =	shalt  }
0x64: {  	_ =	shalt  }
0x65: {  	_ =	shalt  }
0x66: {  	_ =	shalt  }
0x67: {  	_ =	shalt  }
0x68: {  	_ =	shalt  }
0x69: {  	_ =	shalt  }
0x6a: {  	_ =	shalt  }
0x6b: {  	_ =	shalt  }
0x6c: {  	_ =	shalt  }
0x6d: {  	_ =	shalt  }
0x6e: {  	_ =	shalt  }
0x6f: {  	_ =	shalt  }
0x70: {  	_ =	shalt  }
0x71: {  	_ =	shalt  }
0x72: {  	_ =	shalt  }
0x73: {  	_ =	shalt  }
0x74: {  	_ =	shalt  }
0x75: {  	_ =	shalt  }
0x76: {  	_ =	shalt  }
0x77: {  	_ =	shalt  }
0x78: {  	_ =	shalt  }
0x79: {  	_ =	shalt  }
0x7a: {  	_ =	shalt  }
0x7b: {  	_ =	shalt  }
0x7c: {  	_ =	shalt  }
0x7d: {  	_ =	shalt  }
0x7e: {  	_ =	shalt  }
0x7f: {  	_ =	shalt  }
0x80: {  	_ =	shalt  }
0x81: {  	_ =	shalt  }
0x82: {  	_ =	shalt  }
0x83: {  	_ =	shalt  }
0x84: {  	_ =	shalt  }
0x85: {  	_ =	shalt  }
0x86: {  	_ =	shalt  }
0x87: {  	_ =	shalt  }
.Lfunc_end0:
.L_simem_size_0:
called_computation_lowered:
.L_overlay_start_0:
0x88: {  	s2 =	sld [smem:$0x3FD9]  }
0x89: {  	s3 =	sld [smem:$0x3FFE];
	_ =	sdelay $0x1  }
0x8a: {  	s1 =	srdreg.scid  }
0x8b: {  	s0 =	sand.u32 $0x1, s1  }
0x8c: {  	s17 =	sshll.u32 s0, $0xA;
	s2 =	sadd.s32 s3, s2  }
0x8d: {  	s2 =	sadd.s32 s2, s17  }
0x8e: {  	[smem:$0x3FB3] =	sst s2  }
0x8f: {  	_ = 	snop  }
0x90: {  	s18 =	sld [smem:$0x3FD0];
	(tm) =	ssettm $0x1  }
0x91: {  	s19 =	sld [smem:$0x3FFB];
	_ =	sdelay $0x3  }
0x92: {  	_ =	strace s19  }
0x93: {  	s2 =	sld [smem:$0x3FFC];
	_ =	sdelay $0x3  }
0x94: {  	_ =	strace s2  }
0x95: {  	s2 =	sld [smem:$0x3FFD];
	_ =	sdelay $0x3  }
0x96: {  	_ =	strace s2  }
0x97: {  	_ =	strace $0x8FFFFFFF  }
0x98: {  	s20 =	sld [smem:$0x3FDB];
	_ =	sdelay $0x1  }
0x99: {  	s4 =	simm.s32 $_scs_section_size  }
0x9a: {  	s5 =	simm.s32 $_size__tile_overlayer_lowered;
	s6 =	simm.s32 $_tile_overlayer_lowered  }
0x9b: {  	s7 =	simm.s32 $0x1BFF;
	s21 =	sshll.u32 s6, $0x1;
	s4 =	sadd.s32 s4, s20  }
0x9c: {  	s22 =	simm.s32 $0x0;
	s5 =	sshll.u32 s5, $0x1;
	s6 =	sadd.s32 s21, s4  }
0x9d: {  	[timem:s22], [sflag:s7] =	dma.local [hbm:s6], s5  }
0x9e: {  	_ =	swait.ge [sflag:s7], s5  }
0x9f: {  	s5 =	ssub.s32 $0x0, s5;
	[sflag:s7] =	ssyncset.done $0x0  }
0xa0: {  	[sflag:s7] =	ssyncadd.s32 s5;
	_ =	sdelay $0x1  }
0xa1: {  	s23 =	simm.s32 $0x1B8B  }
0xa2: {  	_ =	swait.ge [sflag:s23], $0x1  }
0xa3: {  	[sflag:s23] =	ssyncset.done $0x0  }
0xa4: {  	[sflag:s23] =	ssyncadd.s32 $0xFFFFFFFF  }
0xa5: {  	s5 =	sld [smem:$0x0]  }
0xa6: {  	s6 =	sand.u32 $0xFFFFFFFE, s1  }
0xa7: {  	p0 =	sne.s32 s1, s6  }
0xa8: {  	s6 =	sshll.u32 @p0 s6, $0xE  }
0xa9: {  	s6 =	sadd.s32 @p0 $0x11B8D, s6;
	s7 =	sshll.u32 @p0 s5, $0x11  }
0xaa: {  	s6 =	sor.u32 @p0 s7, s6  }
0xab: {  	[sflag:s6] =	ssyncadd.remote.s32 @p0 $0x1;
	_ =	sdelay $0x1  }
0xac: {  	s6 =	simm.s32 @p0 $0x1B8D  }
0xad: {  	_ =	swait.eq @p0 [sflag:s6], $0x1  }
0xae: {  	[sflag:s6] =	ssyncadd.s32 @p0 $0xFFFFFFFF  }
0xaf: {  	s7 =	sshll.u32 @!p0 s1, $0xE  }
0xb0: {  	s7 =	sor.u32 @!p0 $0x4000, s7;
	s6 =	simm.s32 @!p0 $0x1B8D  }
0xb1: {  	s5 =	sshll.u32 @!p0 s5, $0x11;
	s7 =	sadd.s32 @!p0 $0x11B8D, s7;
	_ =	swait.eq @!p0 [sflag:s6], $0x1  }
0xb2: {  	s5 =	sor.u32 @!p0 s5, s7;
	[sflag:s6] =	ssyncadd.s32 @!p0 $0xFFFFFFFF  }
0xb3: {  	s25 =	simm.s32 $0x1B8E;
	s24 =	sld [smem:$0x3FFE];
	[sflag:s5] =	ssyncadd.remote.s32 @!p0 $0x1  }
0xb4: {  	s26 =	simm.s32 $execute0_lowered;
	[smem:$0x3FD2] =	sst s25  }
0xb5: {  	s6 =	sshll.u32 s26, $0x1;
	_ =	strace $0x80000049;
	[dreg:$0x1] =	wrdreg $0xFFFFFFFF  }
0xb6: {  	s28 =	simm.s32 $_size_execute0_lowered;
	s4 =	sadd.s32 s4, s6;
	[dreg:$0x0] =	wrdreg $0x0  }
0xb7: {  	s6 =	sshll.u32 s28, $0x1;
	[dreg:$0x2] =	wrdreg s4  }
0xb8: {  	[dreg:$0x3] =	wrdreg s6  }
0xb9: {  	[dreg:$0x4] =	wrdreg $0xC0  }
0xba: {  	_ =	task [dreg:s22], $0x5FFFF  }
0xbb: {  	[dreg:$0x1] =	wrdreg $0xFFFFFFFF  }
0xbc: {  	[dreg:$0x0] =	wrdreg $0x60  }
0xbd: {  	[dreg:$0x2] =	wrdreg s24  }
0xbe: {  	[dreg:$0x3] =	wrdreg s18  }
0xbf: {  	[dreg:$0x4] =	wrdreg $0x44800  }
0xc0: {  	[dreg:$0x5] =	wrdreg $0x9  }
0xc1: {  	_ =	task.clear_ibuf [dreg:s22], $0x6FFFF;
	_ =	strace $0x90000049  }
0xc2: {  	s29 =	simm.s32 $0x9;
	_ =	strace $0x8000004B  }
0xc3: {  	_ =	swait.ge [sflag:s29], $0x1  }
0xc4: {  	[sflag:s29] =	ssyncadd.s32 $0xFFFFFFFF  }
0xc5: {  	_ =	strace $0x9000004B  }
0xc6: {  	_ =	sfence  }
0xc7: {  	s30 =	sld [smem:$0x0];
	_ =	sdelay $0x2  }
0xc8: {  	s31 =	sshll.u32 s1, $0xD;
	s1 =	sshrl.u32 s1, $0x2  }
0xc9: {  	s4 =	sand.u32 $0x4000, s31;
	s1 =	sadd.s32 s1, s30  }
0xca: {  	s0 =	sor.u32 s4, s0;
	s1 =	sshll.u32 s1, $0x11  }
0xcb: {  	s0 =	sor.u32 s1, s0  }
0xcc: {  	s0 =	sadd.s32 $0x8F2B, s0  }
0xcd: {  	[sflag:s0] =	ssyncadd.remote.s32 $0x1  }
0xce: {  	_ =	sfence.sel $0xFFFF  }
0xcf: {  	[dreg:$0x0] =	wrdreg $0xFFFFFFFF;
	(pc) =	sbr.abs _section_cstart, $3  }
0xd0: {  	[dreg:$0x1] =	wrdreg $0xFFFFFFFF  }
0xd1: {  	_ =	task.clear_ibuf [dreg:s22], $0x2FFFF;
	_ =	strace $0x9FFFFFFF  }
0xd2: {  	(tm) =	ssettm $0x7FFFFFFF  }
0xd3: {  	_ =	shalt  }
tec
execute0_lowered:
.L_overlay_start_1:
0x0: {  	(tag) =	ssettag $0x1  }
0x1: {  	s6 =	rddreg [dreg:$0x0]  }
0x2: {  	s0 =	srdreg.scid;
	s2 =	rddreg [dreg:$0x1]  }
0x3: {  	s3 =	rddreg [dreg:$0x2];
	s5 =	sand.u32 $0x1, s0;
	s0 =	stileid.u32  }
0x4: {  	s13 =	simm.s32 $0x400;
	s14 =	simm.s32 $0x2880;
	s28 =	smul.u32 $0x13C00, s0  }
0x5: {  	s15 =	simm.s32 $0x38;
	s16 =	simm.s32 $0x0;
	s9 =	smul.u32 $0x13C000, s5  }
0x6: {  	s1 =	sshll.u32 s5, $0x4;
	s4 =	sshll.u32 s0, $0x7;
	s29 =	smul.u32 $0x4F000, s0  }
0x7: {  	s5 =	ssub.s32 $0x2, s5;
	s31 =	sshll.u32 s0, $0x6;
	s1 =	sor.u32 s0, s1  }
0x8: {  	s8 =	sand.u32 $0x380, s4;
	s4 =	simm.s32 $0x0;
	s30 =	sshrl.u32 s5, $0x1  }
0x9: {  	s1 =	sshrl.u32 s1, $0x3;
	[smem:$0x7FF] =	sst s4;
	s10 =	sshrl.u32 s28, $0x3  }
0xa: {  	s11 =	ssub.s32 s5, s30;
	s7 =	smul.u32 $0x14400, s1;
	s10 =	sadd.s32 s10, s6  }
0xb: {  	s1 =	rddreg [dreg:$0x3];
	_ =	strace $0x8000004A;
	s5 =	sadd.s32 $0x18C00, s10  }
0xc: {  	s7 =	sor.u32 s8, s7;
	s8 =	sadd.s32 s28, s9;
	s9 =	sshrl.u32 s29, $0x2  }
0xd: {  	s7 =	sshrl.u32 s7, $0x3;
	s8 =	sshrl.u32 s8, $0x3;
	s12 =	sadd.s32 s9, s3  }
0xe: {  	s9 =	smax.u32 s11, $0x1;
	s11 =	simm.s32 $0x1;
	s7 =	sadd.s32 s7, s6  }
0xf: {  	s8 =	sadd.s32 s8, s6;
	s6 =	sor.u32 $0x1C01, s31;
	s10 =	sshrl.u32 s12, $0x3  }
0x10: {  	s12 =	simm.s32 $0x80;
	s7 =	sadd.s32 $0x4800, s7;
	s8 =	sadd.s32 $0x8F400, s8  }
.LBB2_1:
0x11: {  	[spmem:s10], [sflag:s6] =	dma.local [hbm:s5], $0x2780  }
0x12: {  	_ =	swait.ge [sflag:s11], $0x2780  }
0x13: {  	[sflag:s11] =	ssyncset.done $0x0  }
0x14: {  	[sflag:s11] =	ssyncadd.s32 $0xFFFFD880  }
0x15: {  	[tilespmem:s4], [sflag:$0x1] =	stream.strided.gather [hbm4b:s7+s12], $0x2880, s13, s12, $0x38;
	[tilespmem:$0x18080] =	vst v63  }
0x16: {  	_ =	swait.ge [sflag:s11], $0x2880  }
0x17: {  	[sflag:s11] =	ssyncset.done $0x0  }
0x18: {  	[sflag:s11] =	ssyncadd.s32 $0xFFFFD780  }
0x19: {  	[tilespmem:s14], [sflag:$0x1] =	stream.linear.gather [hbm4b:s2+s4], $0x1C00, $0x38;
	[tilespmem:$0x18080] =	vst v63  }
0x1a: {  	_ =	swait.ge [sflag:s11], $0x1C00  }
0x1b: {  	[sflag:s11] =	ssyncset.done $0x0  }
0x1c: {  	[sflag:s11] =	ssyncadd.s32 $0xFFFFE400  }
0x1d: {  	s17 =	simm.s32 $0x0;
	[bflag:$0x0] =	sbarrier.arrive $0xFFFF  }
0x1e: {  	[spmem:s3] =	stream.indirect.scatter.add.f32 [tilespmem:s14], [sflag:$0x1], $0x80, s17, s15, $0xb8;
	[tilespmem:$0x18080] =	vst v63  }
0x1f: {  	_ =	swait.ge [sflag:s11], $0x1C00  }
0x20: {  	s17 =	simm.s32 $0xE0;
	[sflag:s11] =	ssyncset.done $0x0  }
.LBB2_2:
0x21: {  	s18 =	sshra.s32 s17, $0x2;
	[sflag:s11] =	ssyncadd.s32 $0xFFFFE400;
	p0 =	sne.s32 s17, $0xA020  }
0x22: {  	[spmem:s3] =	stream.indirect.scatter.add.f32 [tilespmem:s14], [sflag:$0x1], $0x80, s18, s15, $0xb8;
	[tilespmem:$0x18080] =	vst v63  }
.Ltmp0:
0x23: {  	_ = 	snop;
	(pc) =	sbr.rel @p0 .LBB2_2-.Ltmp0, $4  }
0x24: {  	_ = 	snop  }
0x25: {  	s17 =	sadd.s32 $0xE0, s17  }
0x26: {  	_ =	swait.ge [sflag:s11], $0x1C00  }
0x27: {  	[sflag:s11] =	ssyncset.done $0x0  }
0x28: {  	s16 =	sadd.s32 $0x1, s16  }
0x29: {  	[sflag:s11] =	ssyncadd.s32 $0xFFFFE400;
	p0 =	sne.s32 s16, s9  }
.Ltmp1:
0x2a: {  	[bflag:$0x0] =	sbarrier.arrive $0xFFFF;
	(pc) =	sbr.rel @p0 .LBB2_1-.Ltmp1, $4  }
0x2b: {  	[hbm:s8], [sflag:s6] =	dma.local [spmem:s10], $0x2780  }
0x2c: {  	_ =	swait.ge [sflag:s11], $0x2780  }
0x2d: {  	[sflag:s11] =	ssyncset.done $0x0  }
0x2e: {  	[sflag:s11] =	ssyncadd.s32 $0xFFFFD880  }
0x2f: {  	_ =	sfence.sel $0x180000  }
0x30: {  	[bflag:$0x0] =	sbarrier.arrive $0xFFFF  }
0x31: {  	p0 =	sne.s32 s0, $0x0;
	_ =	strace $0x9000004A  }
0x32: {  	s0 =	sadd.s32 @!p0 $0x100000, s1;
	[bflag:$0x2] =	sbarrier.arrive $0xFFFF  }
0x33: {  	[sflag:s0] =	ssyncadd.tile.s32 @!p0 $0x1;
	_ =	shalt  }
.Lfunc_end2:
_tile_overlayer_lowered:
.L_overlay_start_2:
0x34: {  	(tag) =	ssettag $0x2  }
0x35: {  	s0 =	rddreg [dreg:$0x0];
	s2 =	stileid.u32  }
0x36: {  	s1 =	rddreg [dreg:$0x1];
	p0 =	sne.s32 s2, $0x0  }
0x37: {  	s3 =	rddreg [dreg:$0x2];
	[bflag:$0x3] =	sbarrier.arrive $0xFFFF;
	s2 =	simm.s32 @!p0 $0x1C01  }
0x38: {  	[timem:s3], [sflag:s2] =	dma.local @!p0 [hbm:s0], s1  }
0x39: {  	s0 =	simm.s32 @!p0 $0x1  }
0x3a: {  	_ =	swait.ge @!p0 [sflag:s0], s1  }
0x3b: {  	s1 =	ssub.s32 @!p0 $0x0, s1;
	[sflag:s0] =	ssyncset.done @!p0 $0x0  }
0x3c: {  	[sflag:s0] =	ssyncadd.s32 @!p0 s1  }
0x3d: {  	[bflag:$0x3] =	sbarrier.arrive $0xFFFF  }
0x3e: {  	_ =	shalt  }

</sc_bundles>
